<compile_context>
chip_gen: v7x
topology: tpu7x:2x2x1
jax: 0.10.2.dev20260603
libtpu: 0.0.44.dev20260713+nightly
codegen_flags: <defaults>
</compile_context>

<pallas_src>
import functools

import jax
import jax.numpy as jnp
from jax import lax
from jax.experimental import pallas as pl
from jax.experimental.pallas import tpu as pltpu
from jax.experimental.pallas import tpu_sc as plsc

N = 10000
E = 320000
D = 128
NC = 2
NS = 16
NW = NC * NS
B = 128
T = 80
EP = NW * T * B
EPW = T * B
NPAD = 10112
NTRASH = NPAD - N
RPS = NPAD // NS

_mesh = plsc.VectorSubcoreMesh(
    core_axis_name="c", subcore_axis_name="s", num_cores=NC, num_subcores=NS
)




@functools.partial(
    pl.kernel,
    out_type=jax.ShapeDtypeStruct((NC, NPAD, D), jnp.float32),
    mesh=_mesh,
    scratch_types=[
        pltpu.VMEM((2, B), jnp.int32),
        pltpu.VMEM((2, B), jnp.int32),
        pltpu.VMEM((B, D), jnp.float32),
        pltpu.VMEM((B, D), jnp.float32),
        pltpu.VMEM_SHARED((NPAD, D), jnp.float32),
        pltpu.SemaphoreType.DMA,
    ],
)
def _agg_sc(y_hbm, sd_hbm, zeros_hbm, out_hbm,
            i0v, i1v, r0, r1, acc_sh, sem):
    cid = lax.axis_index("c")
    sid = lax.axis_index("s")
    wid = sid * NC + cid
    pltpu.sync_copy(
        zeros_hbm.at[pl.ds(sid * RPS, RPS)], acc_sh.at[pl.ds(sid * RPS, RPS)]
    )
    plsc.subcore_barrier()

    def gwait(buf):
        pltpu.make_async_copy(y_hbm.at[i0v.at[0]], buf, sem).wait()

    bb = wid * T
    pltpu.sync_copy(sd_hbm.at[bb], i0v)
    pltpu.async_copy(y_hbm.at[i0v.at[0]], r0, sem)

    def body(j, _):
        b0 = bb + 2 * j
        b1 = b0 + 1
        pltpu.sync_copy(sd_hbm.at[b1], i1v)
        pltpu.async_copy(y_hbm.at[i1v.at[0]], r1, sem)
        gwait(r0)
        pltpu.sync_copy(r0, acc_sh.at[i0v.at[1]], add=True)
        pltpu.sync_copy(sd_hbm.at[b1 + 1], i0v)
        pltpu.async_copy(y_hbm.at[i0v.at[0]], r0, sem)
        gwait(r1)
        pltpu.sync_copy(r1, acc_sh.at[i1v.at[1]], add=True)
        return 0

    lax.fori_loop(0, T // 2, body, 0)
    gwait(r0)
    plsc.subcore_barrier()
    pltpu.sync_copy(
        acc_sh.at[pl.ds(sid * RPS, RPS)],
        out_hbm.at[cid, pl.ds(sid * RPS, RPS)],
    )



R = 2000
G = N // R


def _dis_of(dpb):
    deg = 1.0 + dpb[0, :, 0:1] + dpb[1, :, 0:1]
    return lax.rsqrt(deg)


def _stage_a_body(f_b, wf_b, c_b, wc_b, bf_b, bc_b, dp_b,
                  yf_b, yc_b, sf_b, sc_b):
    dis = _dis_of(dp_b[...])
    xwf = jnp.dot(f_b[...], wf_b[...], preferred_element_type=jnp.float32)
    xwc = jnp.dot(c_b[...], wc_b[...], preferred_element_type=jnp.float32)
    yf_b[...] = dis * xwf
    yc_b[...] = dis * xwc
    sf_b[...] = dis * dis * xwf + bf_b[...]
    sc_b[...] = dis * dis * xwc + bc_b[...]


def _stage_b_body(af_b, ac_b, sf_b, sc_b, wh1_b, wh2_b, bh_b, dp_b,
                  yh_b, sh_b):
    dis = _dis_of(dp_b[...])
    f2h = jnp.tanh(dis * (af_b[0] + af_b[1]) + sf_b[...])
    c2h = jnp.tanh(dis * (ac_b[0] + ac_b[1]) + sc_b[...])
    xwh = (jnp.dot(f2h, wh1_b[...], preferred_element_type=jnp.float32)
           + jnp.dot(c2h, wh2_b[...], preferred_element_type=jnp.float32))
    yh_b[...] = dis * xwh
    sh_b[...] = dis * dis * xwh + bh_b[...]


def _stage_c_body(ah_b, sh_b, wmv_b, bmv_b, dp_b, ymv_b, smv_b):
    dis = _dis_of(dp_b[...])
    h = jnp.tanh(dis * (ah_b[0] + ah_b[1]) + sh_b[...])
    xwmv = jnp.dot(h, wmv_b[...], preferred_element_type=jnp.float32)
    ymv_b[...] = dis * xwmv
    smv_b[...] = dis * dis * xwmv + bmv_b[...]


def _stage_d_body(amv_b, smv_b, dp_b, noise_b, z_b, mean_b, logvar_b):
    dis = _dis_of(dp_b[...])
    mv = dis * (amv_b[0] + amv_b[1]) + smv_b[...]
    mean = mv[:, :64]
    logvar = mv[:, 64:]
    mean_b[...] = mean
    logvar_b[...] = logvar
    z_b[...] = noise_b[...] * jnp.exp(0.5 * logvar) + mean


def _rows(w):
    return pl.BlockSpec((R, w), lambda i: (i, 0))


def _full(a, b):
    return pl.BlockSpec((a, b), lambda i: (0, 0))


_DP = pl.BlockSpec((NC, R, D), lambda i: (0, i, 0))
_AGG = pl.BlockSpec((NC, R, D), lambda i: (0, i, 0))


def _mk(body, in_specs, n_out, w_out=D):
    outs = [jax.ShapeDtypeStruct((N, w), jnp.float32)
            for w in (w_out if isinstance(w_out, (list, tuple))
                      else [w_out] * n_out)]
    return pl.pallas_call(
        body,
        grid=(G,),
        in_specs=in_specs,
        out_specs=[_rows(o.shape[1]) for o in outs],
        out_shape=outs,
    )




def kernel(feature, condition, edge_index, W_f, b_f, W_c, b_c,
           W_h, b_h, W_m, b_m, W_v, b_v):
    src = edge_index[0].astype(jnp.int32)
    dst = edge_index[1].astype(jnp.int32)
    pad = EP - E
    src_p = jnp.concatenate([src, jnp.arange(pad + B, dtype=jnp.int32) % N])
    trash = N + (jnp.arange(pad + B, dtype=jnp.int32) % NTRASH)
    dst_p = jnp.concatenate([dst, trash])
    sd_p = jnp.stack([src_p.reshape(-1, B), dst_p.reshape(-1, B)], axis=1)
    dd_p = jnp.stack([dst_p.reshape(-1, B), dst_p.reshape(-1, B)], axis=1)

    zeros_d = jnp.zeros((NPAD, D), jnp.float32)
    ones_t = jnp.ones((NPAD, D), jnp.float32)
    noise = jax.random.normal(jax.random.key(42), (N, 64), dtype=jnp.float32)

    bf = b_f.reshape(1, D)
    bc = b_c.reshape(1, D)
    bh = b_h.reshape(1, D)
    bmv = jnp.concatenate([b_m, b_v]).reshape(1, D)
    wh1 = W_h[:D]
    wh2 = W_h[D:]
    wmv = jnp.concatenate([W_m, W_v], axis=1)

    dp = _agg_sc(ones_t, dd_p, zeros_d)

    y_f, y_c, s_f, s_c = _mk(
        _stage_a_body,
        [_rows(128), _full(128, D), _rows(16), _full(16, D),
         _full(1, D), _full(1, D), _DP],
        4,
    )(feature, W_f, condition, W_c, bf, bc, dp)

    a_f = _agg_sc(y_f, sd_p, zeros_d)
    a_c = _agg_sc(y_c, sd_p, zeros_d)

    y_h, s_h = _mk(
        _stage_b_body,
        [_AGG, _AGG, _rows(D), _rows(D), _full(D, D), _full(D, D),
         _full(1, D), _DP],
        2,
    )(a_f, a_c, s_f, s_c, wh1, wh2, bh, dp)

    a_h = _agg_sc(y_h, sd_p, zeros_d)

    y_mv, s_mv = _mk(
        _stage_c_body,
        [_AGG, _rows(D), _full(D, D), _full(1, D), _DP],
        2,
    )(a_h, s_h, wmv, bmv, dp)

    a_mv = _agg_sc(y_mv, sd_p, zeros_d)

    z, mean, logvar = _mk(
        _stage_d_body,
        [_AGG, _rows(D), _DP, _rows(64)],
        3, [64, 64, 64],
    )(a_mv, s_mv, dp, noise)

    return (z, mean, logvar)

# --- scband reference (transcript-rebuilt; emitter-appended) ---
"""Pipeline reference for scband-separate-hidden-gcvaeencoder-16286515987223 (READ-ONLY COPY).

The authoritative reference and input builder live on the scoring server;
editing this copy changes nothing except your own understanding.
"""

import jax, jax.numpy as jnp
import numpy as np

N_NODES = 10000


def gcn_conv(x, edge_index, W, b):
    # PyG GCNConv with add_self_loops=True, symmetric normalization
    n = x.shape[0]
    loop = jnp.arange(n, dtype=edge_index.dtype)
    src = jnp.concatenate([edge_index[0], loop])
    dst = jnp.concatenate([edge_index[1], loop])
    xw = x @ W
    ones = jnp.ones(src.shape[0], dtype=x.dtype)
    deg = jax.ops.segment_sum(ones, dst, num_segments=n)
    deg_inv_sqrt = jnp.where(deg > 0, deg ** -0.5, 0.0)
    norm = deg_inv_sqrt[src] * deg_inv_sqrt[dst]
    msgs = xw[src] * norm[:, None]
    out = jax.ops.segment_sum(msgs, dst, num_segments=n)
    return out + b


def setup_inputs(seed: int = 0) -> dict:
    key = jax.random.key(seed)
    ks = jax.random.split(key, 16)
    feature_dim, condition_dim, hidden_dim, latent_dim = 128, 16, 128, 64
    feature = jax.random.normal(ks[0], (N_NODES, feature_dim), dtype=jnp.float32)
    condition = jax.random.normal(ks[1], (N_NODES, condition_dim), dtype=jnp.float32)
    edge_index = jax.random.randint(ks[2], (2, 320000), 0, N_NODES, dtype=jnp.int64)
    def glorot(k, fan_in, fan_out):
        s = (6.0 / (fan_in + fan_out)) ** 0.5
        return jax.random.uniform(k, (fan_in, fan_out), dtype=jnp.float32, minval=-s, maxval=s)
    return {
        'feature': feature,
        'condition': condition,
        'edge_index': edge_index,
        'W_f': glorot(ks[3], feature_dim, hidden_dim), 'b_f': jnp.zeros((hidden_dim,), jnp.float32),
        'W_c': glorot(ks[4], condition_dim, hidden_dim), 'b_c': jnp.zeros((hidden_dim,), jnp.float32),
        'W_h': glorot(ks[5], 2 * hidden_dim, hidden_dim), 'b_h': jnp.zeros((hidden_dim,), jnp.float32),
        'W_m': glorot(ks[6], hidden_dim, latent_dim), 'b_m': jnp.zeros((latent_dim,), jnp.float32),
        'W_v': glorot(ks[7], hidden_dim, latent_dim), 'b_v': jnp.zeros((latent_dim,), jnp.float32),
    }


def reference(feature, condition, edge_index, W_f, b_f, W_c, b_c, W_h, b_h, W_m, b_m, W_v, b_v):
    f2h = jnp.tanh(gcn_conv(feature, edge_index, W_f, b_f))
    c2h = jnp.tanh(gcn_conv(condition, edge_index, W_c, b_c))
    h = jnp.concatenate([f2h, c2h], axis=1)
    h = jnp.tanh(gcn_conv(h, edge_index, W_h, b_h))
    mean = gcn_conv(h, edge_index, W_m, b_m)
    logvar = gcn_conv(h, edge_index, W_v, b_v)
    noise = jax.random.normal(jax.random.key(42), (feature.shape[0], logvar.shape[1]), dtype=feature.dtype)
    z = noise * jnp.exp(0.5 * logvar) + mean
    return (z, mean, logvar)

if __name__ == "__main__":
    import jax
    _d = setup_inputs()
    print(jax.jit(kernel)(*tuple(_d.values())))

</pallas_src>

<mosaic_0001>
#map = affine_map<(d0, d1) -> (0, 0)>
#map1 = affine_map<(d0, d1) -> (0, 0, 0)>
module attributes {stable_mosaic.version = 14 : i64} {
  func.func @_agg_sc(%arg0: i32, %arg1: i32, %arg2: memref<10000x128xf32, #tpu.memory_space<hbm>>, %arg3: memref<2561x2x128xi32, #tpu.memory_space<hbm>>, %arg4: memref<10112x128xf32, #tpu.memory_space<hbm>>, %arg5: memref<2x10112x128xf32, #tpu.memory_space<hbm>>, %arg6: memref<2x128xi32, #tpu.memory_space<vmem>>, %arg7: memref<2x128xi32, #tpu.memory_space<vmem>>, %arg8: memref<128x128xf32, #tpu.memory_space<vmem>>, %arg9: memref<128x128xf32, #tpu.memory_space<vmem>>, %arg10: memref<10112x128xf32, #tpu.memory_space<vmem_shared>>, %arg11: memref<!tpu.dma_semaphore, #tpu.memory_space<semaphore_mem>>) attributes {dimension_semantics = [#tpu.dimension_semantics<core_parallel>, #tpu.dimension_semantics<subcore_parallel>], iteration_bounds = array<i64: 2, 16>, scalar_prefetch = 0 : i64, scratch_operands = 6 : i64, tpu.core_type = #tpu.core_type<sc_vector_subcore>, window_params = [{transform_indices = #map}, {transform_indices = #map1}, {transform_indices = #map}, {transform_indices = #map1}]} {
    %mul3A = arith.constant 2 : i32
    %mul3A_0 = arith.muli %arg1, %mul3A : i32
    %add3A = arith.addi %mul3A_0, %arg0 : i32
    %mul3A_1 = arith.constant 632 : i32
    %mul3A_2 = arith.muli %arg1, %mul3A_1 : i32
    %mul3A_3 = arith.constant 632 : i32
    %mul3A_4 = arith.muli %arg1, %mul3A_3 : i32
    "tpu.region"() ({
      %run_scoped3A = tpu.sem_alloc : memref<!tpu.dma_semaphore, #tpu.memory_space<semaphore_mem>>
      %dma_start3A_30 = arith.constant 0 : i32
      %dma_start3A_31 = tpu.memref_slice %arg10[%mul3A_4, %dma_start3A_30] : memref<10112x128xf32, #tpu.memory_space<vmem_shared>> -> memref<632x128xf32, #tpu.memory_space<vmem_shared>>
      %dma_start3A_32 = arith.constant 0 : i32
      %dma_start3A_33 = tpu.memref_slice %arg4[%mul3A_2, %dma_start3A_32] : memref<10112x128xf32, #tpu.memory_space<hbm>> -> memref<632x128xf32, #tpu.memory_space<hbm>>
      tpu.enqueue_dma source(%dma_start3A_33 : memref<632x128xf32, #tpu.memory_space<hbm>>) target(%dma_start3A_31 : memref<632x128xf32, #tpu.memory_space<vmem_shared>>) target_semaphore(%run_scoped3A : memref<!tpu.dma_semaphore, #tpu.memory_space<semaphore_mem>>)
      %dma_wait3A_34 = arith.constant 0 : i32
      %dma_wait3A_35 = tpu.memref_slice %arg10[%mul3A_4, %dma_wait3A_34] : memref<10112x128xf32, #tpu.memory_space<vmem_shared>> -> memref<632x128xf32, #tpu.memory_space<vmem_shared>>
      %dma_wait3A_36 = arith.constant 0 : i32
      %dma_wait3A_37 = tpu.memref_slice %arg4[%mul3A_2, %dma_wait3A_36] : memref<10112x128xf32, #tpu.memory_space<hbm>> -> memref<632x128xf32, #tpu.memory_space<hbm>>
      tpu.wait_dma2 semaphore(%run_scoped3A : memref<!tpu.dma_semaphore, #tpu.memory_space<semaphore_mem>>) src(%dma_wait3A_37 : memref<632x128xf32, #tpu.memory_space<hbm>>) dst(%dma_wait3A_35 : memref<632x128xf32, #tpu.memory_space<vmem_shared>>)
      tpu.yield
    }) : () -> ()
    %barrier3A = arith.constant 0 : index
    tpu.barrier barrier_id(%barrier3A)
    %mul3A_5 = arith.constant 80 : i32
    %mul3A_6 = arith.muli %add3A, %mul3A_5 : i32
    "tpu.region"() ({
      %run_scoped3A = tpu.sem_alloc : memref<!tpu.dma_semaphore, #tpu.memory_space<semaphore_mem>>
      %dma_start3A_30 = arith.constant 0 : i32
      %dma_start3A_31 = arith.constant 0 : i32
      %dma_start3A_32 = tpu.memref_slice %arg3[%mul3A_6, %dma_start3A_30, %dma_start3A_31] : memref<2561x2x128xi32, #tpu.memory_space<hbm>> -> memref<1x2x128xi32, #tpu.memory_space<hbm>>
      %dma_start3A_33 = tpu.memref_squeeze %dma_start3A_32 : memref<1x2x128xi32, #tpu.memory_space<hbm>> -> memref<2x128xi32, #tpu.memory_space<hbm>>
      %dma_start3A_34 = arith.constant 0 : i32
      %dma_start3A_35 = arith.constant 0 : i32
      %dma_start3A_36 = tpu.memref_slice %arg3[%mul3A_6, %dma_start3A_34, %dma_start3A_35] : memref<2561x2x128xi32, #tpu.memory_space<hbm>> -> memref<1x2x128xi32, #tpu.memory_space<hbm>>
      %dma_start3A_37 = tpu.memref_squeeze %dma_start3A_36 : memref<1x2x128xi32, #tpu.memory_space<hbm>> -> memref<2x128xi32, #tpu.memory_space<hbm>>
      tpu.enqueue_dma source(%dma_start3A_37 : memref<2x128xi32, #tpu.memory_space<hbm>>) target(%arg6 : memref<2x128xi32, #tpu.memory_space<vmem>>) target_semaphore(%run_scoped3A : memref<!tpu.dma_semaphore, #tpu.memory_space<semaphore_mem>>)
      %dma_wait3A_38 = arith.constant 0 : i32
      %dma_wait3A_39 = arith.constant 0 : i32
      %dma_wait3A_40 = tpu.memref_slice %arg3[%mul3A_6, %dma_wait3A_38, %dma_wait3A_39] : memref<2561x2x128xi32, #tpu.memory_space<hbm>> -> memref<1x2x128xi32, #tpu.memory_space<hbm>>
      %dma_wait3A_41 = tpu.memref_squeeze %dma_wait3A_40 : memref<1x2x128xi32, #tpu.memory_space<hbm>> -> memref<2x128xi32, #tpu.memory_space<hbm>>
      %dma_wait3A_42 = arith.constant 0 : i32
      %dma_wait3A_43 = arith.constant 0 : i32
      %dma_wait3A_44 = tpu.memref_slice %arg3[%mul3A_6, %dma_wait3A_42, %dma_wait3A_43] : memref<2561x2x128xi32, #tpu.memory_space<hbm>> -> memref<1x2x128xi32, #tpu.memory_space<hbm>>
      %dma_wait3A_45 = tpu.memref_squeeze %dma_wait3A_44 : memref<1x2x128xi32, #tpu.memory_space<hbm>> -> memref<2x128xi32, #tpu.memory_space<hbm>>
      tpu.wait_dma2 semaphore(%run_scoped3A : memref<!tpu.dma_semaphore, #tpu.memory_space<semaphore_mem>>) src(%dma_wait3A_45 : memref<2x128xi32, #tpu.memory_space<hbm>>) dst(%arg6 : memref<2x128xi32, #tpu.memory_space<vmem>>)
      tpu.yield
    }) : () -> ()
    %dma_start3A = arith.constant 0 : i32
    %dma_start3A_7 = arith.constant 0 : i32
    %dma_start3A_8 = tpu.memref_slice %arg6[%dma_start3A, %dma_start3A_7] : memref<2x128xi32, #tpu.memory_space<vmem>> -> memref<1x128xi32, #tpu.memory_space<vmem>>
    %dma_start3A_9 = tpu.memref_squeeze %dma_start3A_8 : memref<1x128xi32, #tpu.memory_space<vmem>> -> memref<128xi32, #tpu.memory_space<vmem>>
    %dma_start3A_10 = arith.constant 0 : i32
    %dma_start3A_11 = arith.constant 0 : i32
    %dma_start3A_12 = tpu.memref_slice %arg2[%dma_start3A_10, %dma_start3A_11] : memref<10000x128xf32, #tpu.memory_space<hbm>> -> memref<10000x128xf32, #tpu.memory_space<hbm>>
    tpu.enqueue_indirect_dma source(%dma_start3A_12 : memref<10000x128xf32, #tpu.memory_space<hbm>>) target(%arg8 : memref<128x128xf32, #tpu.memory_space<vmem>>) offsets(%dma_start3A_9 : memref<128xi32, #tpu.memory_space<vmem>>) semaphore(%arg11 : memref<!tpu.dma_semaphore, #tpu.memory_space<semaphore_mem>>)
    %scan3A = arith.constant 0 : i32
    %scan3A_13 = arith.constant 0 : i32
    %scan3A_14 = arith.constant 40 : i32
    %scan3A_15 = arith.addi %scan3A_13, %scan3A_14 : i32
    %scan3A_16 = arith.constant 1 : i32
    %scan3A_17 = scf.for %scan3A_30 = %scan3A_13 to %scan3A_15 step %scan3A_16 iter_args(%scan3A_31 = %scan3A) -> (i32)  : i32 {
      %mul3A_32 = arith.constant 2 : i32
      %mul3A_33 = arith.muli %mul3A_32, %scan3A_30 : i32
      %add3A_34 = arith.addi %mul3A_6, %mul3A_33 : i32
      %add3A_35 = arith.constant 1 : i32
      %add3A_36 = arith.addi %add3A_34, %add3A_35 : i32
      "tpu.region"() ({
        %run_scoped3A_69 = tpu.sem_alloc : memref<!tpu.dma_semaphore, #tpu.memory_space<semaphore_mem>>
        %dma_start3A_70 = arith.constant 0 : i32
        %dma_start3A_71 = arith.constant 0 : i32
        %dma_start3A_72 = tpu.memref_slice %arg3[%add3A_36, %dma_start3A_70, %dma_start3A_71] : memref<2561x2x128xi32, #tpu.memory_space<hbm>> -> memref<1x2x128xi32, #tpu.memory_space<hbm>>
        %dma_start3A_73 = tpu.memref_squeeze %dma_start3A_72 : memref<1x2x128xi32, #tpu.memory_space<hbm>> -> memref<2x128xi32, #tpu.memory_space<hbm>>
        %dma_start3A_74 = arith.constant 0 : i32
        %dma_start3A_75 = arith.constant 0 : i32
        %dma_start3A_76 = tpu.memref_slice %arg3[%add3A_36, %dma_start3A_74, %dma_start3A_75] : memref<2561x2x128xi32, #tpu.memory_space<hbm>> -> memref<1x2x128xi32, #tpu.memory_space<hbm>>
        %dma_start3A_77 = tpu.memref_squeeze %dma_start3A_76 : memref<1x2x128xi32, #tpu.memory_space<hbm>> -> memref<2x128xi32, #tpu.memory_space<hbm>>
        tpu.enqueue_dma source(%dma_start3A_77 : memref<2x128xi32, #tpu.memory_space<hbm>>) target(%arg7 : memref<2x128xi32, #tpu.memory_space<vmem>>) target_semaphore(%run_scoped3A_69 : memref<!tpu.dma_semaphore, #tpu.memory_space<semaphore_mem>>)
        %dma_wait3A_78 = arith.constant 0 : i32
        %dma_wait3A_79 = arith.constant 0 : i32
        %dma_wait3A_80 = tpu.memref_slice %arg3[%add3A_36, %dma_wait3A_78, %dma_wait3A_79] : memref<2561x2x128xi32, #tpu.memory_space<hbm>> -> memref<1x2x128xi32, #tpu.memory_space<hbm>>
        %dma_wait3A_81 = tpu.memref_squeeze %dma_wait3A_80 : memref<1x2x128xi32, #tpu.memory_space<hbm>> -> memref<2x128xi32, #tpu.memory_space<hbm>>
        %dma_wait3A_82 = arith.constant 0 : i32
        %dma_wait3A_83 = arith.constant 0 : i32
        %dma_wait3A_84 = tpu.memref_slice %arg3[%add3A_36, %dma_wait3A_82, %dma_wait3A_83] : memref<2561x2x128xi32, #tpu.memory_space<hbm>> -> memref<1x2x128xi32, #tpu.memory_space<hbm>>
        %dma_wait3A_85 = tpu.memref_squeeze %dma_wait3A_84 : memref<1x2x128xi32, #tpu.memory_space<hbm>> -> memref<2x128xi32, #tpu.memory_space<hbm>>
        tpu.wait_dma2 semaphore(%run_scoped3A_69 : memref<!tpu.dma_semaphore, #tpu.memory_space<semaphore_mem>>) src(%dma_wait3A_85 : memref<2x128xi32, #tpu.memory_space<hbm>>) dst(%arg7 : memref<2x128xi32, #tpu.memory_space<vmem>>)
        tpu.yield
      }) : () -> ()
      %dma_start3A_37 = arith.constant 0 : i32
      %dma_start3A_38 = arith.constant 0 : i32
      %dma_start3A_39 = tpu.memref_slice %arg7[%dma_start3A_37, %dma_start3A_38] : memref<2x128xi32, #tpu.memory_space<vmem>> -> memref<1x128xi32, #tpu.memory_space<vmem>>
      %dma_start3A_40 = tpu.memref_squeeze %dma_start3A_39 : memref<1x128xi32, #tpu.memory_space<vmem>> -> memref<128xi32, #tpu.memory_space<vmem>>
      %dma_start3A_41 = arith.constant 0 : i32
      %dma_start3A_42 = arith.constant 0 : i32
      %dma_start3A_43 = tpu.memref_slice %arg2[%dma_start3A_41, %dma_start3A_42] : memref<10000x128xf32, #tpu.memory_space<hbm>> -> memref<10000x128xf32, #tpu.memory_space<hbm>>
      tpu.enqueue_indirect_dma source(%dma_start3A_43 : memref<10000x128xf32, #tpu.memory_space<hbm>>) target(%arg9 : memref<128x128xf32, #tpu.memory_space<vmem>>) offsets(%dma_start3A_40 : memref<128xi32, #tpu.memory_space<vmem>>) semaphore(%arg11 : memref<!tpu.dma_semaphore, #tpu.memory_space<semaphore_mem>>)
      %dma_wait3A_44 = arith.constant 0 : i32
      %dma_wait3A_45 = arith.constant 0 : i32
      %dma_wait3A_46 = tpu.memref_slice %arg6[%dma_wait3A_44, %dma_wait3A_45] : memref<2x128xi32, #tpu.memory_space<vmem>> -> memref<1x128xi32, #tpu.memory_space<vmem>>
      %dma_wait3A_47 = tpu.memref_squeeze %dma_wait3A_46 : memref<1x128xi32, #tpu.memory_space<vmem>> -> memref<128xi32, #tpu.memory_space<vmem>>
      %dma_wait3A_48 = arith.constant 0 : i32
      %dma_wait3A_49 = arith.constant 0 : i32
      %dma_wait3A_50 = tpu.memref_slice %arg2[%dma_wait3A_48, %dma_wait3A_49] : memref<10000x128xf32, #tpu.memory_space<hbm>> -> memref<10000x128xf32, #tpu.memory_space<hbm>>
      tpu.wait_indirect_dma semaphore(%arg11 : memref<!tpu.dma_semaphore, #tpu.memory_space<semaphore_mem>>) src(%dma_wait3A_50 : memref<10000x128xf32, #tpu.memory_space<hbm>>) dst(%arg8 : memref<128x128xf32, #tpu.memory_space<vmem>>)
      %run_scoped3A = arith.constant 1 : i32
      "tpu.region"() ({
        %run_scoped3A_69 = tpu.sem_alloc : memref<!tpu.dma_semaphore, #tpu.memory_space<semaphore_mem>>
        %dma_start3A_70 = arith.constant 0 : i32
        %dma_start3A_71 = tpu.memref_slice %arg6[%run_scoped3A, %dma_start3A_70] : memref<2x128xi32, #tpu.memory_space<vmem>> -> memref<1x128xi32, #tpu.memory_space<vmem>>
        %dma_start3A_72 = tpu.memref_squeeze %dma_start3A_71 : memref<1x128xi32, #tpu.memory_space<vmem>> -> memref<128xi32, #tpu.memory_space<vmem>>
        %dma_start3A_73 = arith.constant 0 : i32
        %dma_start3A_74 = arith.constant 0 : i32
        %dma_start3A_75 = tpu.memref_slice %arg10[%dma_start3A_73, %dma_start3A_74] : memref<10112x128xf32, #tpu.memory_space<vmem_shared>> -> memref<10112x128xf32, #tpu.memory_space<vmem_shared>>
        tpu.enqueue_indirect_dma source(%arg8 : memref<128x128xf32, #tpu.memory_space<vmem>>) target(%dma_start3A_75 : memref<10112x128xf32, #tpu.memory_space<vmem_shared>>) offsets(%dma_start3A_72 : memref<128xi32, #tpu.memory_space<vmem>>) semaphore(%run_scoped3A_69 : memref<!tpu.dma_semaphore, #tpu.memory_space<semaphore_mem>>) {add = true}
        %dma_wait3A_76 = arith.constant 0 : i32
        %dma_wait3A_77 = tpu.memref_slice %arg6[%run_scoped3A, %dma_wait3A_76] : memref<2x128xi32, #tpu.memory_space<vmem>> -> memref<1x128xi32, #tpu.memory_space<vmem>>
        %dma_wait3A_78 = tpu.memref_squeeze %dma_wait3A_77 : memref<1x128xi32, #tpu.memory_space<vmem>> -> memref<128xi32, #tpu.memory_space<vmem>>
        %dma_wait3A_79 = arith.constant 0 : i32
        %dma_wait3A_80 = arith.constant 0 : i32
        %dma_wait3A_81 = tpu.memref_slice %arg10[%dma_wait3A_79, %dma_wait3A_80] : memref<10112x128xf32, #tpu.memory_space<vmem_shared>> -> memref<10112x128xf32, #tpu.memory_space<vmem_shared>>
        tpu.wait_indirect_dma semaphore(%run_scoped3A_69 : memref<!tpu.dma_semaphore, #tpu.memory_space<semaphore_mem>>) src(%arg8 : memref<128x128xf32, #tpu.memory_space<vmem>>) dst(%dma_wait3A_81 : memref<10112x128xf32, #tpu.memory_space<vmem_shared>>)
        tpu.yield
      }) : () -> ()
      %add3A_51 = arith.constant 1 : i32
      %add3A_52 = arith.addi %add3A_36, %add3A_51 : i32
      "tpu.region"() ({
        %run_scoped3A_69 = tpu.sem_alloc : memref<!tpu.dma_semaphore, #tpu.memory_space<semaphore_mem>>
        %dma_start3A_70 = arith.constant 0 : i32
        %dma_start3A_71 = arith.constant 0 : i32
        %dma_start3A_72 = tpu.memref_slice %arg3[%add3A_52, %dma_start3A_70, %dma_start3A_71] : memref<2561x2x128xi32, #tpu.memory_space<hbm>> -> memref<1x2x128xi32, #tpu.memory_space<hbm>>
        %dma_start3A_73 = tpu.memref_squeeze %dma_start3A_72 : memref<1x2x128xi32, #tpu.memory_space<hbm>> -> memref<2x128xi32, #tpu.memory_space<hbm>>
        %dma_start3A_74 = arith.constant 0 : i32
        %dma_start3A_75 = arith.constant 0 : i32
        %dma_start3A_76 = tpu.memref_slice %arg3[%add3A_52, %dma_start3A_74, %dma_start3A_75] : memref<2561x2x128xi32, #tpu.memory_space<hbm>> -> memref<1x2x128xi32, #tpu.memory_space<hbm>>
        %dma_start3A_77 = tpu.memref_squeeze %dma_start3A_76 : memref<1x2x128xi32, #tpu.memory_space<hbm>> -> memref<2x128xi32, #tpu.memory_space<hbm>>
        tpu.enqueue_dma source(%dma_start3A_77 : memref<2x128xi32, #tpu.memory_space<hbm>>) target(%arg6 : memref<2x128xi32, #tpu.memory_space<vmem>>) target_semaphore(%run_scoped3A_69 : memref<!tpu.dma_semaphore, #tpu.memory_space<semaphore_mem>>)
        %dma_wait3A_78 = arith.constant 0 : i32
        %dma_wait3A_79 = arith.constant 0 : i32
        %dma_wait3A_80 = tpu.memref_slice %arg3[%add3A_52, %dma_wait3A_78, %dma_wait3A_79] : memref<2561x2x128xi32, #tpu.memory_space<hbm>> -> memref<1x2x128xi32, #tpu.memory_space<hbm>>
        %dma_wait3A_81 = tpu.memref_squeeze %dma_wait3A_80 : memref<1x2x128xi32, #tpu.memory_space<hbm>> -> memref<2x128xi32, #tpu.memory_space<hbm>>
        %dma_wait3A_82 = arith.constant 0 : i32
        %dma_wait3A_83 = arith.constant 0 : i32
        %dma_wait3A_84 = tpu.memref_slice %arg3[%add3A_52, %dma_wait3A_82, %dma_wait3A_83] : memref<2561x2x128xi32, #tpu.memory_space<hbm>> -> memref<1x2x128xi32, #tpu.memory_space<hbm>>
        %dma_wait3A_85 = tpu.memref_squeeze %dma_wait3A_84 : memref<1x2x128xi32, #tpu.memory_space<hbm>> -> memref<2x128xi32, #tpu.memory_space<hbm>>
        tpu.wait_dma2 semaphore(%run_scoped3A_69 : memref<!tpu.dma_semaphore, #tpu.memory_space<semaphore_mem>>) src(%dma_wait3A_85 : memref<2x128xi32, #tpu.memory_space<hbm>>) dst(%arg6 : memref<2x128xi32, #tpu.memory_space<vmem>>)
        tpu.yield
      }) : () -> ()
      %dma_start3A_53 = arith.constant 0 : i32
      %dma_start3A_54 = arith.constant 0 : i32
      %dma_start3A_55 = tpu.memref_slice %arg6[%dma_start3A_53, %dma_start3A_54] : memref<2x128xi32, #tpu.memory_space<vmem>> -> memref<1x128xi32, #tpu.memory_space<vmem>>
      %dma_start3A_56 = tpu.memref_squeeze %dma_start3A_55 : memref<1x128xi32, #tpu.memory_space<vmem>> -> memref<128xi32, #tpu.memory_space<vmem>>
      %dma_start3A_57 = arith.constant 0 : i32
      %dma_start3A_58 = arith.constant 0 : i32
      %dma_start3A_59 = tpu.memref_slice %arg2[%dma_start3A_57, %dma_start3A_58] : memref<10000x128xf32, #tpu.memory_space<hbm>> -> memref<10000x128xf32, #tpu.memory_space<hbm>>
      tpu.enqueue_indirect_dma source(%dma_start3A_59 : memref<10000x128xf32, #tpu.memory_space<hbm>>) target(%arg8 : memref<128x128xf32, #tpu.memory_space<vmem>>) offsets(%dma_start3A_56 : memref<128xi32, #tpu.memory_space<vmem>>) semaphore(%arg11 : memref<!tpu.dma_semaphore, #tpu.memory_space<semaphore_mem>>)
      %dma_wait3A_60 = arith.constant 0 : i32
      %dma_wait3A_61 = arith.constant 0 : i32
      %dma_wait3A_62 = tpu.memref_slice %arg6[%dma_wait3A_60, %dma_wait3A_61] : memref<2x128xi32, #tpu.memory_space<vmem>> -> memref<1x128xi32, #tpu.memory_space<vmem>>
      %dma_wait3A_63 = tpu.memref_squeeze %dma_wait3A_62 : memref<1x128xi32, #tpu.memory_space<vmem>> -> memref<128xi32, #tpu.memory_space<vmem>>
      %dma_wait3A_64 = arith.constant 0 : i32
      %dma_wait3A_65 = arith.constant 0 : i32
      %dma_wait3A_66 = tpu.memref_slice %arg2[%dma_wait3A_64, %dma_wait3A_65] : memref<10000x128xf32, #tpu.memory_space<hbm>> -> memref<10000x128xf32, #tpu.memory_space<hbm>>
      tpu.wait_indirect_dma semaphore(%arg11 : memref<!tpu.dma_semaphore, #tpu.memory_space<semaphore_mem>>) src(%dma_wait3A_66 : memref<10000x128xf32, #tpu.memory_space<hbm>>) dst(%arg9 : memref<128x128xf32, #tpu.memory_space<vmem>>)
      %run_scoped3A_67 = arith.constant 1 : i32
      "tpu.region"() ({
        %run_scoped3A_69 = tpu.sem_alloc : memref<!tpu.dma_semaphore, #tpu.memory_space<semaphore_mem>>
        %dma_start3A_70 = arith.constant 0 : i32
        %dma_start3A_71 = tpu.memref_slice %arg7[%run_scoped3A_67, %dma_start3A_70] : memref<2x128xi32, #tpu.memory_space<vmem>> -> memref<1x128xi32, #tpu.memory_space<vmem>>
        %dma_start3A_72 = tpu.memref_squeeze %dma_start3A_71 : memref<1x128xi32, #tpu.memory_space<vmem>> -> memref<128xi32, #tpu.memory_space<vmem>>
        %dma_start3A_73 = arith.constant 0 : i32
        %dma_start3A_74 = arith.constant 0 : i32
        %dma_start3A_75 = tpu.memref_slice %arg10[%dma_start3A_73, %dma_start3A_74] : memref<10112x128xf32, #tpu.memory_space<vmem_shared>> -> memref<10112x128xf32, #tpu.memory_space<vmem_shared>>
        tpu.enqueue_indirect_dma source(%arg9 : memref<128x128xf32, #tpu.memory_space<vmem>>) target(%dma_start3A_75 : memref<10112x128xf32, #tpu.memory_space<vmem_shared>>) offsets(%dma_start3A_72 : memref<128xi32, #tpu.memory_space<vmem>>) semaphore(%run_scoped3A_69 : memref<!tpu.dma_semaphore, #tpu.memory_space<semaphore_mem>>) {add = true}
        %dma_wait3A_76 = arith.constant 0 : i32
        %dma_wait3A_77 = tpu.memref_slice %arg7[%run_scoped3A_67, %dma_wait3A_76] : memref<2x128xi32, #tpu.memory_space<vmem>> -> memref<1x128xi32, #tpu.memory_space<vmem>>
        %dma_wait3A_78 = tpu.memref_squeeze %dma_wait3A_77 : memref<1x128xi32, #tpu.memory_space<vmem>> -> memref<128xi32, #tpu.memory_space<vmem>>
        %dma_wait3A_79 = arith.constant 0 : i32
        %dma_wait3A_80 = arith.constant 0 : i32
        %dma_wait3A_81 = tpu.memref_slice %arg10[%dma_wait3A_79, %dma_wait3A_80] : memref<10112x128xf32, #tpu.memory_space<vmem_shared>> -> memref<10112x128xf32, #tpu.memory_space<vmem_shared>>
        tpu.wait_indirect_dma semaphore(%run_scoped3A_69 : memref<!tpu.dma_semaphore, #tpu.memory_space<semaphore_mem>>) src(%arg9 : memref<128x128xf32, #tpu.memory_space<vmem>>) dst(%dma_wait3A_81 : memref<10112x128xf32, #tpu.memory_space<vmem_shared>>)
        tpu.yield
      }) : () -> ()
      %scan3A_68 = arith.constant 0 : i32
      scf.yield %scan3A_68 : i32
    }
    %scan3A_18 = arith.constant 40 : i32
    %dma_wait3A = arith.constant 0 : i32
    %dma_wait3A_19 = arith.constant 0 : i32
    %dma_wait3A_20 = tpu.memref_slice %arg6[%dma_wait3A, %dma_wait3A_19] : memref<2x128xi32, #tpu.memory_space<vmem>> -> memref<1x128xi32, #tpu.memory_space<vmem>>
    %dma_wait3A_21 = tpu.memref_squeeze %dma_wait3A_20 : memref<1x128xi32, #tpu.memory_space<vmem>> -> memref<128xi32, #tpu.memory_space<vmem>>
    %dma_wait3A_22 = arith.constant 0 : i32
    %dma_wait3A_23 = arith.constant 0 : i32
    %dma_wait3A_24 = tpu.memref_slice %arg2[%dma_wait3A_22, %dma_wait3A_23] : memref<10000x128xf32, #tpu.memory_space<hbm>> -> memref<10000x128xf32, #tpu.memory_space<hbm>>
    tpu.wait_indirect_dma semaphore(%arg11 : memref<!tpu.dma_semaphore, #tpu.memory_space<semaphore_mem>>) src(%dma_wait3A_24 : memref<10000x128xf32, #tpu.memory_space<hbm>>) dst(%arg8 : memref<128x128xf32, #tpu.memory_space<vmem>>)
    %barrier3A_25 = arith.constant 0 : index
    tpu.barrier barrier_id(%barrier3A_25)
    %mul3A_26 = arith.constant 632 : i32
    %mul3A_27 = arith.muli %arg1, %mul3A_26 : i32
    %mul3A_28 = arith.constant 632 : i32
    %mul3A_29 = arith.muli %arg1, %mul3A_28 : i32
    "tpu.region"() ({
      %run_scoped3A = tpu.sem_alloc : memref<!tpu.dma_semaphore, #tpu.memory_space<semaphore_mem>>
      %dma_start3A_30 = arith.constant 0 : i32
      %dma_start3A_31 = tpu.memref_slice %arg5[%arg0, %mul3A_29, %dma_start3A_30] : memref<2x10112x128xf32, #tpu.memory_space<hbm>> -> memref<1x632x128xf32, #tpu.memory_space<hbm>>
      %dma_start3A_32 = tpu.memref_squeeze %dma_start3A_31 : memref<1x632x128xf32, #tpu.memory_space<hbm>> -> memref<632x128xf32, #tpu.memory_space<hbm>>
      %dma_start3A_33 = arith.constant 0 : i32
      %dma_start3A_34 = tpu.memref_slice %arg10[%mul3A_27, %dma_start3A_33] : memref<10112x128xf32, #tpu.memory_space<vmem_shared>> -> memref<632x128xf32, #tpu.memory_space<vmem_shared>>
      tpu.enqueue_dma source(%dma_start3A_34 : memref<632x128xf32, #tpu.memory_space<vmem_shared>>) target(%dma_start3A_32 : memref<632x128xf32, #tpu.memory_space<hbm>>) target_semaphore(%run_scoped3A : memref<!tpu.dma_semaphore, #tpu.memory_space<semaphore_mem>>)
      %dma_wait3A_35 = arith.constant 0 : i32
      %dma_wait3A_36 = tpu.memref_slice %arg5[%arg0, %mul3A_29, %dma_wait3A_35] : memref<2x10112x128xf32, #tpu.memory_space<hbm>> -> memref<1x632x128xf32, #tpu.memory_space<hbm>>
      %dma_wait3A_37 = tpu.memref_squeeze %dma_wait3A_36 : memref<1x632x128xf32, #tpu.memory_space<hbm>> -> memref<632x128xf32, #tpu.memory_space<hbm>>
      %dma_wait3A_38 = arith.constant 0 : i32
      %dma_wait3A_39 = tpu.memref_slice %arg10[%mul3A_27, %dma_wait3A_38] : memref<10112x128xf32, #tpu.memory_space<vmem_shared>> -> memref<632x128xf32, #tpu.memory_space<vmem_shared>>
      tpu.wait_dma2 semaphore(%run_scoped3A : memref<!tpu.dma_semaphore, #tpu.memory_space<semaphore_mem>>) src(%dma_wait3A_39 : memref<632x128xf32, #tpu.memory_space<vmem_shared>>) dst(%dma_wait3A_37 : memref<632x128xf32, #tpu.memory_space<hbm>>)
      tpu.yield
    }) : () -> ()
    return
  }
}

#map = affine_map<(d0, d1) -> (0, 0)>
#map1 = affine_map<(d0, d1) -> (0, 0, 0)>
module attributes {stable_mosaic.version = 14 : i64} {
  func.func @_agg_sc(%arg0: i32, %arg1: i32, %arg2: memref<10000x128xf32, #tpu.memory_space<hbm>>, %arg3: memref<2561x2x128xi32, #tpu.memory_space<hbm>>, %arg4: memref<10112x128xf32, #tpu.memory_space<hbm>>, %arg5: memref<2x10112x128xf32, #tpu.memory_space<hbm>>, %arg6: memref<2x128xi32, #tpu.memory_space<vmem>>, %arg7: memref<2x128xi32, #tpu.memory_space<vmem>>, %arg8: memref<128x128xf32, #tpu.memory_space<vmem>>, %arg9: memref<128x128xf32, #tpu.memory_space<vmem>>, %arg10: memref<10112x128xf32, #tpu.memory_space<vmem_shared>>, %arg11: memref<!tpu.dma_semaphore, #tpu.memory_space<semaphore_mem>>) attributes {dimension_semantics = [#tpu.dimension_semantics<core_parallel>, #tpu.dimension_semantics<subcore_parallel>], iteration_bounds = array<i64: 2, 16>, scalar_prefetch = 0 : i64, scratch_operands = 6 : i64, tpu.core_type = #tpu.core_type<sc_vector_subcore>, window_params = [{transform_indices = #map}, {transform_indices = #map1}, {transform_indices = #map}, {transform_indices = #map1}]} {
    %mul3A = arith.constant 2 : i32
    %mul3A_0 = arith.muli %arg1, %mul3A : i32
    %add3A = arith.addi %mul3A_0, %arg0 : i32
    %mul3A_1 = arith.constant 632 : i32
    %mul3A_2 = arith.muli %arg1, %mul3A_1 : i32
    %mul3A_3 = arith.constant 632 : i32
    %mul3A_4 = arith.muli %arg1, %mul3A_3 : i32
    "tpu.region"() ({
      %run_scoped3A = tpu.sem_alloc : memref<!tpu.dma_semaphore, #tpu.memory_space<semaphore_mem>>
      %dma_start3A_30 = arith.constant 0 : i32
      %dma_start3A_31 = tpu.memref_slice %arg10[%mul3A_4, %dma_start3A_30] : memref<10112x128xf32, #tpu.memory_space<vmem_shared>> -> memref<632x128xf32, #tpu.memory_space<vmem_shared>>
      %dma_start3A_32 = arith.constant 0 : i32
      %dma_start3A_33 = tpu.memref_slice %arg4[%mul3A_2, %dma_start3A_32] : memref<10112x128xf32, #tpu.memory_space<hbm>> -> memref<632x128xf32, #tpu.memory_space<hbm>>
      tpu.enqueue_dma source(%dma_start3A_33 : memref<632x128xf32, #tpu.memory_space<hbm>>) target(%dma_start3A_31 : memref<632x128xf32, #tpu.memory_space<vmem_shared>>) target_semaphore(%run_scoped3A : memref<!tpu.dma_semaphore, #tpu.memory_space<semaphore_mem>>)
      %dma_wait3A_34 = arith.constant 0 : i32
      %dma_wait3A_35 = tpu.memref_slice %arg10[%mul3A_4, %dma_wait3A_34] : memref<10112x128xf32, #tpu.memory_space<vmem_shared>> -> memref<632x128xf32, #tpu.memory_space<vmem_shared>>
      %dma_wait3A_36 = arith.constant 0 : i32
      %dma_wait3A_37 = tpu.memref_slice %arg4[%mul3A_2, %dma_wait3A_36] : memref<10112x128xf32, #tpu.memory_space<hbm>> -> memref<632x128xf32, #tpu.memory_space<hbm>>
      tpu.wait_dma2 semaphore(%run_scoped3A : memref<!tpu.dma_semaphore, #tpu.memory_space<semaphore_mem>>) src(%dma_wait3A_37 : memref<632x128xf32, #tpu.memory_space<hbm>>) dst(%dma_wait3A_35 : memref<632x128xf32, #tpu.memory_space<vmem_shared>>)
      tpu.yield
    }) : () -> ()
    %barrier3A = arith.constant 0 : index
    tpu.barrier barrier_id(%barrier3A)
    %mul3A_5 = arith.constant 80 : i32
    %mul3A_6 = arith.muli %add3A, %mul3A_5 : i32
    "tpu.region"() ({
      %run_scoped3A = tpu.sem_alloc : memref<!tpu.dma_semaphore, #tpu.memory_space<semaphore_mem>>
      %dma_start3A_30 = arith.constant 0 : i32
      %dma_start3A_31 = arith.constant 0 : i32
      %dma_start3A_32 = tpu.memref_slice %arg3[%mul3A_6, %dma_start3A_30, %dma_start3A_31] : memref<2561x2x128xi32, #tpu.memory_space<hbm>> -> memref<1x2x128xi32, #tpu.memory_space<hbm>>
      %dma_start3A_33 = tpu.memref_squeeze %dma_start3A_32 : memref<1x2x128xi32, #tpu.memory_space<hbm>> -> memref<2x128xi32, #tpu.memory_space<hbm>>
      %dma_start3A_34 = arith.constant 0 : i32
      %dma_start3A_35 = arith.constant 0 : i32
      %dma_start3A_36 = tpu.memref_slice %arg3[%mul3A_6, %dma_start3A_34, %dma_start3A_35] : memref<2561x2x128xi32, #tpu.memory_space<hbm>> -> memref<1x2x128xi32, #tpu.memory_space<hbm>>
      %dma_start3A_37 = tpu.memref_squeeze %dma_start3A_36 : memref<1x2x128xi32, #tpu.memory_space<hbm>> -> memref<2x128xi32, #tpu.memory_space<hbm>>
      tpu.enqueue_dma source(%dma_start3A_37 : memref<2x128xi32, #tpu.memory_space<hbm>>) target(%arg6 : memref<2x128xi32, #tpu.memory_space<vmem>>) target_semaphore(%run_scoped3A : memref<!tpu.dma_semaphore, #tpu.memory_space<semaphore_mem>>)
      %dma_wait3A_38 = arith.constant 0 : i32
      %dma_wait3A_39 = arith.constant 0 : i32
      %dma_wait3A_40 = tpu.memref_slice %arg3[%mul3A_6, %dma_wait3A_38, %dma_wait3A_39] : memref<2561x2x128xi32, #tpu.memory_space<hbm>> -> memref<1x2x128xi32, #tpu.memory_space<hbm>>
      %dma_wait3A_41 = tpu.memref_squeeze %dma_wait3A_40 : memref<1x2x128xi32, #tpu.memory_space<hbm>> -> memref<2x128xi32, #tpu.memory_space<hbm>>
      %dma_wait3A_42 = arith.constant 0 : i32
      %dma_wait3A_43 = arith.constant 0 : i32
      %dma_wait3A_44 = tpu.memref_slice %arg3[%mul3A_6, %dma_wait3A_42, %dma_wait3A_43] : memref<2561x2x128xi32, #tpu.memory_space<hbm>> -> memref<1x2x128xi32, #tpu.memory_space<hbm>>
      %dma_wait3A_45 = tpu.memref_squeeze %dma_wait3A_44 : memref<1x2x128xi32, #tpu.memory_space<hbm>> -> memref<2x128xi32, #tpu.memory_space<hbm>>
      tpu.wait_dma2 semaphore(%run_scoped3A : memref<!tpu.dma_semaphore, #tpu.memory_space<semaphore_mem>>) src(%dma_wait3A_45 : memref<2x128xi32, #tpu.memory_space<hbm>>) dst(%arg6 : memref<2x128xi32, #tpu.memory_space<vmem>>)
      tpu.yield
    }) : () -> ()
    %dma_start3A = arith.constant 0 : i32
    %dma_start3A_7 = arith.constant 0 : i32
    %dma_start3A_8 = tpu.memref_slice %arg6[%dma_start3A, %dma_start3A_7] : memref<2x128xi32, #tpu.memory_space<vmem>> -> memref<1x128xi32, #tpu.memory_space<vmem>>
    %dma_start3A_9 = tpu.memref_squeeze %dma_start3A_8 : memref<1x128xi32, #tpu.memory_space<vmem>> -> memref<128xi32, #tpu.memory_space<vmem>>
    %dma_start3A_10 = arith.constant 0 : i32
    %dma_start3A_11 = arith.constant 0 : i32
    %dma_start3A_12 = tpu.memref_slice %arg2[%dma_start3A_10, %dma_start3A_11] : memref<10000x128xf32, #tpu.memory_space<hbm>> -> memref<10000x128xf32, #tpu.memory_space<hbm>>
    tpu.enqueue_indirect_dma source(%dma_start3A_12 : memref<10000x128xf32, #tpu.memory_space<hbm>>) target(%arg8 : memref<128x128xf32, #tpu.memory_space<vmem>>) offsets(%dma_start3A_9 : memref<128xi32, #tpu.memory_space<vmem>>) semaphore(%arg11 : memref<!tpu.dma_semaphore, #tpu.memory_space<semaphore_mem>>)
    %scan3A = arith.constant 0 : i32
    %scan3A_13 = arith.constant 0 : i32
    %scan3A_14 = arith.constant 40 : i32
    %scan3A_15 = arith.addi %scan3A_13, %scan3A_14 : i32
    %scan3A_16 = arith.constant 1 : i32
    %scan3A_17 = scf.for %scan3A_30 = %scan3A_13 to %scan3A_15 step %scan3A_16 iter_args(%scan3A_31 = %scan3A) -> (i32)  : i32 {
      %mul3A_32 = arith.constant 2 : i32
      %mul3A_33 = arith.muli %mul3A_32, %scan3A_30 : i32
      %add3A_34 = arith.addi %mul3A_6, %mul3A_33 : i32
      %add3A_35 = arith.constant 1 : i32
      %add3A_36 = arith.addi %add3A_34, %add3A_35 : i32
      "tpu.region"() ({
        %run_scoped3A_69 = tpu.sem_alloc : memref<!tpu.dma_semaphore, #tpu.memory_space<semaphore_mem>>
        %dma_start3A_70 = arith.constant 0 : i32
        %dma_start3A_71 = arith.constant 0 : i32
        %dma_start3A_72 = tpu.memref_slice %arg3[%add3A_36, %dma_start3A_70, %dma_start3A_71] : memref<2561x2x128xi32, #tpu.memory_space<hbm>> -> memref<1x2x128xi32, #tpu.memory_space<hbm>>
        %dma_start3A_73 = tpu.memref_squeeze %dma_start3A_72 : memref<1x2x128xi32, #tpu.memory_space<hbm>> -> memref<2x128xi32, #tpu.memory_space<hbm>>
        %dma_start3A_74 = arith.constant 0 : i32
        %dma_start3A_75 = arith.constant 0 : i32
        %dma_start3A_76 = tpu.memref_slice %arg3[%add3A_36, %dma_start3A_74, %dma_start3A_75] : memref<2561x2x128xi32, #tpu.memory_space<hbm>> -> memref<1x2x128xi32, #tpu.memory_space<hbm>>
        %dma_start3A_77 = tpu.memref_squeeze %dma_start3A_76 : memref<1x2x128xi32, #tpu.memory_space<hbm>> -> memref<2x128xi32, #tpu.memory_space<hbm>>
        tpu.enqueue_dma source(%dma_start3A_77 : memref<2x128xi32, #tpu.memory_space<hbm>>) target(%arg7 : memref<2x128xi32, #tpu.memory_space<vmem>>) target_semaphore(%run_scoped3A_69 : memref<!tpu.dma_semaphore, #tpu.memory_space<semaphore_mem>>)
        %dma_wait3A_78 = arith.constant 0 : i32
        %dma_wait3A_79 = arith.constant 0 : i32
        %dma_wait3A_80 = tpu.memref_slice %arg3[%add3A_36, %dma_wait3A_78, %dma_wait3A_79] : memref<2561x2x128xi32, #tpu.memory_space<hbm>> -> memref<1x2x128xi32, #tpu.memory_space<hbm>>
        %dma_wait3A_81 = tpu.memref_squeeze %dma_wait3A_80 : memref<1x2x128xi32, #tpu.memory_space<hbm>> -> memref<2x128xi32, #tpu.memory_space<hbm>>
        %dma_wait3A_82 = arith.constant 0 : i32
        %dma_wait3A_83 = arith.constant 0 : i32
        %dma_wait3A_84 = tpu.memref_slice %arg3[%add3A_36, %dma_wait3A_82, %dma_wait3A_83] : memref<2561x2x128xi32, #tpu.memory_space<hbm>> -> memref<1x2x128xi32, #tpu.memory_space<hbm>>
        %dma_wait3A_85 = tpu.memref_squeeze %dma_wait3A_84 : memref<1x2x128xi32, #tpu.memory_space<hbm>> -> memref<2x128xi32, #tpu.memory_space<hbm>>
        tpu.wait_dma2 semaphore(%run_scoped3A_69 : memref<!tpu.dma_semaphore, #tpu.memory_space<semaphore_mem>>) src(%dma_wait3A_85 : memref<2x128xi32, #tpu.memory_space<hbm>>) dst(%arg7 : memref<2x128xi32, #tpu.memory_space<vmem>>)
        tpu.yield
      }) : () -> ()
      %dma_start3A_37 = arith.constant 0 : i32
      %dma_start3A_38 = arith.constant 0 : i32
      %dma_start3A_39 = tpu.memref_slice %arg7[%dma_start3A_37, %dma_start3A_38] : memref<2x128xi32, #tpu.memory_space<vmem>> -> memref<1x128xi32, #tpu.memory_space<vmem>>
      %dma_start3A_40 = tpu.memref_squeeze %dma_start3A_39 : memref<1x128xi32, #tpu.memory_space<vmem>> -> memref<128xi32, #tpu.memory_space<vmem>>
      %dma_start3A_41 = arith.constant 0 : i32
      %dma_start3A_42 = arith.constant 0 : i32
      %dma_start3A_43 = tpu.memref_slice %arg2[%dma_start3A_41, %dma_start3A_42] : memref<10000x128xf32, #tpu.memory_space<hbm>> -> memref<10000x128xf32, #tpu.memory_space<hbm>>
      tpu.enqueue_indirect_dma source(%dma_start3A_43 : memref<10000x128xf32, #tpu.memory_space<hbm>>) target(%arg9 : memref<128x128xf32, #tpu.memory_space<vmem>>) offsets(%dma_start3A_40 : memref<128xi32, #tpu.memory_space<vmem>>) semaphore(%arg11 : memref<!tpu.dma_semaphore, #tpu.memory_space<semaphore_mem>>)
      %dma_wait3A_44 = arith.constant 0 : i32
      %dma_wait3A_45 = arith.constant 0 : i32
      %dma_wait3A_46 = tpu.memref_slice %arg6[%dma_wait3A_44, %dma_wait3A_45] : memref<2x128xi32, #tpu.memory_space<vmem>> -> memref<1x128xi32, #tpu.memory_space<vmem>>
      %dma_wait3A_47 = tpu.memref_squeeze %dma_wait3A_46 : memref<1x128xi32, #tpu.memory_space<vmem>> -> memref<128xi32, #tpu.memory_space<vmem>>
      %dma_wait3A_48 = arith.constant 0 : i32
      %dma_wait3A_49 = arith.constant 0 : i32
      %dma_wait3A_50 = tpu.memref_slice %arg2[%dma_wait3A_48, %dma_wait3A_49] : memref<10000x128xf32, #tpu.memory_space<hbm>> -> memref<10000x128xf32, #tpu.memory_space<hbm>>
      tpu.wait_indirect_dma semaphore(%arg11 : memref<!tpu.dma_semaphore, #tpu.memory_space<semaphore_mem>>) src(%dma_wait3A_50 : memref<10000x128xf32, #tpu.memory_space<hbm>>) dst(%arg8 : memref<128x128xf32, #tpu.memory_space<vmem>>)
      %run_scoped3A = arith.constant 1 : i32
      "tpu.region"() ({
        %run_scoped3A_69 = tpu.sem_alloc : memref<!tpu.dma_semaphore, #tpu.memory_space<semaphore_mem>>
        %dma_start3A_70 = arith.constant 0 : i32
        %dma_start3A_71 = tpu.memref_slice %arg6[%run_scoped3A, %dma_start3A_70] : memref<2x128xi32, #tpu.memory_space<vmem>> -> memref<1x128xi32, #tpu.memory_space<vmem>>
        %dma_start3A_72 = tpu.memref_squeeze %dma_start3A_71 : memref<1x128xi32, #tpu.memory_space<vmem>> -> memref<128xi32, #tpu.memory_space<vmem>>
        %dma_start3A_73 = arith.constant 0 : i32
        %dma_start3A_74 = arith.constant 0 : i32
        %dma_start3A_75 = tpu.memref_slice %arg10[%dma_start3A_73, %dma_start3A_74] : memref<10112x128xf32, #tpu.memory_space<vmem_shared>> -> memref<10112x128xf32, #tpu.memory_space<vmem_shared>>
        tpu.enqueue_indirect_dma source(%arg8 : memref<128x128xf32, #tpu.memory_space<vmem>>) target(%dma_start3A_75 : memref<10112x128xf32, #tpu.memory_space<vmem_shared>>) offsets(%dma_start3A_72 : memref<128xi32, #tpu.memory_space<vmem>>) semaphore(%run_scoped3A_69 : memref<!tpu.dma_semaphore, #tpu.memory_space<semaphore_mem>>) {add = true}
        %dma_wait3A_76 = arith.constant 0 : i32
        %dma_wait3A_77 = tpu.memref_slice %arg6[%run_scoped3A, %dma_wait3A_76] : memref<2x128xi32, #tpu.memory_space<vmem>> -> memref<1x128xi32, #tpu.memory_space<vmem>>
        %dma_wait3A_78 = tpu.memref_squeeze %dma_wait3A_77 : memref<1x128xi32, #tpu.memory_space<vmem>> -> memref<128xi32, #tpu.memory_space<vmem>>
        %dma_wait3A_79 = arith.constant 0 : i32
        %dma_wait3A_80 = arith.constant 0 : i32
        %dma_wait3A_81 = tpu.memref_slice %arg10[%dma_wait3A_79, %dma_wait3A_80] : memref<10112x128xf32, #tpu.memory_space<vmem_shared>> -> memref<10112x128xf32, #tpu.memory_space<vmem_shared>>
        tpu.wait_indirect_dma semaphore(%run_scoped3A_69 : memref<!tpu.dma_semaphore, #tpu.memory_space<semaphore_mem>>) src(%arg8 : memref<128x128xf32, #tpu.memory_space<vmem>>) dst(%dma_wait3A_81 : memref<10112x128xf32, #tpu.memory_space<vmem_shared>>)
        tpu.yield
      }) : () -> ()
      %add3A_51 = arith.constant 1 : i32
      %add3A_52 = arith.addi %add3A_36, %add3A_51 : i32
      "tpu.region"() ({
        %run_scoped3A_69 = tpu.sem_alloc : memref<!tpu.dma_semaphore, #tpu.memory_space<semaphore_mem>>
        %dma_start3A_70 = arith.constant 0 : i32
        %dma_start3A_71 = arith.constant 0 : i32
        %dma_start3A_72 = tpu.memref_slice %arg3[%add3A_52, %dma_start3A_70, %dma_start3A_71] : memref<2561x2x128xi32, #tpu.memory_space<hbm>> -> memref<1x2x128xi32, #tpu.memory_space<hbm>>
        %dma_start3A_73 = tpu.memref_squeeze %dma_start3A_72 : memref<1x2x128xi32, #tpu.memory_space<hbm>> -> memref<2x128xi32, #tpu.memory_space<hbm>>
        %dma_start3A_74 = arith.constant 0 : i32
        %dma_start3A_75 = arith.constant 0 : i32
        %dma_start3A_76 = tpu.memref_slice %arg3[%add3A_52, %dma_start3A_74, %dma_start3A_75] : memref<2561x2x128xi32, #tpu.memory_space<hbm>> -> memref<1x2x128xi32, #tpu.memory_space<hbm>>
        %dma_start3A_77 = tpu.memref_squeeze %dma_start3A_76 : memref<1x2x128xi32, #tpu.memory_space<hbm>> -> memref<2x128xi32, #tpu.memory_space<hbm>>
        tpu.enqueue_dma source(%dma_start3A_77 : memref<2x128xi32, #tpu.memory_space<hbm>>) target(%arg6 : memref<2x128xi32, #tpu.memory_space<vmem>>) target_semaphore(%run_scoped3A_69 : memref<!tpu.dma_semaphore, #tpu.memory_space<semaphore_mem>>)
        %dma_wait3A_78 = arith.constant 0 : i32
        %dma_wait3A_79 = arith.constant 0 : i32
        %dma_wait3A_80 = tpu.memref_slice %arg3[%add3A_52, %dma_wait3A_78, %dma_wait3A_79] : memref<2561x2x128xi32, #tpu.memory_space<hbm>> -> memref<1x2x128xi32, #tpu.memory_space<hbm>>
        %dma_wait3A_81 = tpu.memref_squeeze %dma_wait3A_80 : memref<1x2x128xi32, #tpu.memory_space<hbm>> -> memref<2x128xi32, #tpu.memory_space<hbm>>
        %dma_wait3A_82 = arith.constant 0 : i32
        %dma_wait3A_83 = arith.constant 0 : i32
        %dma_wait3A_84 = tpu.memref_slice %arg3[%add3A_52, %dma_wait3A_82, %dma_wait3A_83] : memref<2561x2x128xi32, #tpu.memory_space<hbm>> -> memref<1x2x128xi32, #tpu.memory_space<hbm>>
        %dma_wait3A_85 = tpu.memref_squeeze %dma_wait3A_84 : memref<1x2x128xi32, #tpu.memory_space<hbm>> -> memref<2x128xi32, #tpu.memory_space<hbm>>
        tpu.wait_dma2 semaphore(%run_scoped3A_69 : memref<!tpu.dma_semaphore, #tpu.memory_space<semaphore_mem>>) src(%dma_wait3A_85 : memref<2x128xi32, #tpu.memory_space<hbm>>) dst(%arg6 : memref<2x128xi32, #tpu.memory_space<vmem>>)
        tpu.yield
      }) : () -> ()
      %dma_start3A_53 = arith.constant 0 : i32
      %dma_start3A_54 = arith.constant 0 : i32
      %dma_start3A_55 = tpu.memref_slice %arg6[%dma_start3A_53, %dma_start3A_54] : memref<2x128xi32, #tpu.memory_space<vmem>> -> memref<1x128xi32, #tpu.memory_space<vmem>>
      %dma_start3A_56 = tpu.memref_squeeze %dma_start3A_55 : memref<1x128xi32, #tpu.memory_space<vmem>> -> memref<128xi32, #tpu.memory_space<vmem>>
      %dma_start3A_57 = arith.constant 0 : i32
      %dma_start3A_58 = arith.constant 0 : i32
      %dma_start3A_59 = tpu.memref_slice %arg2[%dma_start3A_57, %dma_start3A_58] : memref<10000x128xf32, #tpu.memory_space<hbm>> -> memref<10000x128xf32, #tpu.memory_space<hbm>>
      tpu.enqueue_indirect_dma source(%dma_start3A_59 : memref<10000x128xf32, #tpu.memory_space<hbm>>) target(%arg8 : memref<128x128xf32, #tpu.memory_space<vmem>>) offsets(%dma_start3A_56 : memref<128xi32, #tpu.memory_space<vmem>>) semaphore(%arg11 : memref<!tpu.dma_semaphore, #tpu.memory_space<semaphore_mem>>)
      %dma_wait3A_60 = arith.constant 0 : i32
      %dma_wait3A_61 = arith.constant 0 : i32
      %dma_wait3A_62 = tpu.memref_slice %arg6[%dma_wait3A_60, %dma_wait3A_61] : memref<2x128xi32, #tpu.memory_space<vmem>> -> memref<1x128xi32, #tpu.memory_space<vmem>>
      %dma_wait3A_63 = tpu.memref_squeeze %dma_wait3A_62 : memref<1x128xi32, #tpu.memory_space<vmem>> -> memref<128xi32, #tpu.memory_space<vmem>>
      %dma_wait3A_64 = arith.constant 0 : i32
      %dma_wait3A_65 = arith.constant 0 : i32
      %dma_wait3A_66 = tpu.memref_slice %arg2[%dma_wait3A_64, %dma_wait3A_65] : memref<10000x128xf32, #tpu.memory_space<hbm>> -> memref<10000x128xf32, #tpu.memory_space<hbm>>
      tpu.wait_indirect_dma semaphore(%arg11 : memref<!tpu.dma_semaphore, #tpu.memory_space<semaphore_mem>>) src(%dma_wait3A_66 : memref<10000x128xf32, #tpu.memory_space<hbm>>) dst(%arg9 : memref<128x128xf32, #tpu.memory_space<vmem>>)
      %run_scoped3A_67 = arith.constant 1 : i32
      "tpu.region"() ({
        %run_scoped3A_69 = tpu.sem_alloc : memref<!tpu.dma_semaphore, #tpu.memory_space<semaphore_mem>>
        %dma_start3A_70 = arith.constant 0 : i32
        %dma_start3A_71 = tpu.memref_slice %arg7[%run_scoped3A_67, %dma_start3A_70] : memref<2x128xi32, #tpu.memory_space<vmem>> -> memref<1x128xi32, #tpu.memory_space<vmem>>
        %dma_start3A_72 = tpu.memref_squeeze %dma_start3A_71 : memref<1x128xi32, #tpu.memory_space<vmem>> -> memref<128xi32, #tpu.memory_space<vmem>>
        %dma_start3A_73 = arith.constant 0 : i32
        %dma_start3A_74 = arith.constant 0 : i32
        %dma_start3A_75 = tpu.memref_slice %arg10[%dma_start3A_73, %dma_start3A_74] : memref<10112x128xf32, #tpu.memory_space<vmem_shared>> -> memref<10112x128xf32, #tpu.memory_space<vmem_shared>>
        tpu.enqueue_indirect_dma source(%arg9 : memref<128x128xf32, #tpu.memory_space<vmem>>) target(%dma_start3A_75 : memref<10112x128xf32, #tpu.memory_space<vmem_shared>>) offsets(%dma_start3A_72 : memref<128xi32, #tpu.memory_space<vmem>>) semaphore(%run_scoped3A_69 : memref<!tpu.dma_semaphore, #tpu.memory_space<semaphore_mem>>) {add = true}
        %dma_wait3A_76 = arith.constant 0 : i32
        %dma_wait3A_77 = tpu.memref_slice %arg7[%run_scoped3A_67, %dma_wait3A_76] : memref<2x128xi32, #tpu.memory_space<vmem>> -> memref<1x128xi32, #tpu.memory_space<vmem>>
        %dma_wait3A_78 = tpu.memref_squeeze %dma_wait3A_77 : memref<1x128xi32, #tpu.memory_space<vmem>> -> memref<128xi32, #tpu.memory_space<vmem>>
        %dma_wait3A_79 = arith.constant 0 : i32
        %dma_wait3A_80 = arith.constant 0 : i32
        %dma_wait3A_81 = tpu.memref_slice %arg10[%dma_wait3A_79, %dma_wait3A_80] : memref<10112x128xf32, #tpu.memory_space<vmem_shared>> -> memref<10112x128xf32, #tpu.memory_space<vmem_shared>>
        tpu.wait_indirect_dma semaphore(%run_scoped3A_69 : memref<!tpu.dma_semaphore, #tpu.memory_space<semaphore_mem>>) src(%arg9 : memref<128x128xf32, #tpu.memory_space<vmem>>) dst(%dma_wait3A_81 : memref<10112x128xf32, #tpu.memory_space<vmem_shared>>)
        tpu.yield
      }) : () -> ()
      %scan3A_68 = arith.constant 0 : i32
      scf.yield %scan3A_68 : i32
    }
    %scan3A_18 = arith.constant 40 : i32
    %dma_wait3A = arith.constant 0 : i32
    %dma_wait3A_19 = arith.constant 0 : i32
    %dma_wait3A_20 = tpu.memref_slice %arg6[%dma_wait3A, %dma_wait3A_19] : memref<2x128xi32, #tpu.memory_space<vmem>> -> memref<1x128xi32, #tpu.memory_space<vmem>>
    %dma_wait3A_21 = tpu.memref_squeeze %dma_wait3A_20 : memref<1x128xi32, #tpu.memory_space<vmem>> -> memref<128xi32, #tpu.memory_space<vmem>>
    %dma_wait3A_22 = arith.constant 0 : i32
    %dma_wait3A_23 = arith.constant 0 : i32
    %dma_wait3A_24 = tpu.memref_slice %arg2[%dma_wait3A_22, %dma_wait3A_23] : memref<10000x128xf32, #tpu.memory_space<hbm>> -> memref<10000x128xf32, #tpu.memory_space<hbm>>
    tpu.wait_indirect_dma semaphore(%arg11 : memref<!tpu.dma_semaphore, #tpu.memory_space<semaphore_mem>>) src(%dma_wait3A_24 : memref<10000x128xf32, #tpu.memory_space<hbm>>) dst(%arg8 : memref<128x128xf32, #tpu.memory_space<vmem>>)
    %barrier3A_25 = arith.constant 0 : index
    tpu.barrier barrier_id(%barrier3A_25)
    %mul3A_26 = arith.constant 632 : i32
    %mul3A_27 = arith.muli %arg1, %mul3A_26 : i32
    %mul3A_28 = arith.constant 632 : i32
    %mul3A_29 = arith.muli %arg1, %mul3A_28 : i32
    "tpu.region"() ({
      %run_scoped3A = tpu.sem_alloc : memref<!tpu.dma_semaphore, #tpu.memory_space<semaphore_mem>>
      %dma_start3A_30 = arith.constant 0 : i32
      %dma_start3A_31 = tpu.memref_slice %arg5[%arg0, %mul3A_29, %dma_start3A_30] : memref<2x10112x128xf32, #tpu.memory_space<hbm>> -> memref<1x632x128xf32, #tpu.memory_space<hbm>>
      %dma_start3A_32 = tpu.memref_squeeze %dma_start3A_31 : memref<1x632x128xf32, #tpu.memory_space<hbm>> -> memref<632x128xf32, #tpu.memory_space<hbm>>
      %dma_start3A_33 = arith.constant 0 : i32
      %dma_start3A_34 = tpu.memref_slice %arg10[%mul3A_27, %dma_start3A_33] : memref<10112x128xf32, #tpu.memory_space<vmem_shared>> -> memref<632x128xf32, #tpu.memory_space<vmem_shared>>
      tpu.enqueue_dma source(%dma_start3A_34 : memref<632x128xf32, #tpu.memory_space<vmem_shared>>) target(%dma_start3A_32 : memref<632x128xf32, #tpu.memory_space<hbm>>) target_semaphore(%run_scoped3A : memref<!tpu.dma_semaphore, #tpu.memory_space<semaphore_mem>>)
      %dma_wait3A_35 = arith.constant 0 : i32
      %dma_wait3A_36 = tpu.memref_slice %arg5[%arg0, %mul3A_29, %dma_wait3A_35] : memref<2x10112x128xf32, #tpu.memory_space<hbm>> -> memref<1x632x128xf32, #tpu.memory_space<hbm>>
      %dma_wait3A_37 = tpu.memref_squeeze %dma_wait3A_36 : memref<1x632x128xf32, #tpu.memory_space<hbm>> -> memref<632x128xf32, #tpu.memory_space<hbm>>
      %dma_wait3A_38 = arith.constant 0 : i32
      %dma_wait3A_39 = tpu.memref_slice %arg10[%mul3A_27, %dma_wait3A_38] : memref<10112x128xf32, #tpu.memory_space<vmem_shared>> -> memref<632x128xf32, #tpu.memory_space<vmem_shared>>
      tpu.wait_dma2 semaphore(%run_scoped3A : memref<!tpu.dma_semaphore, #tpu.memory_space<semaphore_mem>>) src(%dma_wait3A_39 : memref<632x128xf32, #tpu.memory_space<vmem_shared>>) dst(%dma_wait3A_37 : memref<632x128xf32, #tpu.memory_space<hbm>>)
      tpu.yield
    }) : () -> ()
    return
  }
}

#map = affine_map<(d0, d1) -> (0, 0)>
#map1 = affine_map<(d0, d1) -> (0, 0, 0)>
module attributes {stable_mosaic.version = 14 : i64} {
  func.func @_agg_sc(%arg0: i32, %arg1: i32, %arg2: memref<10112x128xf32, #tpu.memory_space<hbm>>, %arg3: memref<2561x2x128xi32, #tpu.memory_space<hbm>>, %arg4: memref<10112x128xf32, #tpu.memory_space<hbm>>, %arg5: memref<2x10112x128xf32, #tpu.memory_space<hbm>>, %arg6: memref<2x128xi32, #tpu.memory_space<vmem>>, %arg7: memref<2x128xi32, #tpu.memory_space<vmem>>, %arg8: memref<128x128xf32, #tpu.memory_space<vmem>>, %arg9: memref<128x128xf32, #tpu.memory_space<vmem>>, %arg10: memref<10112x128xf32, #tpu.memory_space<vmem_shared>>, %arg11: memref<!tpu.dma_semaphore, #tpu.memory_space<semaphore_mem>>) attributes {dimension_semantics = [#tpu.dimension_semantics<core_parallel>, #tpu.dimension_semantics<subcore_parallel>], iteration_bounds = array<i64: 2, 16>, scalar_prefetch = 0 : i64, scratch_operands = 6 : i64, tpu.core_type = #tpu.core_type<sc_vector_subcore>, window_params = [{transform_indices = #map}, {transform_indices = #map1}, {transform_indices = #map}, {transform_indices = #map1}]} {
    %mul3A = arith.constant 2 : i32
    %mul3A_0 = arith.muli %arg1, %mul3A : i32
    %add3A = arith.addi %mul3A_0, %arg0 : i32
    %mul3A_1 = arith.constant 632 : i32
    %mul3A_2 = arith.muli %arg1, %mul3A_1 : i32
    %mul3A_3 = arith.constant 632 : i32
    %mul3A_4 = arith.muli %arg1, %mul3A_3 : i32
    "tpu.region"() ({
      %run_scoped3A = tpu.sem_alloc : memref<!tpu.dma_semaphore, #tpu.memory_space<semaphore_mem>>
      %dma_start3A_30 = arith.constant 0 : i32
      %dma_start3A_31 = tpu.memref_slice %arg10[%mul3A_4, %dma_start3A_30] : memref<10112x128xf32, #tpu.memory_space<vmem_shared>> -> memref<632x128xf32, #tpu.memory_space<vmem_shared>>
      %dma_start3A_32 = arith.constant 0 : i32
      %dma_start3A_33 = tpu.memref_slice %arg4[%mul3A_2, %dma_start3A_32] : memref<10112x128xf32, #tpu.memory_space<hbm>> -> memref<632x128xf32, #tpu.memory_space<hbm>>
      tpu.enqueue_dma source(%dma_start3A_33 : memref<632x128xf32, #tpu.memory_space<hbm>>) target(%dma_start3A_31 : memref<632x128xf32, #tpu.memory_space<vmem_shared>>) target_semaphore(%run_scoped3A : memref<!tpu.dma_semaphore, #tpu.memory_space<semaphore_mem>>)
      %dma_wait3A_34 = arith.constant 0 : i32
      %dma_wait3A_35 = tpu.memref_slice %arg10[%mul3A_4, %dma_wait3A_34] : memref<10112x128xf32, #tpu.memory_space<vmem_shared>> -> memref<632x128xf32, #tpu.memory_space<vmem_shared>>
      %dma_wait3A_36 = arith.constant 0 : i32
      %dma_wait3A_37 = tpu.memref_slice %arg4[%mul3A_2, %dma_wait3A_36] : memref<10112x128xf32, #tpu.memory_space<hbm>> -> memref<632x128xf32, #tpu.memory_space<hbm>>
      tpu.wait_dma2 semaphore(%run_scoped3A : memref<!tpu.dma_semaphore, #tpu.memory_space<semaphore_mem>>) src(%dma_wait3A_37 : memref<632x128xf32, #tpu.memory_space<hbm>>) dst(%dma_wait3A_35 : memref<632x128xf32, #tpu.memory_space<vmem_shared>>)
      tpu.yield
    }) : () -> ()
    %barrier3A = arith.constant 0 : index
    tpu.barrier barrier_id(%barrier3A)
    %mul3A_5 = arith.constant 80 : i32
    %mul3A_6 = arith.muli %add3A, %mul3A_5 : i32
    "tpu.region"() ({
      %run_scoped3A = tpu.sem_alloc : memref<!tpu.dma_semaphore, #tpu.memory_space<semaphore_mem>>
      %dma_start3A_30 = arith.constant 0 : i32
      %dma_start3A_31 = arith.constant 0 : i32
      %dma_start3A_32 = tpu.memref_slice %arg3[%mul3A_6, %dma_start3A_30, %dma_start3A_31] : memref<2561x2x128xi32, #tpu.memory_space<hbm>> -> memref<1x2x128xi32, #tpu.memory_space<hbm>>
      %dma_start3A_33 = tpu.memref_squeeze %dma_start3A_32 : memref<1x2x128xi32, #tpu.memory_space<hbm>> -> memref<2x128xi32, #tpu.memory_space<hbm>>
      %dma_start3A_34 = arith.constant 0 : i32
      %dma_start3A_35 = arith.constant 0 : i32
      %dma_start3A_36 = tpu.memref_slice %arg3[%mul3A_6, %dma_start3A_34, %dma_start3A_35] : memref<2561x2x128xi32, #tpu.memory_space<hbm>> -> memref<1x2x128xi32, #tpu.memory_space<hbm>>
      %dma_start3A_37 = tpu.memref_squeeze %dma_start3A_36 : memref<1x2x128xi32, #tpu.memory_space<hbm>> -> memref<2x128xi32, #tpu.memory_space<hbm>>
      tpu.enqueue_dma source(%dma_start3A_37 : memref<2x128xi32, #tpu.memory_space<hbm>>) target(%arg6 : memref<2x128xi32, #tpu.memory_space<vmem>>) target_semaphore(%run_scoped3A : memref<!tpu.dma_semaphore, #tpu.memory_space<semaphore_mem>>)
      %dma_wait3A_38 = arith.constant 0 : i32
      %dma_wait3A_39 = arith.constant 0 : i32
      %dma_wait3A_40 = tpu.memref_slice %arg3[%mul3A_6, %dma_wait3A_38, %dma_wait3A_39] : memref<2561x2x128xi32, #tpu.memory_space<hbm>> -> memref<1x2x128xi32, #tpu.memory_space<hbm>>
      %dma_wait3A_41 = tpu.memref_squeeze %dma_wait3A_40 : memref<1x2x128xi32, #tpu.memory_space<hbm>> -> memref<2x128xi32, #tpu.memory_space<hbm>>
      %dma_wait3A_42 = arith.constant 0 : i32
      %dma_wait3A_43 = arith.constant 0 : i32
      %dma_wait3A_44 = tpu.memref_slice %arg3[%mul3A_6, %dma_wait3A_42, %dma_wait3A_43] : memref<2561x2x128xi32, #tpu.memory_space<hbm>> -> memref<1x2x128xi32, #tpu.memory_space<hbm>>
      %dma_wait3A_45 = tpu.memref_squeeze %dma_wait3A_44 : memref<1x2x128xi32, #tpu.memory_space<hbm>> -> memref<2x128xi32, #tpu.memory_space<hbm>>
      tpu.wait_dma2 semaphore(%run_scoped3A : memref<!tpu.dma_semaphore, #tpu.memory_space<semaphore_mem>>) src(%dma_wait3A_45 : memref<2x128xi32, #tpu.memory_space<hbm>>) dst(%arg6 : memref<2x128xi32, #tpu.memory_space<vmem>>)
      tpu.yield
    }) : () -> ()
    %dma_start3A = arith.constant 0 : i32
    %dma_start3A_7 = arith.constant 0 : i32
    %dma_start3A_8 = tpu.memref_slice %arg6[%dma_start3A, %dma_start3A_7] : memref<2x128xi32, #tpu.memory_space<vmem>> -> memref<1x128xi32, #tpu.memory_space<vmem>>
    %dma_start3A_9 = tpu.memref_squeeze %dma_start3A_8 : memref<1x128xi32, #tpu.memory_space<vmem>> -> memref<128xi32, #tpu.memory_space<vmem>>
    %dma_start3A_10 = arith.constant 0 : i32
    %dma_start3A_11 = arith.constant 0 : i32
    %dma_start3A_12 = tpu.memref_slice %arg2[%dma_start3A_10, %dma_start3A_11] : memref<10112x128xf32, #tpu.memory_space<hbm>> -> memref<10112x128xf32, #tpu.memory_space<hbm>>
    tpu.enqueue_indirect_dma source(%dma_start3A_12 : memref<10112x128xf32, #tpu.memory_space<hbm>>) target(%arg8 : memref<128x128xf32, #tpu.memory_space<vmem>>) offsets(%dma_start3A_9 : memref<128xi32, #tpu.memory_space<vmem>>) semaphore(%arg11 : memref<!tpu.dma_semaphore, #tpu.memory_space<semaphore_mem>>)
    %scan3A = arith.constant 0 : i32
    %scan3A_13 = arith.constant 0 : i32
    %scan3A_14 = arith.constant 40 : i32
    %scan3A_15 = arith.addi %scan3A_13, %scan3A_14 : i32
    %scan3A_16 = arith.constant 1 : i32
    %scan3A_17 = scf.for %scan3A_30 = %scan3A_13 to %scan3A_15 step %scan3A_16 iter_args(%scan3A_31 = %scan3A) -> (i32)  : i32 {
      %mul3A_32 = arith.constant 2 : i32
      %mul3A_33 = arith.muli %mul3A_32, %scan3A_30 : i32
      %add3A_34 = arith.addi %mul3A_6, %mul3A_33 : i32
      %add3A_35 = arith.constant 1 : i32
      %add3A_36 = arith.addi %add3A_34, %add3A_35 : i32
      "tpu.region"() ({
        %run_scoped3A_69 = tpu.sem_alloc : memref<!tpu.dma_semaphore, #tpu.memory_space<semaphore_mem>>
        %dma_start3A_70 = arith.constant 0 : i32
        %dma_start3A_71 = arith.constant 0 : i32
        %dma_start3A_72 = tpu.memref_slice %arg3[%add3A_36, %dma_start3A_70, %dma_start3A_71] : memref<2561x2x128xi32, #tpu.memory_space<hbm>> -> memref<1x2x128xi32, #tpu.memory_space<hbm>>
        %dma_start3A_73 = tpu.memref_squeeze %dma_start3A_72 : memref<1x2x128xi32, #tpu.memory_space<hbm>> -> memref<2x128xi32, #tpu.memory_space<hbm>>
        %dma_start3A_74 = arith.constant 0 : i32
        %dma_start3A_75 = arith.constant 0 : i32
        %dma_start3A_76 = tpu.memref_slice %arg3[%add3A_36, %dma_start3A_74, %dma_start3A_75] : memref<2561x2x128xi32, #tpu.memory_space<hbm>> -> memref<1x2x128xi32, #tpu.memory_space<hbm>>
        %dma_start3A_77 = tpu.memref_squeeze %dma_start3A_76 : memref<1x2x128xi32, #tpu.memory_space<hbm>> -> memref<2x128xi32, #tpu.memory_space<hbm>>
        tpu.enqueue_dma source(%dma_start3A_77 : memref<2x128xi32, #tpu.memory_space<hbm>>) target(%arg7 : memref<2x128xi32, #tpu.memory_space<vmem>>) target_semaphore(%run_scoped3A_69 : memref<!tpu.dma_semaphore, #tpu.memory_space<semaphore_mem>>)
        %dma_wait3A_78 = arith.constant 0 : i32
        %dma_wait3A_79 = arith.constant 0 : i32
        %dma_wait3A_80 = tpu.memref_slice %arg3[%add3A_36, %dma_wait3A_78, %dma_wait3A_79] : memref<2561x2x128xi32, #tpu.memory_space<hbm>> -> memref<1x2x128xi32, #tpu.memory_space<hbm>>
        %dma_wait3A_81 = tpu.memref_squeeze %dma_wait3A_80 : memref<1x2x128xi32, #tpu.memory_space<hbm>> -> memref<2x128xi32, #tpu.memory_space<hbm>>
        %dma_wait3A_82 = arith.constant 0 : i32
        %dma_wait3A_83 = arith.constant 0 : i32
        %dma_wait3A_84 = tpu.memref_slice %arg3[%add3A_36, %dma_wait3A_82, %dma_wait3A_83] : memref<2561x2x128xi32, #tpu.memory_space<hbm>> -> memref<1x2x128xi32, #tpu.memory_space<hbm>>
        %dma_wait3A_85 = tpu.memref_squeeze %dma_wait3A_84 : memref<1x2x128xi32, #tpu.memory_space<hbm>> -> memref<2x128xi32, #tpu.memory_space<hbm>>
        tpu.wait_dma2 semaphore(%run_scoped3A_69 : memref<!tpu.dma_semaphore, #tpu.memory_space<semaphore_mem>>) src(%dma_wait3A_85 : memref<2x128xi32, #tpu.memory_space<hbm>>) dst(%arg7 : memref<2x128xi32, #tpu.memory_space<vmem>>)
        tpu.yield
      }) : () -> ()
      %dma_start3A_37 = arith.constant 0 : i32
      %dma_start3A_38 = arith.constant 0 : i32
      %dma_start3A_39 = tpu.memref_slice %arg7[%dma_start3A_37, %dma_start3A_38] : memref<2x128xi32, #tpu.memory_space<vmem>> -> memref<1x128xi32, #tpu.memory_space<vmem>>
      %dma_start3A_40 = tpu.memref_squeeze %dma_start3A_39 : memref<1x128xi32, #tpu.memory_space<vmem>> -> memref<128xi32, #tpu.memory_space<vmem>>
      %dma_start3A_41 = arith.constant 0 : i32
      %dma_start3A_42 = arith.constant 0 : i32
      %dma_start3A_43 = tpu.memref_slice %arg2[%dma_start3A_41, %dma_start3A_42] : memref<10112x128xf32, #tpu.memory_space<hbm>> -> memref<10112x128xf32, #tpu.memory_space<hbm>>
      tpu.enqueue_indirect_dma source(%dma_start3A_43 : memref<10112x128xf32, #tpu.memory_space<hbm>>) target(%arg9 : memref<128x128xf32, #tpu.memory_space<vmem>>) offsets(%dma_start3A_40 : memref<128xi32, #tpu.memory_space<vmem>>) semaphore(%arg11 : memref<!tpu.dma_semaphore, #tpu.memory_space<semaphore_mem>>)
      %dma_wait3A_44 = arith.constant 0 : i32
      %dma_wait3A_45 = arith.constant 0 : i32
      %dma_wait3A_46 = tpu.memref_slice %arg6[%dma_wait3A_44, %dma_wait3A_45] : memref<2x128xi32, #tpu.memory_space<vmem>> -> memref<1x128xi32, #tpu.memory_space<vmem>>
      %dma_wait3A_47 = tpu.memref_squeeze %dma_wait3A_46 : memref<1x128xi32, #tpu.memory_space<vmem>> -> memref<128xi32, #tpu.memory_space<vmem>>
      %dma_wait3A_48 = arith.constant 0 : i32
      %dma_wait3A_49 = arith.constant 0 : i32
      %dma_wait3A_50 = tpu.memref_slice %arg2[%dma_wait3A_48, %dma_wait3A_49] : memref<10112x128xf32, #tpu.memory_space<hbm>> -> memref<10112x128xf32, #tpu.memory_space<hbm>>
      tpu.wait_indirect_dma semaphore(%arg11 : memref<!tpu.dma_semaphore, #tpu.memory_space<semaphore_mem>>) src(%dma_wait3A_50 : memref<10112x128xf32, #tpu.memory_space<hbm>>) dst(%arg8 : memref<128x128xf32, #tpu.memory_space<vmem>>)
      %run_scoped3A = arith.constant 1 : i32
      "tpu.region"() ({
        %run_scoped3A_69 = tpu.sem_alloc : memref<!tpu.dma_semaphore, #tpu.memory_space<semaphore_mem>>
        %dma_start3A_70 = arith.constant 0 : i32
        %dma_start3A_71 = tpu.memref_slice %arg6[%run_scoped3A, %dma_start3A_70] : memref<2x128xi32, #tpu.memory_space<vmem>> -> memref<1x128xi32, #tpu.memory_space<vmem>>
        %dma_start3A_72 = tpu.memref_squeeze %dma_start3A_71 : memref<1x128xi32, #tpu.memory_space<vmem>> -> memref<128xi32, #tpu.memory_space<vmem>>
        %dma_start3A_73 = arith.constant 0 : i32
        %dma_start3A_74 = arith.constant 0 : i32
        %dma_start3A_75 = tpu.memref_slice %arg10[%dma_start3A_73, %dma_start3A_74] : memref<10112x128xf32, #tpu.memory_space<vmem_shared>> -> memref<10112x128xf32, #tpu.memory_space<vmem_shared>>
        tpu.enqueue_indirect_dma source(%arg8 : memref<128x128xf32, #tpu.memory_space<vmem>>) target(%dma_start3A_75 : memref<10112x128xf32, #tpu.memory_space<vmem_shared>>) offsets(%dma_start3A_72 : memref<128xi32, #tpu.memory_space<vmem>>) semaphore(%run_scoped3A_69 : memref<!tpu.dma_semaphore, #tpu.memory_space<semaphore_mem>>) {add = true}
        %dma_wait3A_76 = arith.constant 0 : i32
        %dma_wait3A_77 = tpu.memref_slice %arg6[%run_scoped3A, %dma_wait3A_76] : memref<2x128xi32, #tpu.memory_space<vmem>> -> memref<1x128xi32, #tpu.memory_space<vmem>>
        %dma_wait3A_78 = tpu.memref_squeeze %dma_wait3A_77 : memref<1x128xi32, #tpu.memory_space<vmem>> -> memref<128xi32, #tpu.memory_space<vmem>>
        %dma_wait3A_79 = arith.constant 0 : i32
        %dma_wait3A_80 = arith.constant 0 : i32
        %dma_wait3A_81 = tpu.memref_slice %arg10[%dma_wait3A_79, %dma_wait3A_80] : memref<10112x128xf32, #tpu.memory_space<vmem_shared>> -> memref<10112x128xf32, #tpu.memory_space<vmem_shared>>
        tpu.wait_indirect_dma semaphore(%run_scoped3A_69 : memref<!tpu.dma_semaphore, #tpu.memory_space<semaphore_mem>>) src(%arg8 : memref<128x128xf32, #tpu.memory_space<vmem>>) dst(%dma_wait3A_81 : memref<10112x128xf32, #tpu.memory_space<vmem_shared>>)
        tpu.yield
      }) : () -> ()
      %add3A_51 = arith.constant 1 : i32
      %add3A_52 = arith.addi %add3A_36, %add3A_51 : i32
      "tpu.region"() ({
        %run_scoped3A_69 = tpu.sem_alloc : memref<!tpu.dma_semaphore, #tpu.memory_space<semaphore_mem>>
        %dma_start3A_70 = arith.constant 0 : i32
        %dma_start3A_71 = arith.constant 0 : i32
        %dma_start3A_72 = tpu.memref_slice %arg3[%add3A_52, %dma_start3A_70, %dma_start3A_71] : memref<2561x2x128xi32, #tpu.memory_space<hbm>> -> memref<1x2x128xi32, #tpu.memory_space<hbm>>
        %dma_start3A_73 = tpu.memref_squeeze %dma_start3A_72 : memref<1x2x128xi32, #tpu.memory_space<hbm>> -> memref<2x128xi32, #tpu.memory_space<hbm>>
        %dma_start3A_74 = arith.constant 0 : i32
        %dma_start3A_75 = arith.constant 0 : i32
        %dma_start3A_76 = tpu.memref_slice %arg3[%add3A_52, %dma_start3A_74, %dma_start3A_75] : memref<2561x2x128xi32, #tpu.memory_space<hbm>> -> memref<1x2x128xi32, #tpu.memory_space<hbm>>
        %dma_start3A_77 = tpu.memref_squeeze %dma_start3A_76 : memref<1x2x128xi32, #tpu.memory_space<hbm>> -> memref<2x128xi32, #tpu.memory_space<hbm>>
        tpu.enqueue_dma source(%dma_start3A_77 : memref<2x128xi32, #tpu.memory_space<hbm>>) target(%arg6 : memref<2x128xi32, #tpu.memory_space<vmem>>) target_semaphore(%run_scoped3A_69 : memref<!tpu.dma_semaphore, #tpu.memory_space<semaphore_mem>>)
        %dma_wait3A_78 = arith.constant 0 : i32
        %dma_wait3A_79 = arith.constant 0 : i32
        %dma_wait3A_80 = tpu.memref_slice %arg3[%add3A_52, %dma_wait3A_78, %dma_wait3A_79] : memref<2561x2x128xi32, #tpu.memory_space<hbm>> -> memref<1x2x128xi32, #tpu.memory_space<hbm>>
        %dma_wait3A_81 = tpu.memref_squeeze %dma_wait3A_80 : memref<1x2x128xi32, #tpu.memory_space<hbm>> -> memref<2x128xi32, #tpu.memory_space<hbm>>
        %dma_wait3A_82 = arith.constant 0 : i32
        %dma_wait3A_83 = arith.constant 0 : i32
        %dma_wait3A_84 = tpu.memref_slice %arg3[%add3A_52, %dma_wait3A_82, %dma_wait3A_83] : memref<2561x2x128xi32, #tpu.memory_space<hbm>> -> memref<1x2x128xi32, #tpu.memory_space<hbm>>
        %dma_wait3A_85 = tpu.memref_squeeze %dma_wait3A_84 : memref<1x2x128xi32, #tpu.memory_space<hbm>> -> memref<2x128xi32, #tpu.memory_space<hbm>>
        tpu.wait_dma2 semaphore(%run_scoped3A_69 : memref<!tpu.dma_semaphore, #tpu.memory_space<semaphore_mem>>) src(%dma_wait3A_85 : memref<2x128xi32, #tpu.memory_space<hbm>>) dst(%arg6 : memref<2x128xi32, #tpu.memory_space<vmem>>)
        tpu.yield
      }) : () -> ()
      %dma_start3A_53 = arith.constant 0 : i32
      %dma_start3A_54 = arith.constant 0 : i32
      %dma_start3A_55 = tpu.memref_slice %arg6[%dma_start3A_53, %dma_start3A_54] : memref<2x128xi32, #tpu.memory_space<vmem>> -> memref<1x128xi32, #tpu.memory_space<vmem>>
      %dma_start3A_56 = tpu.memref_squeeze %dma_start3A_55 : memref<1x128xi32, #tpu.memory_space<vmem>> -> memref<128xi32, #tpu.memory_space<vmem>>
      %dma_start3A_57 = arith.constant 0 : i32
      %dma_start3A_58 = arith.constant 0 : i32
      %dma_start3A_59 = tpu.memref_slice %arg2[%dma_start3A_57, %dma_start3A_58] : memref<10112x128xf32, #tpu.memory_space<hbm>> -> memref<10112x128xf32, #tpu.memory_space<hbm>>
      tpu.enqueue_indirect_dma source(%dma_start3A_59 : memref<10112x128xf32, #tpu.memory_space<hbm>>) target(%arg8 : memref<128x128xf32, #tpu.memory_space<vmem>>) offsets(%dma_start3A_56 : memref<128xi32, #tpu.memory_space<vmem>>) semaphore(%arg11 : memref<!tpu.dma_semaphore, #tpu.memory_space<semaphore_mem>>)
      %dma_wait3A_60 = arith.constant 0 : i32
      %dma_wait3A_61 = arith.constant 0 : i32
      %dma_wait3A_62 = tpu.memref_slice %arg6[%dma_wait3A_60, %dma_wait3A_61] : memref<2x128xi32, #tpu.memory_space<vmem>> -> memref<1x128xi32, #tpu.memory_space<vmem>>
      %dma_wait3A_63 = tpu.memref_squeeze %dma_wait3A_62 : memref<1x128xi32, #tpu.memory_space<vmem>> -> memref<128xi32, #tpu.memory_space<vmem>>
      %dma_wait3A_64 = arith.constant 0 : i32
      %dma_wait3A_65 = arith.constant 0 : i32
      %dma_wait3A_66 = tpu.memref_slice %arg2[%dma_wait3A_64, %dma_wait3A_65] : memref<10112x128xf32, #tpu.memory_space<hbm>> -> memref<10112x128xf32, #tpu.memory_space<hbm>>
      tpu.wait_indirect_dma semaphore(%arg11 : memref<!tpu.dma_semaphore, #tpu.memory_space<semaphore_mem>>) src(%dma_wait3A_66 : memref<10112x128xf32, #tpu.memory_space<hbm>>) dst(%arg9 : memref<128x128xf32, #tpu.memory_space<vmem>>)
      %run_scoped3A_67 = arith.constant 1 : i32
      "tpu.region"() ({
        %run_scoped3A_69 = tpu.sem_alloc : memref<!tpu.dma_semaphore, #tpu.memory_space<semaphore_mem>>
        %dma_start3A_70 = arith.constant 0 : i32
        %dma_start3A_71 = tpu.memref_slice %arg7[%run_scoped3A_67, %dma_start3A_70] : memref<2x128xi32, #tpu.memory_space<vmem>> -> memref<1x128xi32, #tpu.memory_space<vmem>>
        %dma_start3A_72 = tpu.memref_squeeze %dma_start3A_71 : memref<1x128xi32, #tpu.memory_space<vmem>> -> memref<128xi32, #tpu.memory_space<vmem>>
        %dma_start3A_73 = arith.constant 0 : i32
        %dma_start3A_74 = arith.constant 0 : i32
        %dma_start3A_75 = tpu.memref_slice %arg10[%dma_start3A_73, %dma_start3A_74] : memref<10112x128xf32, #tpu.memory_space<vmem_shared>> -> memref<10112x128xf32, #tpu.memory_space<vmem_shared>>
        tpu.enqueue_indirect_dma source(%arg9 : memref<128x128xf32, #tpu.memory_space<vmem>>) target(%dma_start3A_75 : memref<10112x128xf32, #tpu.memory_space<vmem_shared>>) offsets(%dma_start3A_72 : memref<128xi32, #tpu.memory_space<vmem>>) semaphore(%run_scoped3A_69 : memref<!tpu.dma_semaphore, #tpu.memory_space<semaphore_mem>>) {add = true}
        %dma_wait3A_76 = arith.constant 0 : i32
        %dma_wait3A_77 = tpu.memref_slice %arg7[%run_scoped3A_67, %dma_wait3A_76] : memref<2x128xi32, #tpu.memory_space<vmem>> -> memref<1x128xi32, #tpu.memory_space<vmem>>
        %dma_wait3A_78 = tpu.memref_squeeze %dma_wait3A_77 : memref<1x128xi32, #tpu.memory_space<vmem>> -> memref<128xi32, #tpu.memory_space<vmem>>
        %dma_wait3A_79 = arith.constant 0 : i32
        %dma_wait3A_80 = arith.constant 0 : i32
        %dma_wait3A_81 = tpu.memref_slice %arg10[%dma_wait3A_79, %dma_wait3A_80] : memref<10112x128xf32, #tpu.memory_space<vmem_shared>> -> memref<10112x128xf32, #tpu.memory_space<vmem_shared>>
        tpu.wait_indirect_dma semaphore(%run_scoped3A_69 : memref<!tpu.dma_semaphore, #tpu.memory_space<semaphore_mem>>) src(%arg9 : memref<128x128xf32, #tpu.memory_space<vmem>>) dst(%dma_wait3A_81 : memref<10112x128xf32, #tpu.memory_space<vmem_shared>>)
        tpu.yield
      }) : () -> ()
      %scan3A_68 = arith.constant 0 : i32
      scf.yield %scan3A_68 : i32
    }
    %scan3A_18 = arith.constant 40 : i32
    %dma_wait3A = arith.constant 0 : i32
    %dma_wait3A_19 = arith.constant 0 : i32
    %dma_wait3A_20 = tpu.memref_slice %arg6[%dma_wait3A, %dma_wait3A_19] : memref<2x128xi32, #tpu.memory_space<vmem>> -> memref<1x128xi32, #tpu.memory_space<vmem>>
    %dma_wait3A_21 = tpu.memref_squeeze %dma_wait3A_20 : memref<1x128xi32, #tpu.memory_space<vmem>> -> memref<128xi32, #tpu.memory_space<vmem>>
    %dma_wait3A_22 = arith.constant 0 : i32
    %dma_wait3A_23 = arith.constant 0 : i32
    %dma_wait3A_24 = tpu.memref_slice %arg2[%dma_wait3A_22, %dma_wait3A_23] : memref<10112x128xf32, #tpu.memory_space<hbm>> -> memref<10112x128xf32, #tpu.memory_space<hbm>>
    tpu.wait_indirect_dma semaphore(%arg11 : memref<!tpu.dma_semaphore, #tpu.memory_space<semaphore_mem>>) src(%dma_wait3A_24 : memref<10112x128xf32, #tpu.memory_space<hbm>>) dst(%arg8 : memref<128x128xf32, #tpu.memory_space<vmem>>)
    %barrier3A_25 = arith.constant 0 : index
    tpu.barrier barrier_id(%barrier3A_25)
    %mul3A_26 = arith.constant 632 : i32
    %mul3A_27 = arith.muli %arg1, %mul3A_26 : i32
    %mul3A_28 = arith.constant 632 : i32
    %mul3A_29 = arith.muli %arg1, %mul3A_28 : i32
    "tpu.region"() ({
      %run_scoped3A = tpu.sem_alloc : memref<!tpu.dma_semaphore, #tpu.memory_space<semaphore_mem>>
      %dma_start3A_30 = arith.constant 0 : i32
      %dma_start3A_31 = tpu.memref_slice %arg5[%arg0, %mul3A_29, %dma_start3A_30] : memref<2x10112x128xf32, #tpu.memory_space<hbm>> -> memref<1x632x128xf32, #tpu.memory_space<hbm>>
      %dma_start3A_32 = tpu.memref_squeeze %dma_start3A_31 : memref<1x632x128xf32, #tpu.memory_space<hbm>> -> memref<632x128xf32, #tpu.memory_space<hbm>>
      %dma_start3A_33 = arith.constant 0 : i32
      %dma_start3A_34 = tpu.memref_slice %arg10[%mul3A_27, %dma_start3A_33] : memref<10112x128xf32, #tpu.memory_space<vmem_shared>> -> memref<632x128xf32, #tpu.memory_space<vmem_shared>>
      tpu.enqueue_dma source(%dma_start3A_34 : memref<632x128xf32, #tpu.memory_space<vmem_shared>>) target(%dma_start3A_32 : memref<632x128xf32, #tpu.memory_space<hbm>>) target_semaphore(%run_scoped3A : memref<!tpu.dma_semaphore, #tpu.memory_space<semaphore_mem>>)
      %dma_wait3A_35 = arith.constant 0 : i32
      %dma_wait3A_36 = tpu.memref_slice %arg5[%arg0, %mul3A_29, %dma_wait3A_35] : memref<2x10112x128xf32, #tpu.memory_space<hbm>> -> memref<1x632x128xf32, #tpu.memory_space<hbm>>
      %dma_wait3A_37 = tpu.memref_squeeze %dma_wait3A_36 : memref<1x632x128xf32, #tpu.memory_space<hbm>> -> memref<632x128xf32, #tpu.memory_space<hbm>>
      %dma_wait3A_38 = arith.constant 0 : i32
      %dma_wait3A_39 = tpu.memref_slice %arg10[%mul3A_27, %dma_wait3A_38] : memref<10112x128xf32, #tpu.memory_space<vmem_shared>> -> memref<632x128xf32, #tpu.memory_space<vmem_shared>>
      tpu.wait_dma2 semaphore(%run_scoped3A : memref<!tpu.dma_semaphore, #tpu.memory_space<semaphore_mem>>) src(%dma_wait3A_39 : memref<632x128xf32, #tpu.memory_space<vmem_shared>>) dst(%dma_wait3A_37 : memref<632x128xf32, #tpu.memory_space<hbm>>)
      tpu.yield
    }) : () -> ()
    return
  }
}

#map = affine_map<(d0, d1) -> (0, 0)>
#map1 = affine_map<(d0, d1) -> (0, 0, 0)>
module attributes {stable_mosaic.version = 14 : i64} {
  func.func @_agg_sc(%arg0: i32, %arg1: i32, %arg2: memref<10000x128xf32, #tpu.memory_space<hbm>>, %arg3: memref<2561x2x128xi32, #tpu.memory_space<hbm>>, %arg4: memref<10112x128xf32, #tpu.memory_space<hbm>>, %arg5: memref<2x10112x128xf32, #tpu.memory_space<hbm>>, %arg6: memref<2x128xi32, #tpu.memory_space<vmem>>, %arg7: memref<2x128xi32, #tpu.memory_space<vmem>>, %arg8: memref<128x128xf32, #tpu.memory_space<vmem>>, %arg9: memref<128x128xf32, #tpu.memory_space<vmem>>, %arg10: memref<10112x128xf32, #tpu.memory_space<vmem_shared>>, %arg11: memref<!tpu.dma_semaphore, #tpu.memory_space<semaphore_mem>>) attributes {dimension_semantics = [#tpu.dimension_semantics<core_parallel>, #tpu.dimension_semantics<subcore_parallel>], iteration_bounds = array<i64: 2, 16>, scalar_prefetch = 0 : i64, scratch_operands = 6 : i64, tpu.core_type = #tpu.core_type<sc_vector_subcore>, window_params = [{transform_indices = #map}, {transform_indices = #map1}, {transform_indices = #map}, {transform_indices = #map1}]} {
    %mul3A = arith.constant 2 : i32
    %mul3A_0 = arith.muli %arg1, %mul3A : i32
    %add3A = arith.addi %mul3A_0, %arg0 : i32
    %mul3A_1 = arith.constant 632 : i32
    %mul3A_2 = arith.muli %arg1, %mul3A_1 : i32
    %mul3A_3 = arith.constant 632 : i32
    %mul3A_4 = arith.muli %arg1, %mul3A_3 : i32
    "tpu.region"() ({
      %run_scoped3A = tpu.sem_alloc : memref<!tpu.dma_semaphore, #tpu.memory_space<semaphore_mem>>
      %dma_start3A_30 = arith.constant 0 : i32
      %dma_start3A_31 = tpu.memref_slice %arg10[%mul3A_4, %dma_start3A_30] : memref<10112x128xf32, #tpu.memory_space<vmem_shared>> -> memref<632x128xf32, #tpu.memory_space<vmem_shared>>
      %dma_start3A_32 = arith.constant 0 : i32
      %dma_start3A_33 = tpu.memref_slice %arg4[%mul3A_2, %dma_start3A_32] : memref<10112x128xf32, #tpu.memory_space<hbm>> -> memref<632x128xf32, #tpu.memory_space<hbm>>
      tpu.enqueue_dma source(%dma_start3A_33 : memref<632x128xf32, #tpu.memory_space<hbm>>) target(%dma_start3A_31 : memref<632x128xf32, #tpu.memory_space<vmem_shared>>) target_semaphore(%run_scoped3A : memref<!tpu.dma_semaphore, #tpu.memory_space<semaphore_mem>>)
      %dma_wait3A_34 = arith.constant 0 : i32
      %dma_wait3A_35 = tpu.memref_slice %arg10[%mul3A_4, %dma_wait3A_34] : memref<10112x128xf32, #tpu.memory_space<vmem_shared>> -> memref<632x128xf32, #tpu.memory_space<vmem_shared>>
      %dma_wait3A_36 = arith.constant 0 : i32
      %dma_wait3A_37 = tpu.memref_slice %arg4[%mul3A_2, %dma_wait3A_36] : memref<10112x128xf32, #tpu.memory_space<hbm>> -> memref<632x128xf32, #tpu.memory_space<hbm>>
      tpu.wait_dma2 semaphore(%run_scoped3A : memref<!tpu.dma_semaphore, #tpu.memory_space<semaphore_mem>>) src(%dma_wait3A_37 : memref<632x128xf32, #tpu.memory_space<hbm>>) dst(%dma_wait3A_35 : memref<632x128xf32, #tpu.memory_space<vmem_shared>>)
      tpu.yield
    }) : () -> ()
    %barrier3A = arith.constant 0 : index
    tpu.barrier barrier_id(%barrier3A)
    %mul3A_5 = arith.constant 80 : i32
    %mul3A_6 = arith.muli %add3A, %mul3A_5 : i32
    "tpu.region"() ({
      %run_scoped3A = tpu.sem_alloc : memref<!tpu.dma_semaphore, #tpu.memory_space<semaphore_mem>>
      %dma_start3A_30 = arith.constant 0 : i32
      %dma_start3A_31 = arith.constant 0 : i32
      %dma_start3A_32 = tpu.memref_slice %arg3[%mul3A_6, %dma_start3A_30, %dma_start3A_31] : memref<2561x2x128xi32, #tpu.memory_space<hbm>> -> memref<1x2x128xi32, #tpu.memory_space<hbm>>
      %dma_start3A_33 = tpu.memref_squeeze %dma_start3A_32 : memref<1x2x128xi32, #tpu.memory_space<hbm>> -> memref<2x128xi32, #tpu.memory_space<hbm>>
      %dma_start3A_34 = arith.constant 0 : i32
      %dma_start3A_35 = arith.constant 0 : i32
      %dma_start3A_36 = tpu.memref_slice %arg3[%mul3A_6, %dma_start3A_34, %dma_start3A_35] : memref<2561x2x128xi32, #tpu.memory_space<hbm>> -> memref<1x2x128xi32, #tpu.memory_space<hbm>>
      %dma_start3A_37 = tpu.memref_squeeze %dma_start3A_36 : memref<1x2x128xi32, #tpu.memory_space<hbm>> -> memref<2x128xi32, #tpu.memory_space<hbm>>
      tpu.enqueue_dma source(%dma_start3A_37 : memref<2x128xi32, #tpu.memory_space<hbm>>) target(%arg6 : memref<2x128xi32, #tpu.memory_space<vmem>>) target_semaphore(%run_scoped3A : memref<!tpu.dma_semaphore, #tpu.memory_space<semaphore_mem>>)
      %dma_wait3A_38 = arith.constant 0 : i32
      %dma_wait3A_39 = arith.constant 0 : i32
      %dma_wait3A_40 = tpu.memref_slice %arg3[%mul3A_6, %dma_wait3A_38, %dma_wait3A_39] : memref<2561x2x128xi32, #tpu.memory_space<hbm>> -> memref<1x2x128xi32, #tpu.memory_space<hbm>>
      %dma_wait3A_41 = tpu.memref_squeeze %dma_wait3A_40 : memref<1x2x128xi32, #tpu.memory_space<hbm>> -> memref<2x128xi32, #tpu.memory_space<hbm>>
      %dma_wait3A_42 = arith.constant 0 : i32
      %dma_wait3A_43 = arith.constant 0 : i32
      %dma_wait3A_44 = tpu.memref_slice %arg3[%mul3A_6, %dma_wait3A_42, %dma_wait3A_43] : memref<2561x2x128xi32, #tpu.memory_space<hbm>> -> memref<1x2x128xi32, #tpu.memory_space<hbm>>
      %dma_wait3A_45 = tpu.memref_squeeze %dma_wait3A_44 : memref<1x2x128xi32, #tpu.memory_space<hbm>> -> memref<2x128xi32, #tpu.memory_space<hbm>>
      tpu.wait_dma2 semaphore(%run_scoped3A : memref<!tpu.dma_semaphore, #tpu.memory_space<semaphore_mem>>) src(%dma_wait3A_45 : memref<2x128xi32, #tpu.memory_space<hbm>>) dst(%arg6 : memref<2x128xi32, #tpu.memory_space<vmem>>)
      tpu.yield
    }) : () -> ()
    %dma_start3A = arith.constant 0 : i32
    %dma_start3A_7 = arith.constant 0 : i32
    %dma_start3A_8 = tpu.memref_slice %arg6[%dma_start3A, %dma_start3A_7] : memref<2x128xi32, #tpu.memory_space<vmem>> -> memref<1x128xi32, #tpu.memory_space<vmem>>
    %dma_start3A_9 = tpu.memref_squeeze %dma_start3A_8 : memref<1x128xi32, #tpu.memory_space<vmem>> -> memref<128xi32, #tpu.memory_space<vmem>>
    %dma_start3A_10 = arith.constant 0 : i32
    %dma_start3A_11 = arith.constant 0 : i32
    %dma_start3A_12 = tpu.memref_slice %arg2[%dma_start3A_10, %dma_start3A_11] : memref<10000x128xf32, #tpu.memory_space<hbm>> -> memref<10000x128xf32, #tpu.memory_space<hbm>>
    tpu.enqueue_indirect_dma source(%dma_start3A_12 : memref<10000x128xf32, #tpu.memory_space<hbm>>) target(%arg8 : memref<128x128xf32, #tpu.memory_space<vmem>>) offsets(%dma_start3A_9 : memref<128xi32, #tpu.memory_space<vmem>>) semaphore(%arg11 : memref<!tpu.dma_semaphore, #tpu.memory_space<semaphore_mem>>)
    %scan3A = arith.constant 0 : i32
    %scan3A_13 = arith.constant 0 : i32
    %scan3A_14 = arith.constant 40 : i32
    %scan3A_15 = arith.addi %scan3A_13, %scan3A_14 : i32
    %scan3A_16 = arith.constant 1 : i32
    %scan3A_17 = scf.for %scan3A_30 = %scan3A_13 to %scan3A_15 step %scan3A_16 iter_args(%scan3A_31 = %scan3A) -> (i32)  : i32 {
      %mul3A_32 = arith.constant 2 : i32
      %mul3A_33 = arith.muli %mul3A_32, %scan3A_30 : i32
      %add3A_34 = arith.addi %mul3A_6, %mul3A_33 : i32
      %add3A_35 = arith.constant 1 : i32
      %add3A_36 = arith.addi %add3A_34, %add3A_35 : i32
      "tpu.region"() ({
        %run_scoped3A_69 = tpu.sem_alloc : memref<!tpu.dma_semaphore, #tpu.memory_space<semaphore_mem>>
        %dma_start3A_70 = arith.constant 0 : i32
        %dma_start3A_71 = arith.constant 0 : i32
        %dma_start3A_72 = tpu.memref_slice %arg3[%add3A_36, %dma_start3A_70, %dma_start3A_71] : memref<2561x2x128xi32, #tpu.memory_space<hbm>> -> memref<1x2x128xi32, #tpu.memory_space<hbm>>
        %dma_start3A_73 = tpu.memref_squeeze %dma_start3A_72 : memref<1x2x128xi32, #tpu.memory_space<hbm>> -> memref<2x128xi32, #tpu.memory_space<hbm>>
        %dma_start3A_74 = arith.constant 0 : i32
        %dma_start3A_75 = arith.constant 0 : i32
        %dma_start3A_76 = tpu.memref_slice %arg3[%add3A_36, %dma_start3A_74, %dma_start3A_75] : memref<2561x2x128xi32, #tpu.memory_space<hbm>> -> memref<1x2x128xi32, #tpu.memory_space<hbm>>
        %dma_start3A_77 = tpu.memref_squeeze %dma_start3A_76 : memref<1x2x128xi32, #tpu.memory_space<hbm>> -> memref<2x128xi32, #tpu.memory_space<hbm>>
        tpu.enqueue_dma source(%dma_start3A_77 : memref<2x128xi32, #tpu.memory_space<hbm>>) target(%arg7 : memref<2x128xi32, #tpu.memory_space<vmem>>) target_semaphore(%run_scoped3A_69 : memref<!tpu.dma_semaphore, #tpu.memory_space<semaphore_mem>>)
        %dma_wait3A_78 = arith.constant 0 : i32
        %dma_wait3A_79 = arith.constant 0 : i32
        %dma_wait3A_80 = tpu.memref_slice %arg3[%add3A_36, %dma_wait3A_78, %dma_wait3A_79] : memref<2561x2x128xi32, #tpu.memory_space<hbm>> -> memref<1x2x128xi32, #tpu.memory_space<hbm>>
        %dma_wait3A_81 = tpu.memref_squeeze %dma_wait3A_80 : memref<1x2x128xi32, #tpu.memory_space<hbm>> -> memref<2x128xi32, #tpu.memory_space<hbm>>
        %dma_wait3A_82 = arith.constant 0 : i32
        %dma_wait3A_83 = arith.constant 0 : i32
        %dma_wait3A_84 = tpu.memref_slice %arg3[%add3A_36, %dma_wait3A_82, %dma_wait3A_83] : memref<2561x2x128xi32, #tpu.memory_space<hbm>> -> memref<1x2x128xi32, #tpu.memory_space<hbm>>
        %dma_wait3A_85 = tpu.memref_squeeze %dma_wait3A_84 : memref<1x2x128xi32, #tpu.memory_space<hbm>> -> memref<2x128xi32, #tpu.memory_space<hbm>>
        tpu.wait_dma2 semaphore(%run_scoped3A_69 : memref<!tpu.dma_semaphore, #tpu.memory_space<semaphore_mem>>) src(%dma_wait3A_85 : memref<2x128xi32, #tpu.memory_space<hbm>>) dst(%arg7 : memref<2x128xi32, #tpu.memory_space<vmem>>)
        tpu.yield
      }) : () -> ()
      %dma_start3A_37 = arith.constant 0 : i32
      %dma_start3A_38 = arith.constant 0 : i32
      %dma_start3A_39 = tpu.memref_slice %arg7[%dma_start3A_37, %dma_start3A_38] : memref<2x128xi32, #tpu.memory_space<vmem>> -> memref<1x128xi32, #tpu.memory_space<vmem>>
      %dma_start3A_40 = tpu.memref_squeeze %dma_start3A_39 : memref<1x128xi32, #tpu.memory_space<vmem>> -> memref<128xi32, #tpu.memory_space<vmem>>
      %dma_start3A_41 = arith.constant 0 : i32
      %dma_start3A_42 = arith.constant 0 : i32
      %dma_start3A_43 = tpu.memref_slice %arg2[%dma_start3A_41, %dma_start3A_42] : memref<10000x128xf32, #tpu.memory_space<hbm>> -> memref<10000x128xf32, #tpu.memory_space<hbm>>
      tpu.enqueue_indirect_dma source(%dma_start3A_43 : memref<10000x128xf32, #tpu.memory_space<hbm>>) target(%arg9 : memref<128x128xf32, #tpu.memory_space<vmem>>) offsets(%dma_start3A_40 : memref<128xi32, #tpu.memory_space<vmem>>) semaphore(%arg11 : memref<!tpu.dma_semaphore, #tpu.memory_space<semaphore_mem>>)
      %dma_wait3A_44 = arith.constant 0 : i32
      %dma_wait3A_45 = arith.constant 0 : i32
      %dma_wait3A_46 = tpu.memref_slice %arg6[%dma_wait3A_44, %dma_wait3A_45] : memref<2x128xi32, #tpu.memory_space<vmem>> -> memref<1x128xi32, #tpu.memory_space<vmem>>
      %dma_wait3A_47 = tpu.memref_squeeze %dma_wait3A_46 : memref<1x128xi32, #tpu.memory_space<vmem>> -> memref<128xi32, #tpu.memory_space<vmem>>
      %dma_wait3A_48 = arith.constant 0 : i32
      %dma_wait3A_49 = arith.constant 0 : i32
      %dma_wait3A_50 = tpu.memref_slice %arg2[%dma_wait3A_48, %dma_wait3A_49] : memref<10000x128xf32, #tpu.memory_space<hbm>> -> memref<10000x128xf32, #tpu.memory_space<hbm>>
      tpu.wait_indirect_dma semaphore(%arg11 : memref<!tpu.dma_semaphore, #tpu.memory_space<semaphore_mem>>) src(%dma_wait3A_50 : memref<10000x128xf32, #tpu.memory_space<hbm>>) dst(%arg8 : memref<128x128xf32, #tpu.memory_space<vmem>>)
      %run_scoped3A = arith.constant 1 : i32
      "tpu.region"() ({
        %run_scoped3A_69 = tpu.sem_alloc : memref<!tpu.dma_semaphore, #tpu.memory_space<semaphore_mem>>
        %dma_start3A_70 = arith.constant 0 : i32
        %dma_start3A_71 = tpu.memref_slice %arg6[%run_scoped3A, %dma_start3A_70] : memref<2x128xi32, #tpu.memory_space<vmem>> -> memref<1x128xi32, #tpu.memory_space<vmem>>
        %dma_start3A_72 = tpu.memref_squeeze %dma_start3A_71 : memref<1x128xi32, #tpu.memory_space<vmem>> -> memref<128xi32, #tpu.memory_space<vmem>>
        %dma_start3A_73 = arith.constant 0 : i32
        %dma_start3A_74 = arith.constant 0 : i32
        %dma_start3A_75 = tpu.memref_slice %arg10[%dma_start3A_73, %dma_start3A_74] : memref<10112x128xf32, #tpu.memory_space<vmem_shared>> -> memref<10112x128xf32, #tpu.memory_space<vmem_shared>>
        tpu.enqueue_indirect_dma source(%arg8 : memref<128x128xf32, #tpu.memory_space<vmem>>) target(%dma_start3A_75 : memref<10112x128xf32, #tpu.memory_space<vmem_shared>>) offsets(%dma_start3A_72 : memref<128xi32, #tpu.memory_space<vmem>>) semaphore(%run_scoped3A_69 : memref<!tpu.dma_semaphore, #tpu.memory_space<semaphore_mem>>) {add = true}
        %dma_wait3A_76 = arith.constant 0 : i32
        %dma_wait3A_77 = tpu.memref_slice %arg6[%run_scoped3A, %dma_wait3A_76] : memref<2x128xi32, #tpu.memory_space<vmem>> -> memref<1x128xi32, #tpu.memory_space<vmem>>
        %dma_wait3A_78 = tpu.memref_squeeze %dma_wait3A_77 : memref<1x128xi32, #tpu.memory_space<vmem>> -> memref<128xi32, #tpu.memory_space<vmem>>
        %dma_wait3A_79 = arith.constant 0 : i32
        %dma_wait3A_80 = arith.constant 0 : i32
        %dma_wait3A_81 = tpu.memref_slice %arg10[%dma_wait3A_79, %dma_wait3A_80] : memref<10112x128xf32, #tpu.memory_space<vmem_shared>> -> memref<10112x128xf32, #tpu.memory_space<vmem_shared>>
        tpu.wait_indirect_dma semaphore(%run_scoped3A_69 : memref<!tpu.dma_semaphore, #tpu.memory_space<semaphore_mem>>) src(%arg8 : memref<128x128xf32, #tpu.memory_space<vmem>>) dst(%dma_wait3A_81 : memref<10112x128xf32, #tpu.memory_space<vmem_shared>>)
        tpu.yield
      }) : () -> ()
      %add3A_51 = arith.constant 1 : i32
      %add3A_52 = arith.addi %add3A_36, %add3A_51 : i32
      "tpu.region"() ({
        %run_scoped3A_69 = tpu.sem_alloc : memref<!tpu.dma_semaphore, #tpu.memory_space<semaphore_mem>>
        %dma_start3A_70 = arith.constant 0 : i32
        %dma_start3A_71 = arith.constant 0 : i32
        %dma_start3A_72 = tpu.memref_slice %arg3[%add3A_52, %dma_start3A_70, %dma_start3A_71] : memref<2561x2x128xi32, #tpu.memory_space<hbm>> -> memref<1x2x128xi32, #tpu.memory_space<hbm>>
        %dma_start3A_73 = tpu.memref_squeeze %dma_start3A_72 : memref<1x2x128xi32, #tpu.memory_space<hbm>> -> memref<2x128xi32, #tpu.memory_space<hbm>>
        %dma_start3A_74 = arith.constant 0 : i32
        %dma_start3A_75 = arith.constant 0 : i32
        %dma_start3A_76 = tpu.memref_slice %arg3[%add3A_52, %dma_start3A_74, %dma_start3A_75] : memref<2561x2x128xi32, #tpu.memory_space<hbm>> -> memref<1x2x128xi32, #tpu.memory_space<hbm>>
        %dma_start3A_77 = tpu.memref_squeeze %dma_start3A_76 : memref<1x2x128xi32, #tpu.memory_space<hbm>> -> memref<2x128xi32, #tpu.memory_space<hbm>>
        tpu.enqueue_dma source(%dma_start3A_77 : memref<2x128xi32, #tpu.memory_space<hbm>>) target(%arg6 : memref<2x128xi32, #tpu.memory_space<vmem>>) target_semaphore(%run_scoped3A_69 : memref<!tpu.dma_semaphore, #tpu.memory_space<semaphore_mem>>)
        %dma_wait3A_78 = arith.constant 0 : i32
        %dma_wait3A_79 = arith.constant 0 : i32
        %dma_wait3A_80 = tpu.memref_slice %arg3[%add3A_52, %dma_wait3A_78, %dma_wait3A_79] : memref<2561x2x128xi32, #tpu.memory_space<hbm>> -> memref<1x2x128xi32, #tpu.memory_space<hbm>>
        %dma_wait3A_81 = tpu.memref_squeeze %dma_wait3A_80 : memref<1x2x128xi32, #tpu.memory_space<hbm>> -> memref<2x128xi32, #tpu.memory_space<hbm>>
        %dma_wait3A_82 = arith.constant 0 : i32
        %dma_wait3A_83 = arith.constant 0 : i32
        %dma_wait3A_84 = tpu.memref_slice %arg3[%add3A_52, %dma_wait3A_82, %dma_wait3A_83] : memref<2561x2x128xi32, #tpu.memory_space<hbm>> -> memref<1x2x128xi32, #tpu.memory_space<hbm>>
        %dma_wait3A_85 = tpu.memref_squeeze %dma_wait3A_84 : memref<1x2x128xi32, #tpu.memory_space<hbm>> -> memref<2x128xi32, #tpu.memory_space<hbm>>
        tpu.wait_dma2 semaphore(%run_scoped3A_69 : memref<!tpu.dma_semaphore, #tpu.memory_space<semaphore_mem>>) src(%dma_wait3A_85 : memref<2x128xi32, #tpu.memory_space<hbm>>) dst(%arg6 : memref<2x128xi32, #tpu.memory_space<vmem>>)
        tpu.yield
      }) : () -> ()
      %dma_start3A_53 = arith.constant 0 : i32
      %dma_start3A_54 = arith.constant 0 : i32
      %dma_start3A_55 = tpu.memref_slice %arg6[%dma_start3A_53, %dma_start3A_54] : memref<2x128xi32, #tpu.memory_space<vmem>> -> memref<1x128xi32, #tpu.memory_space<vmem>>
      %dma_start3A_56 = tpu.memref_squeeze %dma_start3A_55 : memref<1x128xi32, #tpu.memory_space<vmem>> -> memref<128xi32, #tpu.memory_space<vmem>>
      %dma_start3A_57 = arith.constant 0 : i32
      %dma_start3A_58 = arith.constant 0 : i32
      %dma_start3A_59 = tpu.memref_slice %arg2[%dma_start3A_57, %dma_start3A_58] : memref<10000x128xf32, #tpu.memory_space<hbm>> -> memref<10000x128xf32, #tpu.memory_space<hbm>>
      tpu.enqueue_indirect_dma source(%dma_start3A_59 : memref<10000x128xf32, #tpu.memory_space<hbm>>) target(%arg8 : memref<128x128xf32, #tpu.memory_space<vmem>>) offsets(%dma_start3A_56 : memref<128xi32, #tpu.memory_space<vmem>>) semaphore(%arg11 : memref<!tpu.dma_semaphore, #tpu.memory_space<semaphore_mem>>)
      %dma_wait3A_60 = arith.constant 0 : i32
      %dma_wait3A_61 = arith.constant 0 : i32
      %dma_wait3A_62 = tpu.memref_slice %arg6[%dma_wait3A_60, %dma_wait3A_61] : memref<2x128xi32, #tpu.memory_space<vmem>> -> memref<1x128xi32, #tpu.memory_space<vmem>>
      %dma_wait3A_63 = tpu.memref_squeeze %dma_wait3A_62 : memref<1x128xi32, #tpu.memory_space<vmem>> -> memref<128xi32, #tpu.memory_space<vmem>>
      %dma_wait3A_64 = arith.constant 0 : i32
      %dma_wait3A_65 = arith.constant 0 : i32
      %dma_wait3A_66 = tpu.memref_slice %arg2[%dma_wait3A_64, %dma_wait3A_65] : memref<10000x128xf32, #tpu.memory_space<hbm>> -> memref<10000x128xf32, #tpu.memory_space<hbm>>
      tpu.wait_indirect_dma semaphore(%arg11 : memref<!tpu.dma_semaphore, #tpu.memory_space<semaphore_mem>>) src(%dma_wait3A_66 : memref<10000x128xf32, #tpu.memory_space<hbm>>) dst(%arg9 : memref<128x128xf32, #tpu.memory_space<vmem>>)
      %run_scoped3A_67 = arith.constant 1 : i32
      "tpu.region"() ({
        %run_scoped3A_69 = tpu.sem_alloc : memref<!tpu.dma_semaphore, #tpu.memory_space<semaphore_mem>>
        %dma_start3A_70 = arith.constant 0 : i32
        %dma_start3A_71 = tpu.memref_slice %arg7[%run_scoped3A_67, %dma_start3A_70] : memref<2x128xi32, #tpu.memory_space<vmem>> -> memref<1x128xi32, #tpu.memory_space<vmem>>
        %dma_start3A_72 = tpu.memref_squeeze %dma_start3A_71 : memref<1x128xi32, #tpu.memory_space<vmem>> -> memref<128xi32, #tpu.memory_space<vmem>>
        %dma_start3A_73 = arith.constant 0 : i32
        %dma_start3A_74 = arith.constant 0 : i32
        %dma_start3A_75 = tpu.memref_slice %arg10[%dma_start3A_73, %dma_start3A_74] : memref<10112x128xf32, #tpu.memory_space<vmem_shared>> -> memref<10112x128xf32, #tpu.memory_space<vmem_shared>>
        tpu.enqueue_indirect_dma source(%arg9 : memref<128x128xf32, #tpu.memory_space<vmem>>) target(%dma_start3A_75 : memref<10112x128xf32, #tpu.memory_space<vmem_shared>>) offsets(%dma_start3A_72 : memref<128xi32, #tpu.memory_space<vmem>>) semaphore(%run_scoped3A_69 : memref<!tpu.dma_semaphore, #tpu.memory_space<semaphore_mem>>) {add = true}
        %dma_wait3A_76 = arith.constant 0 : i32
        %dma_wait3A_77 = tpu.memref_slice %arg7[%run_scoped3A_67, %dma_wait3A_76] : memref<2x128xi32, #tpu.memory_space<vmem>> -> memref<1x128xi32, #tpu.memory_space<vmem>>
        %dma_wait3A_78 = tpu.memref_squeeze %dma_wait3A_77 : memref<1x128xi32, #tpu.memory_space<vmem>> -> memref<128xi32, #tpu.memory_space<vmem>>
        %dma_wait3A_79 = arith.constant 0 : i32
        %dma_wait3A_80 = arith.constant 0 : i32
        %dma_wait3A_81 = tpu.memref_slice %arg10[%dma_wait3A_79, %dma_wait3A_80] : memref<10112x128xf32, #tpu.memory_space<vmem_shared>> -> memref<10112x128xf32, #tpu.memory_space<vmem_shared>>
        tpu.wait_indirect_dma semaphore(%run_scoped3A_69 : memref<!tpu.dma_semaphore, #tpu.memory_space<semaphore_mem>>) src(%arg9 : memref<128x128xf32, #tpu.memory_space<vmem>>) dst(%dma_wait3A_81 : memref<10112x128xf32, #tpu.memory_space<vmem_shared>>)
        tpu.yield
      }) : () -> ()
      %scan3A_68 = arith.constant 0 : i32
      scf.yield %scan3A_68 : i32
    }
    %scan3A_18 = arith.constant 40 : i32
    %dma_wait3A = arith.constant 0 : i32
    %dma_wait3A_19 = arith.constant 0 : i32
    %dma_wait3A_20 = tpu.memref_slice %arg6[%dma_wait3A, %dma_wait3A_19] : memref<2x128xi32, #tpu.memory_space<vmem>> -> memref<1x128xi32, #tpu.memory_space<vmem>>
    %dma_wait3A_21 = tpu.memref_squeeze %dma_wait3A_20 : memref<1x128xi32, #tpu.memory_space<vmem>> -> memref<128xi32, #tpu.memory_space<vmem>>
    %dma_wait3A_22 = arith.constant 0 : i32
    %dma_wait3A_23 = arith.constant 0 : i32
    %dma_wait3A_24 = tpu.memref_slice %arg2[%dma_wait3A_22, %dma_wait3A_23] : memref<10000x128xf32, #tpu.memory_space<hbm>> -> memref<10000x128xf32, #tpu.memory_space<hbm>>
    tpu.wait_indirect_dma semaphore(%arg11 : memref<!tpu.dma_semaphore, #tpu.memory_space<semaphore_mem>>) src(%dma_wait3A_24 : memref<10000x128xf32, #tpu.memory_space<hbm>>) dst(%arg8 : memref<128x128xf32, #tpu.memory_space<vmem>>)
    %barrier3A_25 = arith.constant 0 : index
    tpu.barrier barrier_id(%barrier3A_25)
    %mul3A_26 = arith.constant 632 : i32
    %mul3A_27 = arith.muli %arg1, %mul3A_26 : i32
    %mul3A_28 = arith.constant 632 : i32
    %mul3A_29 = arith.muli %arg1, %mul3A_28 : i32
    "tpu.region"() ({
      %run_scoped3A = tpu.sem_alloc : memref<!tpu.dma_semaphore, #tpu.memory_space<semaphore_mem>>
      %dma_start3A_30 = arith.constant 0 : i32
      %dma_start3A_31 = tpu.memref_slice %arg5[%arg0, %mul3A_29, %dma_start3A_30] : memref<2x10112x128xf32, #tpu.memory_space<hbm>> -> memref<1x632x128xf32, #tpu.memory_space<hbm>>
      %dma_start3A_32 = tpu.memref_squeeze %dma_start3A_31 : memref<1x632x128xf32, #tpu.memory_space<hbm>> -> memref<632x128xf32, #tpu.memory_space<hbm>>
      %dma_start3A_33 = arith.constant 0 : i32
      %dma_start3A_34 = tpu.memref_slice %arg10[%mul3A_27, %dma_start3A_33] : memref<10112x128xf32, #tpu.memory_space<vmem_shared>> -> memref<632x128xf32, #tpu.memory_space<vmem_shared>>
      tpu.enqueue_dma source(%dma_start3A_34 : memref<632x128xf32, #tpu.memory_space<vmem_shared>>) target(%dma_start3A_32 : memref<632x128xf32, #tpu.memory_space<hbm>>) target_semaphore(%run_scoped3A : memref<!tpu.dma_semaphore, #tpu.memory_space<semaphore_mem>>)
      %dma_wait3A_35 = arith.constant 0 : i32
      %dma_wait3A_36 = tpu.memref_slice %arg5[%arg0, %mul3A_29, %dma_wait3A_35] : memref<2x10112x128xf32, #tpu.memory_space<hbm>> -> memref<1x632x128xf32, #tpu.memory_space<hbm>>
      %dma_wait3A_37 = tpu.memref_squeeze %dma_wait3A_36 : memref<1x632x128xf32, #tpu.memory_space<hbm>> -> memref<632x128xf32, #tpu.memory_space<hbm>>
      %dma_wait3A_38 = arith.constant 0 : i32
      %dma_wait3A_39 = tpu.memref_slice %arg10[%mul3A_27, %dma_wait3A_38] : memref<10112x128xf32, #tpu.memory_space<vmem_shared>> -> memref<632x128xf32, #tpu.memory_space<vmem_shared>>
      tpu.wait_dma2 semaphore(%run_scoped3A : memref<!tpu.dma_semaphore, #tpu.memory_space<semaphore_mem>>) src(%dma_wait3A_39 : memref<632x128xf32, #tpu.memory_space<vmem_shared>>) dst(%dma_wait3A_37 : memref<632x128xf32, #tpu.memory_space<hbm>>)
      tpu.yield
    }) : () -> ()
    return
  }
}

#map = affine_map<(d0, d1) -> (0, 0)>
#map1 = affine_map<(d0, d1) -> (0, 0, 0)>
module attributes {stable_mosaic.version = 14 : i64} {
  func.func @_agg_sc(%arg0: i32, %arg1: i32, %arg2: memref<10000x128xf32, #tpu.memory_space<hbm>>, %arg3: memref<2561x2x128xi32, #tpu.memory_space<hbm>>, %arg4: memref<10112x128xf32, #tpu.memory_space<hbm>>, %arg5: memref<2x10112x128xf32, #tpu.memory_space<hbm>>, %arg6: memref<2x128xi32, #tpu.memory_space<vmem>>, %arg7: memref<2x128xi32, #tpu.memory_space<vmem>>, %arg8: memref<128x128xf32, #tpu.memory_space<vmem>>, %arg9: memref<128x128xf32, #tpu.memory_space<vmem>>, %arg10: memref<10112x128xf32, #tpu.memory_space<vmem_shared>>, %arg11: memref<!tpu.dma_semaphore, #tpu.memory_space<semaphore_mem>>) attributes {dimension_semantics = [#tpu.dimension_semantics<core_parallel>, #tpu.dimension_semantics<subcore_parallel>], iteration_bounds = array<i64: 2, 16>, scalar_prefetch = 0 : i64, scratch_operands = 6 : i64, tpu.core_type = #tpu.core_type<sc_vector_subcore>, window_params = [{transform_indices = #map}, {transform_indices = #map1}, {transform_indices = #map}, {transform_indices = #map1}]} {
    %mul3A = arith.constant 2 : i32
    %mul3A_0 = arith.muli %arg1, %mul3A : i32
    %add3A = arith.addi %mul3A_0, %arg0 : i32
    %mul3A_1 = arith.constant 632 : i32
    %mul3A_2 = arith.muli %arg1, %mul3A_1 : i32
    %mul3A_3 = arith.constant 632 : i32
    %mul3A_4 = arith.muli %arg1, %mul3A_3 : i32
    "tpu.region"() ({
      %run_scoped3A = tpu.sem_alloc : memref<!tpu.dma_semaphore, #tpu.memory_space<semaphore_mem>>
      %dma_start3A_30 = arith.constant 0 : i32
      %dma_start3A_31 = tpu.memref_slice %arg10[%mul3A_4, %dma_start3A_30] : memref<10112x128xf32, #tpu.memory_space<vmem_shared>> -> memref<632x128xf32, #tpu.memory_space<vmem_shared>>
      %dma_start3A_32 = arith.constant 0 : i32
      %dma_start3A_33 = tpu.memref_slice %arg4[%mul3A_2, %dma_start3A_32] : memref<10112x128xf32, #tpu.memory_space<hbm>> -> memref<632x128xf32, #tpu.memory_space<hbm>>
      tpu.enqueue_dma source(%dma_start3A_33 : memref<632x128xf32, #tpu.memory_space<hbm>>) target(%dma_start3A_31 : memref<632x128xf32, #tpu.memory_space<vmem_shared>>) target_semaphore(%run_scoped3A : memref<!tpu.dma_semaphore, #tpu.memory_space<semaphore_mem>>)
      %dma_wait3A_34 = arith.constant 0 : i32
      %dma_wait3A_35 = tpu.memref_slice %arg10[%mul3A_4, %dma_wait3A_34] : memref<10112x128xf32, #tpu.memory_space<vmem_shared>> -> memref<632x128xf32, #tpu.memory_space<vmem_shared>>
      %dma_wait3A_36 = arith.constant 0 : i32
      %dma_wait3A_37 = tpu.memref_slice %arg4[%mul3A_2, %dma_wait3A_36] : memref<10112x128xf32, #tpu.memory_space<hbm>> -> memref<632x128xf32, #tpu.memory_space<hbm>>
      tpu.wait_dma2 semaphore(%run_scoped3A : memref<!tpu.dma_semaphore, #tpu.memory_space<semaphore_mem>>) src(%dma_wait3A_37 : memref<632x128xf32, #tpu.memory_space<hbm>>) dst(%dma_wait3A_35 : memref<632x128xf32, #tpu.memory_space<vmem_shared>>)
      tpu.yield
    }) : () -> ()
    %barrier3A = arith.constant 0 : index
    tpu.barrier barrier_id(%barrier3A)
    %mul3A_5 = arith.constant 80 : i32
    %mul3A_6 = arith.muli %add3A, %mul3A_5 : i32
    "tpu.region"() ({
      %run_scoped3A = tpu.sem_alloc : memref<!tpu.dma_semaphore, #tpu.memory_space<semaphore_mem>>
      %dma_start3A_30 = arith.constant 0 : i32
      %dma_start3A_31 = arith.constant 0 : i32
      %dma_start3A_32 = tpu.memref_slice %arg3[%mul3A_6, %dma_start3A_30, %dma_start3A_31] : memref<2561x2x128xi32, #tpu.memory_space<hbm>> -> memref<1x2x128xi32, #tpu.memory_space<hbm>>
      %dma_start3A_33 = tpu.memref_squeeze %dma_start3A_32 : memref<1x2x128xi32, #tpu.memory_space<hbm>> -> memref<2x128xi32, #tpu.memory_space<hbm>>
      %dma_start3A_34 = arith.constant 0 : i32
      %dma_start3A_35 = arith.constant 0 : i32
      %dma_start3A_36 = tpu.memref_slice %arg3[%mul3A_6, %dma_start3A_34, %dma_start3A_35] : memref<2561x2x128xi32, #tpu.memory_space<hbm>> -> memref<1x2x128xi32, #tpu.memory_space<hbm>>
      %dma_start3A_37 = tpu.memref_squeeze %dma_start3A_36 : memref<1x2x128xi32, #tpu.memory_space<hbm>> -> memref<2x128xi32, #tpu.memory_space<hbm>>
      tpu.enqueue_dma source(%dma_start3A_37 : memref<2x128xi32, #tpu.memory_space<hbm>>) target(%arg6 : memref<2x128xi32, #tpu.memory_space<vmem>>) target_semaphore(%run_scoped3A : memref<!tpu.dma_semaphore, #tpu.memory_space<semaphore_mem>>)
      %dma_wait3A_38 = arith.constant 0 : i32
      %dma_wait3A_39 = arith.constant 0 : i32
      %dma_wait3A_40 = tpu.memref_slice %arg3[%mul3A_6, %dma_wait3A_38, %dma_wait3A_39] : memref<2561x2x128xi32, #tpu.memory_space<hbm>> -> memref<1x2x128xi32, #tpu.memory_space<hbm>>
      %dma_wait3A_41 = tpu.memref_squeeze %dma_wait3A_40 : memref<1x2x128xi32, #tpu.memory_space<hbm>> -> memref<2x128xi32, #tpu.memory_space<hbm>>
      %dma_wait3A_42 = arith.constant 0 : i32
      %dma_wait3A_43 = arith.constant 0 : i32
      %dma_wait3A_44 = tpu.memref_slice %arg3[%mul3A_6, %dma_wait3A_42, %dma_wait3A_43] : memref<2561x2x128xi32, #tpu.memory_space<hbm>> -> memref<1x2x128xi32, #tpu.memory_space<hbm>>
      %dma_wait3A_45 = tpu.memref_squeeze %dma_wait3A_44 : memref<1x2x128xi32, #tpu.memory_space<hbm>> -> memref<2x128xi32, #tpu.memory_space<hbm>>
      tpu.wait_dma2 semaphore(%run_scoped3A : memref<!tpu.dma_semaphore, #tpu.memory_space<semaphore_mem>>) src(%dma_wait3A_45 : memref<2x128xi32, #tpu.memory_space<hbm>>) dst(%arg6 : memref<2x128xi32, #tpu.memory_space<vmem>>)
      tpu.yield
    }) : () -> ()
    %dma_start3A = arith.constant 0 : i32
    %dma_start3A_7 = arith.constant 0 : i32
    %dma_start3A_8 = tpu.memref_slice %arg6[%dma_start3A, %dma_start3A_7] : memref<2x128xi32, #tpu.memory_space<vmem>> -> memref<1x128xi32, #tpu.memory_space<vmem>>
    %dma_start3A_9 = tpu.memref_squeeze %dma_start3A_8 : memref<1x128xi32, #tpu.memory_space<vmem>> -> memref<128xi32, #tpu.memory_space<vmem>>
    %dma_start3A_10 = arith.constant 0 : i32
    %dma_start3A_11 = arith.constant 0 : i32
    %dma_start3A_12 = tpu.memref_slice %arg2[%dma_start3A_10, %dma_start3A_11] : memref<10000x128xf32, #tpu.memory_space<hbm>> -> memref<10000x128xf32, #tpu.memory_space<hbm>>
    tpu.enqueue_indirect_dma source(%dma_start3A_12 : memref<10000x128xf32, #tpu.memory_space<hbm>>) target(%arg8 : memref<128x128xf32, #tpu.memory_space<vmem>>) offsets(%dma_start3A_9 : memref<128xi32, #tpu.memory_space<vmem>>) semaphore(%arg11 : memref<!tpu.dma_semaphore, #tpu.memory_space<semaphore_mem>>)
    %scan3A = arith.constant 0 : i32
    %scan3A_13 = arith.constant 0 : i32
    %scan3A_14 = arith.constant 40 : i32
    %scan3A_15 = arith.addi %scan3A_13, %scan3A_14 : i32
    %scan3A_16 = arith.constant 1 : i32
    %scan3A_17 = scf.for %scan3A_30 = %scan3A_13 to %scan3A_15 step %scan3A_16 iter_args(%scan3A_31 = %scan3A) -> (i32)  : i32 {
      %mul3A_32 = arith.constant 2 : i32
      %mul3A_33 = arith.muli %mul3A_32, %scan3A_30 : i32
      %add3A_34 = arith.addi %mul3A_6, %mul3A_33 : i32
      %add3A_35 = arith.constant 1 : i32
      %add3A_36 = arith.addi %add3A_34, %add3A_35 : i32
      "tpu.region"() ({
        %run_scoped3A_69 = tpu.sem_alloc : memref<!tpu.dma_semaphore, #tpu.memory_space<semaphore_mem>>
        %dma_start3A_70 = arith.constant 0 : i32
        %dma_start3A_71 = arith.constant 0 : i32
        %dma_start3A_72 = tpu.memref_slice %arg3[%add3A_36, %dma_start3A_70, %dma_start3A_71] : memref<2561x2x128xi32, #tpu.memory_space<hbm>> -> memref<1x2x128xi32, #tpu.memory_space<hbm>>
        %dma_start3A_73 = tpu.memref_squeeze %dma_start3A_72 : memref<1x2x128xi32, #tpu.memory_space<hbm>> -> memref<2x128xi32, #tpu.memory_space<hbm>>
        %dma_start3A_74 = arith.constant 0 : i32
        %dma_start3A_75 = arith.constant 0 : i32
        %dma_start3A_76 = tpu.memref_slice %arg3[%add3A_36, %dma_start3A_74, %dma_start3A_75] : memref<2561x2x128xi32, #tpu.memory_space<hbm>> -> memref<1x2x128xi32, #tpu.memory_space<hbm>>
        %dma_start3A_77 = tpu.memref_squeeze %dma_start3A_76 : memref<1x2x128xi32, #tpu.memory_space<hbm>> -> memref<2x128xi32, #tpu.memory_space<hbm>>
        tpu.enqueue_dma source(%dma_start3A_77 : memref<2x128xi32, #tpu.memory_space<hbm>>) target(%arg7 : memref<2x128xi32, #tpu.memory_space<vmem>>) target_semaphore(%run_scoped3A_69 : memref<!tpu.dma_semaphore, #tpu.memory_space<semaphore_mem>>)
        %dma_wait3A_78 = arith.constant 0 : i32
        %dma_wait3A_79 = arith.constant 0 : i32
        %dma_wait3A_80 = tpu.memref_slice %arg3[%add3A_36, %dma_wait3A_78, %dma_wait3A_79] : memref<2561x2x128xi32, #tpu.memory_space<hbm>> -> memref<1x2x128xi32, #tpu.memory_space<hbm>>
        %dma_wait3A_81 = tpu.memref_squeeze %dma_wait3A_80 : memref<1x2x128xi32, #tpu.memory_space<hbm>> -> memref<2x128xi32, #tpu.memory_space<hbm>>
        %dma_wait3A_82 = arith.constant 0 : i32
        %dma_wait3A_83 = arith.constant 0 : i32
        %dma_wait3A_84 = tpu.memref_slice %arg3[%add3A_36, %dma_wait3A_82, %dma_wait3A_83] : memref<2561x2x128xi32, #tpu.memory_space<hbm>> -> memref<1x2x128xi32, #tpu.memory_space<hbm>>
        %dma_wait3A_85 = tpu.memref_squeeze %dma_wait3A_84 : memref<1x2x128xi32, #tpu.memory_space<hbm>> -> memref<2x128xi32, #tpu.memory_space<hbm>>
        tpu.wait_dma2 semaphore(%run_scoped3A_69 : memref<!tpu.dma_semaphore, #tpu.memory_space<semaphore_mem>>) src(%dma_wait3A_85 : memref<2x128xi32, #tpu.memory_space<hbm>>) dst(%arg7 : memref<2x128xi32, #tpu.memory_space<vmem>>)
        tpu.yield
      }) : () -> ()
      %dma_start3A_37 = arith.constant 0 : i32
      %dma_start3A_38 = arith.constant 0 : i32
      %dma_start3A_39 = tpu.memref_slice %arg7[%dma_start3A_37, %dma_start3A_38] : memref<2x128xi32, #tpu.memory_space<vmem>> -> memref<1x128xi32, #tpu.memory_space<vmem>>
      %dma_start3A_40 = tpu.memref_squeeze %dma_start3A_39 : memref<1x128xi32, #tpu.memory_space<vmem>> -> memref<128xi32, #tpu.memory_space<vmem>>
      %dma_start3A_41 = arith.constant 0 : i32
      %dma_start3A_42 = arith.constant 0 : i32
      %dma_start3A_43 = tpu.memref_slice %arg2[%dma_start3A_41, %dma_start3A_42] : memref<10000x128xf32, #tpu.memory_space<hbm>> -> memref<10000x128xf32, #tpu.memory_space<hbm>>
      tpu.enqueue_indirect_dma source(%dma_start3A_43 : memref<10000x128xf32, #tpu.memory_space<hbm>>) target(%arg9 : memref<128x128xf32, #tpu.memory_space<vmem>>) offsets(%dma_start3A_40 : memref<128xi32, #tpu.memory_space<vmem>>) semaphore(%arg11 : memref<!tpu.dma_semaphore, #tpu.memory_space<semaphore_mem>>)
      %dma_wait3A_44 = arith.constant 0 : i32
      %dma_wait3A_45 = arith.constant 0 : i32
      %dma_wait3A_46 = tpu.memref_slice %arg6[%dma_wait3A_44, %dma_wait3A_45] : memref<2x128xi32, #tpu.memory_space<vmem>> -> memref<1x128xi32, #tpu.memory_space<vmem>>
      %dma_wait3A_47 = tpu.memref_squeeze %dma_wait3A_46 : memref<1x128xi32, #tpu.memory_space<vmem>> -> memref<128xi32, #tpu.memory_space<vmem>>
      %dma_wait3A_48 = arith.constant 0 : i32
      %dma_wait3A_49 = arith.constant 0 : i32
      %dma_wait3A_50 = tpu.memref_slice %arg2[%dma_wait3A_48, %dma_wait3A_49] : memref<10000x128xf32, #tpu.memory_space<hbm>> -> memref<10000x128xf32, #tpu.memory_space<hbm>>
      tpu.wait_indirect_dma semaphore(%arg11 : memref<!tpu.dma_semaphore, #tpu.memory_space<semaphore_mem>>) src(%dma_wait3A_50 : memref<10000x128xf32, #tpu.memory_space<hbm>>) dst(%arg8 : memref<128x128xf32, #tpu.memory_space<vmem>>)
      %run_scoped3A = arith.constant 1 : i32
      "tpu.region"() ({
        %run_scoped3A_69 = tpu.sem_alloc : memref<!tpu.dma_semaphore, #tpu.memory_space<semaphore_mem>>
        %dma_start3A_70 = arith.constant 0 : i32
        %dma_start3A_71 = tpu.memref_slice %arg6[%run_scoped3A, %dma_start3A_70] : memref<2x128xi32, #tpu.memory_space<vmem>> -> memref<1x128xi32, #tpu.memory_space<vmem>>
        %dma_start3A_72 = tpu.memref_squeeze %dma_start3A_71 : memref<1x128xi32, #tpu.memory_space<vmem>> -> memref<128xi32, #tpu.memory_space<vmem>>
        %dma_start3A_73 = arith.constant 0 : i32
        %dma_start3A_74 = arith.constant 0 : i32
        %dma_start3A_75 = tpu.memref_slice %arg10[%dma_start3A_73, %dma_start3A_74] : memref<10112x128xf32, #tpu.memory_space<vmem_shared>> -> memref<10112x128xf32, #tpu.memory_space<vmem_shared>>
        tpu.enqueue_indirect_dma source(%arg8 : memref<128x128xf32, #tpu.memory_space<vmem>>) target(%dma_start3A_75 : memref<10112x128xf32, #tpu.memory_space<vmem_shared>>) offsets(%dma_start3A_72 : memref<128xi32, #tpu.memory_space<vmem>>) semaphore(%run_scoped3A_69 : memref<!tpu.dma_semaphore, #tpu.memory_space<semaphore_mem>>) {add = true}
        %dma_wait3A_76 = arith.constant 0 : i32
        %dma_wait3A_77 = tpu.memref_slice %arg6[%run_scoped3A, %dma_wait3A_76] : memref<2x128xi32, #tpu.memory_space<vmem>> -> memref<1x128xi32, #tpu.memory_space<vmem>>
        %dma_wait3A_78 = tpu.memref_squeeze %dma_wait3A_77 : memref<1x128xi32, #tpu.memory_space<vmem>> -> memref<128xi32, #tpu.memory_space<vmem>>
        %dma_wait3A_79 = arith.constant 0 : i32
        %dma_wait3A_80 = arith.constant 0 : i32
        %dma_wait3A_81 = tpu.memref_slice %arg10[%dma_wait3A_79, %dma_wait3A_80] : memref<10112x128xf32, #tpu.memory_space<vmem_shared>> -> memref<10112x128xf32, #tpu.memory_space<vmem_shared>>
        tpu.wait_indirect_dma semaphore(%run_scoped3A_69 : memref<!tpu.dma_semaphore, #tpu.memory_space<semaphore_mem>>) src(%arg8 : memref<128x128xf32, #tpu.memory_space<vmem>>) dst(%dma_wait3A_81 : memref<10112x128xf32, #tpu.memory_space<vmem_shared>>)
        tpu.yield
      }) : () -> ()
      %add3A_51 = arith.constant 1 : i32
      %add3A_52 = arith.addi %add3A_36, %add3A_51 : i32
      "tpu.region"() ({
        %run_scoped3A_69 = tpu.sem_alloc : memref<!tpu.dma_semaphore, #tpu.memory_space<semaphore_mem>>
        %dma_start3A_70 = arith.constant 0 : i32
        %dma_start3A_71 = arith.constant 0 : i32
        %dma_start3A_72 = tpu.memref_slice %arg3[%add3A_52, %dma_start3A_70, %dma_start3A_71] : memref<2561x2x128xi32, #tpu.memory_space<hbm>> -> memref<1x2x128xi32, #tpu.memory_space<hbm>>
        %dma_start3A_73 = tpu.memref_squeeze %dma_start3A_72 : memref<1x2x128xi32, #tpu.memory_space<hbm>> -> memref<2x128xi32, #tpu.memory_space<hbm>>
        %dma_start3A_74 = arith.constant 0 : i32
        %dma_start3A_75 = arith.constant 0 : i32
        %dma_start3A_76 = tpu.memref_slice %arg3[%add3A_52, %dma_start3A_74, %dma_start3A_75] : memref<2561x2x128xi32, #tpu.memory_space<hbm>> -> memref<1x2x128xi32, #tpu.memory_space<hbm>>
        %dma_start3A_77 = tpu.memref_squeeze %dma_start3A_76 : memref<1x2x128xi32, #tpu.memory_space<hbm>> -> memref<2x128xi32, #tpu.memory_space<hbm>>
        tpu.enqueue_dma source(%dma_start3A_77 : memref<2x128xi32, #tpu.memory_space<hbm>>) target(%arg6 : memref<2x128xi32, #tpu.memory_space<vmem>>) target_semaphore(%run_scoped3A_69 : memref<!tpu.dma_semaphore, #tpu.memory_space<semaphore_mem>>)
        %dma_wait3A_78 = arith.constant 0 : i32
        %dma_wait3A_79 = arith.constant 0 : i32
        %dma_wait3A_80 = tpu.memref_slice %arg3[%add3A_52, %dma_wait3A_78, %dma_wait3A_79] : memref<2561x2x128xi32, #tpu.memory_space<hbm>> -> memref<1x2x128xi32, #tpu.memory_space<hbm>>
        %dma_wait3A_81 = tpu.memref_squeeze %dma_wait3A_80 : memref<1x2x128xi32, #tpu.memory_space<hbm>> -> memref<2x128xi32, #tpu.memory_space<hbm>>
        %dma_wait3A_82 = arith.constant 0 : i32
        %dma_wait3A_83 = arith.constant 0 : i32
        %dma_wait3A_84 = tpu.memref_slice %arg3[%add3A_52, %dma_wait3A_82, %dma_wait3A_83] : memref<2561x2x128xi32, #tpu.memory_space<hbm>> -> memref<1x2x128xi32, #tpu.memory_space<hbm>>
        %dma_wait3A_85 = tpu.memref_squeeze %dma_wait3A_84 : memref<1x2x128xi32, #tpu.memory_space<hbm>> -> memref<2x128xi32, #tpu.memory_space<hbm>>
        tpu.wait_dma2 semaphore(%run_scoped3A_69 : memref<!tpu.dma_semaphore, #tpu.memory_space<semaphore_mem>>) src(%dma_wait3A_85 : memref<2x128xi32, #tpu.memory_space<hbm>>) dst(%arg6 : memref<2x128xi32, #tpu.memory_space<vmem>>)
        tpu.yield
      }) : () -> ()
      %dma_start3A_53 = arith.constant 0 : i32
      %dma_start3A_54 = arith.constant 0 : i32
      %dma_start3A_55 = tpu.memref_slice %arg6[%dma_start3A_53, %dma_start3A_54] : memref<2x128xi32, #tpu.memory_space<vmem>> -> memref<1x128xi32, #tpu.memory_space<vmem>>
      %dma_start3A_56 = tpu.memref_squeeze %dma_start3A_55 : memref<1x128xi32, #tpu.memory_space<vmem>> -> memref<128xi32, #tpu.memory_space<vmem>>
      %dma_start3A_57 = arith.constant 0 : i32
      %dma_start3A_58 = arith.constant 0 : i32
      %dma_start3A_59 = tpu.memref_slice %arg2[%dma_start3A_57, %dma_start3A_58] : memref<10000x128xf32, #tpu.memory_space<hbm>> -> memref<10000x128xf32, #tpu.memory_space<hbm>>
      tpu.enqueue_indirect_dma source(%dma_start3A_59 : memref<10000x128xf32, #tpu.memory_space<hbm>>) target(%arg8 : memref<128x128xf32, #tpu.memory_space<vmem>>) offsets(%dma_start3A_56 : memref<128xi32, #tpu.memory_space<vmem>>) semaphore(%arg11 : memref<!tpu.dma_semaphore, #tpu.memory_space<semaphore_mem>>)
      %dma_wait3A_60 = arith.constant 0 : i32
      %dma_wait3A_61 = arith.constant 0 : i32
      %dma_wait3A_62 = tpu.memref_slice %arg6[%dma_wait3A_60, %dma_wait3A_61] : memref<2x128xi32, #tpu.memory_space<vmem>> -> memref<1x128xi32, #tpu.memory_space<vmem>>
      %dma_wait3A_63 = tpu.memref_squeeze %dma_wait3A_62 : memref<1x128xi32, #tpu.memory_space<vmem>> -> memref<128xi32, #tpu.memory_space<vmem>>
      %dma_wait3A_64 = arith.constant 0 : i32
      %dma_wait3A_65 = arith.constant 0 : i32
      %dma_wait3A_66 = tpu.memref_slice %arg2[%dma_wait3A_64, %dma_wait3A_65] : memref<10000x128xf32, #tpu.memory_space<hbm>> -> memref<10000x128xf32, #tpu.memory_space<hbm>>
      tpu.wait_indirect_dma semaphore(%arg11 : memref<!tpu.dma_semaphore, #tpu.memory_space<semaphore_mem>>) src(%dma_wait3A_66 : memref<10000x128xf32, #tpu.memory_space<hbm>>) dst(%arg9 : memref<128x128xf32, #tpu.memory_space<vmem>>)
      %run_scoped3A_67 = arith.constant 1 : i32
      "tpu.region"() ({
        %run_scoped3A_69 = tpu.sem_alloc : memref<!tpu.dma_semaphore, #tpu.memory_space<semaphore_mem>>
        %dma_start3A_70 = arith.constant 0 : i32
        %dma_start3A_71 = tpu.memref_slice %arg7[%run_scoped3A_67, %dma_start3A_70] : memref<2x128xi32, #tpu.memory_space<vmem>> -> memref<1x128xi32, #tpu.memory_space<vmem>>
        %dma_start3A_72 = tpu.memref_squeeze %dma_start3A_71 : memref<1x128xi32, #tpu.memory_space<vmem>> -> memref<128xi32, #tpu.memory_space<vmem>>
        %dma_start3A_73 = arith.constant 0 : i32
        %dma_start3A_74 = arith.constant 0 : i32
        %dma_start3A_75 = tpu.memref_slice %arg10[%dma_start3A_73, %dma_start3A_74] : memref<10112x128xf32, #tpu.memory_space<vmem_shared>> -> memref<10112x128xf32, #tpu.memory_space<vmem_shared>>
        tpu.enqueue_indirect_dma source(%arg9 : memref<128x128xf32, #tpu.memory_space<vmem>>) target(%dma_start3A_75 : memref<10112x128xf32, #tpu.memory_space<vmem_shared>>) offsets(%dma_start3A_72 : memref<128xi32, #tpu.memory_space<vmem>>) semaphore(%run_scoped3A_69 : memref<!tpu.dma_semaphore, #tpu.memory_space<semaphore_mem>>) {add = true}
        %dma_wait3A_76 = arith.constant 0 : i32
        %dma_wait3A_77 = tpu.memref_slice %arg7[%run_scoped3A_67, %dma_wait3A_76] : memref<2x128xi32, #tpu.memory_space<vmem>> -> memref<1x128xi32, #tpu.memory_space<vmem>>
        %dma_wait3A_78 = tpu.memref_squeeze %dma_wait3A_77 : memref<1x128xi32, #tpu.memory_space<vmem>> -> memref<128xi32, #tpu.memory_space<vmem>>
        %dma_wait3A_79 = arith.constant 0 : i32
        %dma_wait3A_80 = arith.constant 0 : i32
        %dma_wait3A_81 = tpu.memref_slice %arg10[%dma_wait3A_79, %dma_wait3A_80] : memref<10112x128xf32, #tpu.memory_space<vmem_shared>> -> memref<10112x128xf32, #tpu.memory_space<vmem_shared>>
        tpu.wait_indirect_dma semaphore(%run_scoped3A_69 : memref<!tpu.dma_semaphore, #tpu.memory_space<semaphore_mem>>) src(%arg9 : memref<128x128xf32, #tpu.memory_space<vmem>>) dst(%dma_wait3A_81 : memref<10112x128xf32, #tpu.memory_space<vmem_shared>>)
        tpu.yield
      }) : () -> ()
      %scan3A_68 = arith.constant 0 : i32
      scf.yield %scan3A_68 : i32
    }
    %scan3A_18 = arith.constant 40 : i32
    %dma_wait3A = arith.constant 0 : i32
    %dma_wait3A_19 = arith.constant 0 : i32
    %dma_wait3A_20 = tpu.memref_slice %arg6[%dma_wait3A, %dma_wait3A_19] : memref<2x128xi32, #tpu.memory_space<vmem>> -> memref<1x128xi32, #tpu.memory_space<vmem>>
    %dma_wait3A_21 = tpu.memref_squeeze %dma_wait3A_20 : memref<1x128xi32, #tpu.memory_space<vmem>> -> memref<128xi32, #tpu.memory_space<vmem>>
    %dma_wait3A_22 = arith.constant 0 : i32
    %dma_wait3A_23 = arith.constant 0 : i32
    %dma_wait3A_24 = tpu.memref_slice %arg2[%dma_wait3A_22, %dma_wait3A_23] : memref<10000x128xf32, #tpu.memory_space<hbm>> -> memref<10000x128xf32, #tpu.memory_space<hbm>>
    tpu.wait_indirect_dma semaphore(%arg11 : memref<!tpu.dma_semaphore, #tpu.memory_space<semaphore_mem>>) src(%dma_wait3A_24 : memref<10000x128xf32, #tpu.memory_space<hbm>>) dst(%arg8 : memref<128x128xf32, #tpu.memory_space<vmem>>)
    %barrier3A_25 = arith.constant 0 : index
    tpu.barrier barrier_id(%barrier3A_25)
    %mul3A_26 = arith.constant 632 : i32
    %mul3A_27 = arith.muli %arg1, %mul3A_26 : i32
    %mul3A_28 = arith.constant 632 : i32
    %mul3A_29 = arith.muli %arg1, %mul3A_28 : i32
    "tpu.region"() ({
      %run_scoped3A = tpu.sem_alloc : memref<!tpu.dma_semaphore, #tpu.memory_space<semaphore_mem>>
      %dma_start3A_30 = arith.constant 0 : i32
      %dma_start3A_31 = tpu.memref_slice %arg5[%arg0, %mul3A_29, %dma_start3A_30] : memref<2x10112x128xf32, #tpu.memory_space<hbm>> -> memref<1x632x128xf32, #tpu.memory_space<hbm>>
      %dma_start3A_32 = tpu.memref_squeeze %dma_start3A_31 : memref<1x632x128xf32, #tpu.memory_space<hbm>> -> memref<632x128xf32, #tpu.memory_space<hbm>>
      %dma_start3A_33 = arith.constant 0 : i32
      %dma_start3A_34 = tpu.memref_slice %arg10[%mul3A_27, %dma_start3A_33] : memref<10112x128xf32, #tpu.memory_space<vmem_shared>> -> memref<632x128xf32, #tpu.memory_space<vmem_shared>>
      tpu.enqueue_dma source(%dma_start3A_34 : memref<632x128xf32, #tpu.memory_space<vmem_shared>>) target(%dma_start3A_32 : memref<632x128xf32, #tpu.memory_space<hbm>>) target_semaphore(%run_scoped3A : memref<!tpu.dma_semaphore, #tpu.memory_space<semaphore_mem>>)
      %dma_wait3A_35 = arith.constant 0 : i32
      %dma_wait3A_36 = tpu.memref_slice %arg5[%arg0, %mul3A_29, %dma_wait3A_35] : memref<2x10112x128xf32, #tpu.memory_space<hbm>> -> memref<1x632x128xf32, #tpu.memory_space<hbm>>
      %dma_wait3A_37 = tpu.memref_squeeze %dma_wait3A_36 : memref<1x632x128xf32, #tpu.memory_space<hbm>> -> memref<632x128xf32, #tpu.memory_space<hbm>>
      %dma_wait3A_38 = arith.constant 0 : i32
      %dma_wait3A_39 = tpu.memref_slice %arg10[%mul3A_27, %dma_wait3A_38] : memref<10112x128xf32, #tpu.memory_space<vmem_shared>> -> memref<632x128xf32, #tpu.memory_space<vmem_shared>>
      tpu.wait_dma2 semaphore(%run_scoped3A : memref<!tpu.dma_semaphore, #tpu.memory_space<semaphore_mem>>) src(%dma_wait3A_39 : memref<632x128xf32, #tpu.memory_space<vmem_shared>>) dst(%dma_wait3A_37 : memref<632x128xf32, #tpu.memory_space<hbm>>)
      tpu.yield
    }) : () -> ()
    return
  }
}

module attributes {stable_mosaic.version = 14 : i64} {
  func.func @_stage_a_body(%arg0: i32, %arg1: memref<2000x128xf32, #tpu.memory_space<vmem>>, %arg2: memref<128x128xf32, #tpu.memory_space<vmem>>, %arg3: memref<2000x16xf32, #tpu.memory_space<vmem>>, %arg4: memref<16x128xf32, #tpu.memory_space<vmem>>, %arg5: memref<1x128xf32, #tpu.memory_space<vmem>>, %arg6: memref<1x128xf32, #tpu.memory_space<vmem>>, %arg7: memref<2x2000x128xf32, #tpu.memory_space<vmem>>, %arg8: memref<2000x128xf32, #tpu.memory_space<vmem>>, %arg9: memref<2000x128xf32, #tpu.memory_space<vmem>>, %arg10: memref<2000x128xf32, #tpu.memory_space<vmem>>, %arg11: memref<2000x128xf32, #tpu.memory_space<vmem>>) attributes {dimension_semantics = [#tpu.dimension_semantics<arbitrary>], iteration_bounds = array<i64: 5>, scalar_prefetch = 0 : i64, scratch_operands = 0 : i64, tpu.core_type = #tpu.core_type<tc>, window_params = [{transform_indices = @transform_0, window_bounds = array<i64: 2000, 128>}, {pipeline_mode = #tpu.pipeline_mode<synchronous>, transform_indices = @transform_1, window_bounds = array<i64: 128, 128>}, {transform_indices = @transform_2, window_bounds = array<i64: 2000, 16>}, {pipeline_mode = #tpu.pipeline_mode<synchronous>, transform_indices = @transform_3, window_bounds = array<i64: 16, 128>}, {pipeline_mode = #tpu.pipeline_mode<synchronous>, transform_indices = @transform_4, window_bounds = array<i64: 1, 128>}, {pipeline_mode = #tpu.pipeline_mode<synchronous>, transform_indices = @transform_5, window_bounds = array<i64: 1, 128>}, {transform_indices = @transform_6, window_bounds = array<i64: 2, 2000, 128>}, {transform_indices = @transform_7, window_bounds = array<i64: 2000, 128>}, {transform_indices = @transform_8, window_bounds = array<i64: 2000, 128>}, {transform_indices = @transform_9, window_bounds = array<i64: 2000, 128>}, {transform_indices = @transform_10, window_bounds = array<i64: 2000, 128>}]} {
    %get3A = arith.constant 0 : index
    %get3A_0 = arith.constant 0 : index
    %get3A_1 = arith.constant 0 : index
    %get3A_2 = vector.load %arg7[%get3A, %get3A_0, %get3A_1] : memref<2x2000x128xf32, #tpu.memory_space<vmem>>, vector<2x2000x128xf32>
    %slice3A = vector.extract_strided_slice %get3A_2 {offsets = [0, 0, 0], sizes = [1, 2000, 1], strides = [1, 1, 1]} : vector<2x2000x128xf32> to vector<1x2000x1xf32>
    %squeeze3A = vector.shape_cast %slice3A : vector<1x2000x1xf32> to vector<2000x1xf32>
    %add3A = arith.constant 1.000000e+00 : f32
    %add3A_3 = vector.broadcast %add3A : f32 to vector<2000x1xf32>
    %add3A_4 = arith.addf %add3A_3, %squeeze3A : vector<2000x1xf32>
    %slice3A_5 = vector.extract_strided_slice %get3A_2 {offsets = [1, 0, 0], sizes = [1, 2000, 1], strides = [1, 1, 1]} : vector<2x2000x128xf32> to vector<1x2000x1xf32>
    %squeeze3A_6 = vector.shape_cast %slice3A_5 : vector<1x2000x1xf32> to vector<2000x1xf32>
    %add3A_7 = arith.addf %add3A_4, %squeeze3A_6 : vector<2000x1xf32>
    %rsqrt3A = math.rsqrt %add3A_7 : vector<2000x1xf32>
    %get3A_8 = arith.constant 0 : index
    %get3A_9 = arith.constant 0 : index
    %get3A_10 = vector.load %arg1[%get3A_8, %get3A_9] : memref<2000x128xf32, #tpu.memory_space<vmem>>, vector<2000x128xf32>
    %get3A_11 = arith.constant 0 : index
    %get3A_12 = arith.constant 0 : index
    %get3A_13 = vector.load %arg2[%get3A_11, %get3A_12] : memref<128x128xf32, #tpu.memory_space<vmem>>, vector<128x128xf32>
    %dot_general3A = arith.constant dense<0.000000e+00> : vector<2000x128xf32>
    %dot_general3A_14 = tpu.matmul %get3A_10, %get3A_13, %dot_general3A {dimension_numbers = #tpu.dot_dimension_numbers<[1], [0], [0], [1], [0, 0, 1, 1], [], []>, transpose_lhs_hint = false} : vector<2000x128xf32>, vector<128x128xf32>, vector<2000x128xf32> -> vector<2000x128xf32>
    %get3A_15 = arith.constant 0 : index
    %get3A_16 = arith.constant 0 : index
    %get3A_17 = vector.load %arg3[%get3A_15, %get3A_16] : memref<2000x16xf32, #tpu.memory_space<vmem>>, vector<2000x16xf32>
    %get3A_18 = arith.constant 0 : index
    %get3A_19 = arith.constant 0 : index
    %get3A_20 = vector.load %arg4[%get3A_18, %get3A_19] : memref<16x128xf32, #tpu.memory_space<vmem>>, vector<16x128xf32>
    %dot_general3A_21 = arith.constant dense<0.000000e+00> : vector<2000x128xf32>
    %dot_general3A_22 = tpu.matmul %get3A_17, %get3A_20, %dot_general3A_21 {dimension_numbers = #tpu.dot_dimension_numbers<[1], [0], [0], [1], [0, 0, 1, 1], [], []>, transpose_lhs_hint = false} : vector<2000x16xf32>, vector<16x128xf32>, vector<2000x128xf32> -> vector<2000x128xf32>
    %mul3A = vector.broadcast %rsqrt3A : vector<2000x1xf32> to vector<2000x128xf32>
    %mul3A_23 = arith.mulf %mul3A, %dot_general3A_14 : vector<2000x128xf32>
    %swap3A = arith.constant 0 : index
    %swap3A_24 = arith.constant 0 : index
    %swap3A_25 = vector.load %arg8[%swap3A, %swap3A_24] : memref<2000x128xf32, #tpu.memory_space<vmem>>, vector<2000x128xf32>
    tpu.vector_store %arg8[%swap3A, %swap3A_24], %mul3A_23 {strides = array<i32>} : memref<2000x128xf32, #tpu.memory_space<vmem>>, vector<2000x128xf32>,
    %mul3A_26 = vector.broadcast %rsqrt3A : vector<2000x1xf32> to vector<2000x128xf32>
    %mul3A_27 = arith.mulf %mul3A_26, %dot_general3A_22 : vector<2000x128xf32>
    %swap3A_28 = arith.constant 0 : index
    %swap3A_29 = arith.constant 0 : index
    %swap3A_30 = vector.load %arg9[%swap3A_28, %swap3A_29] : memref<2000x128xf32, #tpu.memory_space<vmem>>, vector<2000x128xf32>
    tpu.vector_store %arg9[%swap3A_28, %swap3A_29], %mul3A_27 {strides = array<i32>} : memref<2000x128xf32, #tpu.memory_space<vmem>>, vector<2000x128xf32>,
    %mul3A_31 = arith.mulf %rsqrt3A, %rsqrt3A : vector<2000x1xf32>
    %mul3A_32 = vector.broadcast %mul3A_31 : vector<2000x1xf32> to vector<2000x128xf32>
    %mul3A_33 = arith.mulf %mul3A_32, %dot_general3A_14 : vector<2000x128xf32>
    %get3A_34 = arith.constant 0 : index
    %get3A_35 = arith.constant 0 : index
    %get3A_36 = vector.load %arg5[%get3A_34, %get3A_35] : memref<1x128xf32, #tpu.memory_space<vmem>>, vector<1x128xf32>
    %add3A_37 = vector.broadcast %get3A_36 : vector<1x128xf32> to vector<2000x128xf32>
    %add3A_38 = arith.addf %mul3A_33, %add3A_37 : vector<2000x128xf32>
    %swap3A_39 = arith.constant 0 : index
    %swap3A_40 = arith.constant 0 : index
    %swap3A_41 = vector.load %arg10[%swap3A_39, %swap3A_40] : memref<2000x128xf32, #tpu.memory_space<vmem>>, vector<2000x128xf32>
    tpu.vector_store %arg10[%swap3A_39, %swap3A_40], %add3A_38 {strides = array<i32>} : memref<2000x128xf32, #tpu.memory_space<vmem>>, vector<2000x128xf32>,
    %mul3A_42 = arith.mulf %rsqrt3A, %rsqrt3A : vector<2000x1xf32>
    %mul3A_43 = vector.broadcast %mul3A_42 : vector<2000x1xf32> to vector<2000x128xf32>
    %mul3A_44 = arith.mulf %mul3A_43, %dot_general3A_22 : vector<2000x128xf32>
    %get3A_45 = arith.constant 0 : index
    %get3A_46 = arith.constant 0 : index
    %get3A_47 = vector.load %arg6[%get3A_45, %get3A_46] : memref<1x128xf32, #tpu.memory_space<vmem>>, vector<1x128xf32>
    %add3A_48 = vector.broadcast %get3A_47 : vector<1x128xf32> to vector<2000x128xf32>
    %add3A_49 = arith.addf %mul3A_44, %add3A_48 : vector<2000x128xf32>
    %swap3A_50 = arith.constant 0 : index
    %swap3A_51 = arith.constant 0 : index
    %swap3A_52 = vector.load %arg11[%swap3A_50, %swap3A_51] : memref<2000x128xf32, #tpu.memory_space<vmem>>, vector<2000x128xf32>
    tpu.vector_store %arg11[%swap3A_50, %swap3A_51], %add3A_49 {strides = array<i32>} : memref<2000x128xf32, #tpu.memory_space<vmem>>, vector<2000x128xf32>,
    return
  }
  func.func @transform_0(%arg0: i32) -> (i32, i32) {
    %c0_i32 = arith.constant 0 : i32
    %c0_i32_0 = arith.constant 0 : i32
    return %arg0, %c0_i32 : i32, i32
  }
  func.func @transform_1(%arg0: i32) -> (i32, i32) {
    %c0_i32 = arith.constant 0 : i32
    %c0_i32_0 = arith.constant 0 : i32
    %c0_i32_1 = arith.constant 0 : i32
    return %c0_i32, %c0_i32_0 : i32, i32
  }
  func.func @transform_2(%arg0: i32) -> (i32, i32) {
    %c0_i32 = arith.constant 0 : i32
    %c0_i32_0 = arith.constant 0 : i32
    return %arg0, %c0_i32 : i32, i32
  }
  func.func @transform_3(%arg0: i32) -> (i32, i32) {
    %c0_i32 = arith.constant 0 : i32
    %c0_i32_0 = arith.constant 0 : i32
    %c0_i32_1 = arith.constant 0 : i32
    return %c0_i32, %c0_i32_0 : i32, i32
  }
  func.func @transform_4(%arg0: i32) -> (i32, i32) {
    %c0_i32 = arith.constant 0 : i32
    %c0_i32_0 = arith.constant 0 : i32
    %c0_i32_1 = arith.constant 0 : i32
    return %c0_i32, %c0_i32_0 : i32, i32
  }
  func.func @transform_5(%arg0: i32) -> (i32, i32) {
    %c0_i32 = arith.constant 0 : i32
    %c0_i32_0 = arith.constant 0 : i32
    %c0_i32_1 = arith.constant 0 : i32
    return %c0_i32, %c0_i32_0 : i32, i32
  }
  func.func @transform_6(%arg0: i32) -> (i32, i32, i32) {
    %c0_i32 = arith.constant 0 : i32
    %c0_i32_0 = arith.constant 0 : i32
    %c0_i32_1 = arith.constant 0 : i32
    return %c0_i32, %arg0, %c0_i32_0 : i32, i32, i32
  }
  func.func @transform_7(%arg0: i32) -> (i32, i32) {
    %c0_i32 = arith.constant 0 : i32
    %c0_i32_0 = arith.constant 0 : i32
    return %arg0, %c0_i32 : i32, i32
  }
  func.func @transform_8(%arg0: i32) -> (i32, i32) {
    %c0_i32 = arith.constant 0 : i32
    %c0_i32_0 = arith.constant 0 : i32
    return %arg0, %c0_i32 : i32, i32
  }
  func.func @transform_9(%arg0: i32) -> (i32, i32) {
    %c0_i32 = arith.constant 0 : i32
    %c0_i32_0 = arith.constant 0 : i32
    return %arg0, %c0_i32 : i32, i32
  }
  func.func @transform_10(%arg0: i32) -> (i32, i32) {
    %c0_i32 = arith.constant 0 : i32
    %c0_i32_0 = arith.constant 0 : i32
    return %arg0, %c0_i32 : i32, i32
  }
}

module attributes {stable_mosaic.version = 14 : i64} {
  func.func @_stage_b_body(%arg0: i32, %arg1: memref<2x2000x128xf32, #tpu.memory_space<vmem>>, %arg2: memref<2x2000x128xf32, #tpu.memory_space<vmem>>, %arg3: memref<2000x128xf32, #tpu.memory_space<vmem>>, %arg4: memref<2000x128xf32, #tpu.memory_space<vmem>>, %arg5: memref<128x128xf32, #tpu.memory_space<vmem>>, %arg6: memref<128x128xf32, #tpu.memory_space<vmem>>, %arg7: memref<1x128xf32, #tpu.memory_space<vmem>>, %arg8: memref<2x2000x128xf32, #tpu.memory_space<vmem>>, %arg9: memref<2000x128xf32, #tpu.memory_space<vmem>>, %arg10: memref<2000x128xf32, #tpu.memory_space<vmem>>) attributes {dimension_semantics = [#tpu.dimension_semantics<arbitrary>], iteration_bounds = array<i64: 5>, scalar_prefetch = 0 : i64, scratch_operands = 0 : i64, tpu.core_type = #tpu.core_type<tc>, window_params = [{transform_indices = @transform_0, window_bounds = array<i64: 2, 2000, 128>}, {transform_indices = @transform_1, window_bounds = array<i64: 2, 2000, 128>}, {transform_indices = @transform_2, window_bounds = array<i64: 2000, 128>}, {transform_indices = @transform_3, window_bounds = array<i64: 2000, 128>}, {pipeline_mode = #tpu.pipeline_mode<synchronous>, transform_indices = @transform_4, window_bounds = array<i64: 128, 128>}, {pipeline_mode = #tpu.pipeline_mode<synchronous>, transform_indices = @transform_5, window_bounds = array<i64: 128, 128>}, {pipeline_mode = #tpu.pipeline_mode<synchronous>, transform_indices = @transform_6, window_bounds = array<i64: 1, 128>}, {transform_indices = @transform_7, window_bounds = array<i64: 2, 2000, 128>}, {transform_indices = @transform_8, window_bounds = array<i64: 2000, 128>}, {transform_indices = @transform_9, window_bounds = array<i64: 2000, 128>}]} {
    %get3A = arith.constant 0 : index
    %get3A_0 = arith.constant 0 : index
    %get3A_1 = arith.constant 0 : index
    %get3A_2 = vector.load %arg8[%get3A, %get3A_0, %get3A_1] : memref<2x2000x128xf32, #tpu.memory_space<vmem>>, vector<2x2000x128xf32>
    %slice3A = vector.extract_strided_slice %get3A_2 {offsets = [0, 0, 0], sizes = [1, 2000, 1], strides = [1, 1, 1]} : vector<2x2000x128xf32> to vector<1x2000x1xf32>
    %squeeze3A = vector.shape_cast %slice3A : vector<1x2000x1xf32> to vector<2000x1xf32>
    %add3A = arith.constant 1.000000e+00 : f32
    %add3A_3 = vector.broadcast %add3A : f32 to vector<2000x1xf32>
    %add3A_4 = arith.addf %add3A_3, %squeeze3A : vector<2000x1xf32>
    %slice3A_5 = vector.extract_strided_slice %get3A_2 {offsets = [1, 0, 0], sizes = [1, 2000, 1], strides = [1, 1, 1]} : vector<2x2000x128xf32> to vector<1x2000x1xf32>
    %squeeze3A_6 = vector.shape_cast %slice3A_5 : vector<1x2000x1xf32> to vector<2000x1xf32>
    %add3A_7 = arith.addf %add3A_4, %squeeze3A_6 : vector<2000x1xf32>
    %rsqrt3A = math.rsqrt %add3A_7 : vector<2000x1xf32>
    %get3A_8 = arith.constant 0 : index
    %get3A_9 = arith.constant 0 : index
    %get3A_10 = arith.constant 0 : index
    %get3A_11 = vector.load %arg1[%get3A_8, %get3A_9, %get3A_10] : memref<2x2000x128xf32, #tpu.memory_space<vmem>>, vector<1x2000x128xf32>
    %get3A_12 = vector.shape_cast %get3A_11 : vector<1x2000x128xf32> to vector<2000x128xf32>
    %get3A_13 = arith.constant 1 : index
    %get3A_14 = arith.constant 0 : index
    %get3A_15 = arith.constant 0 : index
    %get3A_16 = vector.load %arg1[%get3A_13, %get3A_14, %get3A_15] : memref<2x2000x128xf32, #tpu.memory_space<vmem>>, vector<1x2000x128xf32>
    %get3A_17 = vector.shape_cast %get3A_16 : vector<1x2000x128xf32> to vector<2000x128xf32>
    %add3A_18 = arith.addf %get3A_12, %get3A_17 : vector<2000x128xf32>
    %mul3A = vector.broadcast %rsqrt3A : vector<2000x1xf32> to vector<2000x128xf32>
    %mul3A_19 = arith.mulf %mul3A, %add3A_18 : vector<2000x128xf32>
    %get3A_20 = arith.constant 0 : index
    %get3A_21 = arith.constant 0 : index
    %get3A_22 = vector.load %arg3[%get3A_20, %get3A_21] : memref<2000x128xf32, #tpu.memory_space<vmem>>, vector<2000x128xf32>
    %add3A_23 = arith.addf %mul3A_19, %get3A_22 : vector<2000x128xf32>
    %tanh3A = math.tanh %add3A_23 : vector<2000x128xf32>
    %get3A_24 = arith.constant 0 : index
    %get3A_25 = arith.constant 0 : index
    %get3A_26 = arith.constant 0 : index
    %get3A_27 = vector.load %arg2[%get3A_24, %get3A_25, %get3A_26] : memref<2x2000x128xf32, #tpu.memory_space<vmem>>, vector<1x2000x128xf32>
    %get3A_28 = vector.shape_cast %get3A_27 : vector<1x2000x128xf32> to vector<2000x128xf32>
    %get3A_29 = arith.constant 1 : index
    %get3A_30 = arith.constant 0 : index
    %get3A_31 = arith.constant 0 : index
    %get3A_32 = vector.load %arg2[%get3A_29, %get3A_30, %get3A_31] : memref<2x2000x128xf32, #tpu.memory_space<vmem>>, vector<1x2000x128xf32>
    %get3A_33 = vector.shape_cast %get3A_32 : vector<1x2000x128xf32> to vector<2000x128xf32>
    %add3A_34 = arith.addf %get3A_28, %get3A_33 : vector<2000x128xf32>
    %mul3A_35 = vector.broadcast %rsqrt3A : vector<2000x1xf32> to vector<2000x128xf32>
    %mul3A_36 = arith.mulf %mul3A_35, %add3A_34 : vector<2000x128xf32>
    %get3A_37 = arith.constant 0 : index
    %get3A_38 = arith.constant 0 : index
    %get3A_39 = vector.load %arg4[%get3A_37, %get3A_38] : memref<2000x128xf32, #tpu.memory_space<vmem>>, vector<2000x128xf32>
    %add3A_40 = arith.addf %mul3A_36, %get3A_39 : vector<2000x128xf32>
    %tanh3A_41 = math.tanh %add3A_40 : vector<2000x128xf32>
    %get3A_42 = arith.constant 0 : index
    %get3A_43 = arith.constant 0 : index
    %get3A_44 = vector.load %arg5[%get3A_42, %get3A_43] : memref<128x128xf32, #tpu.memory_space<vmem>>, vector<128x128xf32>
    %dot_general3A = arith.constant dense<0.000000e+00> : vector<2000x128xf32>
    %dot_general3A_45 = tpu.matmul %tanh3A, %get3A_44, %dot_general3A {dimension_numbers = #tpu.dot_dimension_numbers<[1], [0], [0], [1], [0, 0, 1, 1], [], []>, transpose_lhs_hint = false} : vector<2000x128xf32>, vector<128x128xf32>, vector<2000x128xf32> -> vector<2000x128xf32>
    %get3A_46 = arith.constant 0 : index
    %get3A_47 = arith.constant 0 : index
    %get3A_48 = vector.load %arg6[%get3A_46, %get3A_47] : memref<128x128xf32, #tpu.memory_space<vmem>>, vector<128x128xf32>
    %dot_general3A_49 = arith.constant dense<0.000000e+00> : vector<2000x128xf32>
    %dot_general3A_50 = tpu.matmul %tanh3A_41, %get3A_48, %dot_general3A_49 {dimension_numbers = #tpu.dot_dimension_numbers<[1], [0], [0], [1], [0, 0, 1, 1], [], []>, transpose_lhs_hint = false} : vector<2000x128xf32>, vector<128x128xf32>, vector<2000x128xf32> -> vector<2000x128xf32>
    %add3A_51 = arith.addf %dot_general3A_45, %dot_general3A_50 : vector<2000x128xf32>
    %mul3A_52 = vector.broadcast %rsqrt3A : vector<2000x1xf32> to vector<2000x128xf32>
    %mul3A_53 = arith.mulf %mul3A_52, %add3A_51 : vector<2000x128xf32>
    %swap3A = arith.constant 0 : index
    %swap3A_54 = arith.constant 0 : index
    %swap3A_55 = vector.load %arg9[%swap3A, %swap3A_54] : memref<2000x128xf32, #tpu.memory_space<vmem>>, vector<2000x128xf32>
    tpu.vector_store %arg9[%swap3A, %swap3A_54], %mul3A_53 {strides = array<i32>} : memref<2000x128xf32, #tpu.memory_space<vmem>>, vector<2000x128xf32>,
    %mul3A_56 = arith.mulf %rsqrt3A, %rsqrt3A : vector<2000x1xf32>
    %mul3A_57 = vector.broadcast %mul3A_56 : vector<2000x1xf32> to vector<2000x128xf32>
    %mul3A_58 = arith.mulf %mul3A_57, %add3A_51 : vector<2000x128xf32>
    %get3A_59 = arith.constant 0 : index
    %get3A_60 = arith.constant 0 : index
    %get3A_61 = vector.load %arg7[%get3A_59, %get3A_60] : memref<1x128xf32, #tpu.memory_space<vmem>>, vector<1x128xf32>
    %add3A_62 = vector.broadcast %get3A_61 : vector<1x128xf32> to vector<2000x128xf32>
    %add3A_63 = arith.addf %mul3A_58, %add3A_62 : vector<2000x128xf32>
    %swap3A_64 = arith.constant 0 : index
    %swap3A_65 = arith.constant 0 : index
    %swap3A_66 = vector.load %arg10[%swap3A_64, %swap3A_65] : memref<2000x128xf32, #tpu.memory_space<vmem>>, vector<2000x128xf32>
    tpu.vector_store %arg10[%swap3A_64, %swap3A_65], %add3A_63 {strides = array<i32>} : memref<2000x128xf32, #tpu.memory_space<vmem>>, vector<2000x128xf32>,
    return
  }
  func.func @transform_0(%arg0: i32) -> (i32, i32, i32) {
    %c0_i32 = arith.constant 0 : i32
    %c0_i32_0 = arith.constant 0 : i32
    %c0_i32_1 = arith.constant 0 : i32
    return %c0_i32, %arg0, %c0_i32_0 : i32, i32, i32
  }
  func.func @transform_1(%arg0: i32) -> (i32, i32, i32) {
    %c0_i32 = arith.constant 0 : i32
    %c0_i32_0 = arith.constant 0 : i32
    %c0_i32_1 = arith.constant 0 : i32
    return %c0_i32, %arg0, %c0_i32_0 : i32, i32, i32
  }
  func.func @transform_2(%arg0: i32) -> (i32, i32) {
    %c0_i32 = arith.constant 0 : i32
    %c0_i32_0 = arith.constant 0 : i32
    return %arg0, %c0_i32 : i32, i32
  }
  func.func @transform_3(%arg0: i32) -> (i32, i32) {
    %c0_i32 = arith.constant 0 : i32
    %c0_i32_0 = arith.constant 0 : i32
    return %arg0, %c0_i32 : i32, i32
  }
  func.func @transform_4(%arg0: i32) -> (i32, i32) {
    %c0_i32 = arith.constant 0 : i32
    %c0_i32_0 = arith.constant 0 : i32
    %c0_i32_1 = arith.constant 0 : i32
    return %c0_i32, %c0_i32_0 : i32, i32
  }
  func.func @transform_5(%arg0: i32) -> (i32, i32) {
    %c0_i32 = arith.constant 0 : i32
    %c0_i32_0 = arith.constant 0 : i32
    %c0_i32_1 = arith.constant 0 : i32
    return %c0_i32, %c0_i32_0 : i32, i32
  }
  func.func @transform_6(%arg0: i32) -> (i32, i32) {
    %c0_i32 = arith.constant 0 : i32
    %c0_i32_0 = arith.constant 0 : i32
    %c0_i32_1 = arith.constant 0 : i32
    return %c0_i32, %c0_i32_0 : i32, i32
  }
  func.func @transform_7(%arg0: i32) -> (i32, i32, i32) {
    %c0_i32 = arith.constant 0 : i32
    %c0_i32_0 = arith.constant 0 : i32
    %c0_i32_1 = arith.constant 0 : i32
    return %c0_i32, %arg0, %c0_i32_0 : i32, i32, i32
  }
  func.func @transform_8(%arg0: i32) -> (i32, i32) {
    %c0_i32 = arith.constant 0 : i32
    %c0_i32_0 = arith.constant 0 : i32
    return %arg0, %c0_i32 : i32, i32
  }
  func.func @transform_9(%arg0: i32) -> (i32, i32) {
    %c0_i32 = arith.constant 0 : i32
    %c0_i32_0 = arith.constant 0 : i32
    return %arg0, %c0_i32 : i32, i32
  }
}

module attributes {stable_mosaic.version = 14 : i64} {
  func.func @_stage_c_body(%arg0: i32, %arg1: memref<2x2000x128xf32, #tpu.memory_space<vmem>>, %arg2: memref<2000x128xf32, #tpu.memory_space<vmem>>, %arg3: memref<128x128xf32, #tpu.memory_space<vmem>>, %arg4: memref<1x128xf32, #tpu.memory_space<vmem>>, %arg5: memref<2x2000x128xf32, #tpu.memory_space<vmem>>, %arg6: memref<2000x128xf32, #tpu.memory_space<vmem>>, %arg7: memref<2000x128xf32, #tpu.memory_space<vmem>>) attributes {dimension_semantics = [#tpu.dimension_semantics<arbitrary>], iteration_bounds = array<i64: 5>, scalar_prefetch = 0 : i64, scratch_operands = 0 : i64, tpu.core_type = #tpu.core_type<tc>, window_params = [{transform_indices = @transform_0, window_bounds = array<i64: 2, 2000, 128>}, {transform_indices = @transform_1, window_bounds = array<i64: 2000, 128>}, {pipeline_mode = #tpu.pipeline_mode<synchronous>, transform_indices = @transform_2, window_bounds = array<i64: 128, 128>}, {pipeline_mode = #tpu.pipeline_mode<synchronous>, transform_indices = @transform_3, window_bounds = array<i64: 1, 128>}, {transform_indices = @transform_4, window_bounds = array<i64: 2, 2000, 128>}, {transform_indices = @transform_5, window_bounds = array<i64: 2000, 128>}, {transform_indices = @transform_6, window_bounds = array<i64: 2000, 128>}]} {
    %get3A = arith.constant 0 : index
    %get3A_0 = arith.constant 0 : index
    %get3A_1 = arith.constant 0 : index
    %get3A_2 = vector.load %arg5[%get3A, %get3A_0, %get3A_1] : memref<2x2000x128xf32, #tpu.memory_space<vmem>>, vector<2x2000x128xf32>
    %slice3A = vector.extract_strided_slice %get3A_2 {offsets = [0, 0, 0], sizes = [1, 2000, 1], strides = [1, 1, 1]} : vector<2x2000x128xf32> to vector<1x2000x1xf32>
    %squeeze3A = vector.shape_cast %slice3A : vector<1x2000x1xf32> to vector<2000x1xf32>
    %add3A = arith.constant 1.000000e+00 : f32
    %add3A_3 = vector.broadcast %add3A : f32 to vector<2000x1xf32>
    %add3A_4 = arith.addf %add3A_3, %squeeze3A : vector<2000x1xf32>
    %slice3A_5 = vector.extract_strided_slice %get3A_2 {offsets = [1, 0, 0], sizes = [1, 2000, 1], strides = [1, 1, 1]} : vector<2x2000x128xf32> to vector<1x2000x1xf32>
    %squeeze3A_6 = vector.shape_cast %slice3A_5 : vector<1x2000x1xf32> to vector<2000x1xf32>
    %add3A_7 = arith.addf %add3A_4, %squeeze3A_6 : vector<2000x1xf32>
    %rsqrt3A = math.rsqrt %add3A_7 : vector<2000x1xf32>
    %get3A_8 = arith.constant 0 : index
    %get3A_9 = arith.constant 0 : index
    %get3A_10 = arith.constant 0 : index
    %get3A_11 = vector.load %arg1[%get3A_8, %get3A_9, %get3A_10] : memref<2x2000x128xf32, #tpu.memory_space<vmem>>, vector<1x2000x128xf32>
    %get3A_12 = vector.shape_cast %get3A_11 : vector<1x2000x128xf32> to vector<2000x128xf32>
    %get3A_13 = arith.constant 1 : index
    %get3A_14 = arith.constant 0 : index
    %get3A_15 = arith.constant 0 : index
    %get3A_16 = vector.load %arg1[%get3A_13, %get3A_14, %get3A_15] : memref<2x2000x128xf32, #tpu.memory_space<vmem>>, vector<1x2000x128xf32>
    %get3A_17 = vector.shape_cast %get3A_16 : vector<1x2000x128xf32> to vector<2000x128xf32>
    %add3A_18 = arith.addf %get3A_12, %get3A_17 : vector<2000x128xf32>
    %mul3A = vector.broadcast %rsqrt3A : vector<2000x1xf32> to vector<2000x128xf32>
    %mul3A_19 = arith.mulf %mul3A, %add3A_18 : vector<2000x128xf32>
    %get3A_20 = arith.constant 0 : index
    %get3A_21 = arith.constant 0 : index
    %get3A_22 = vector.load %arg2[%get3A_20, %get3A_21] : memref<2000x128xf32, #tpu.memory_space<vmem>>, vector<2000x128xf32>
    %add3A_23 = arith.addf %mul3A_19, %get3A_22 : vector<2000x128xf32>
    %tanh3A = math.tanh %add3A_23 : vector<2000x128xf32>
    %get3A_24 = arith.constant 0 : index
    %get3A_25 = arith.constant 0 : index
    %get3A_26 = vector.load %arg3[%get3A_24, %get3A_25] : memref<128x128xf32, #tpu.memory_space<vmem>>, vector<128x128xf32>
    %dot_general3A = arith.constant dense<0.000000e+00> : vector<2000x128xf32>
    %dot_general3A_27 = tpu.matmul %tanh3A, %get3A_26, %dot_general3A {dimension_numbers = #tpu.dot_dimension_numbers<[1], [0], [0], [1], [0, 0, 1, 1], [], []>, transpose_lhs_hint = false} : vector<2000x128xf32>, vector<128x128xf32>, vector<2000x128xf32> -> vector<2000x128xf32>
    %mul3A_28 = vector.broadcast %rsqrt3A : vector<2000x1xf32> to vector<2000x128xf32>
    %mul3A_29 = arith.mulf %mul3A_28, %dot_general3A_27 : vector<2000x128xf32>
    %swap3A = arith.constant 0 : index
    %swap3A_30 = arith.constant 0 : index
    %swap3A_31 = vector.load %arg6[%swap3A, %swap3A_30] : memref<2000x128xf32, #tpu.memory_space<vmem>>, vector<2000x128xf32>
    tpu.vector_store %arg6[%swap3A, %swap3A_30], %mul3A_29 {strides = array<i32>} : memref<2000x128xf32, #tpu.memory_space<vmem>>, vector<2000x128xf32>,
    %mul3A_32 = arith.mulf %rsqrt3A, %rsqrt3A : vector<2000x1xf32>
    %mul3A_33 = vector.broadcast %mul3A_32 : vector<2000x1xf32> to vector<2000x128xf32>
    %mul3A_34 = arith.mulf %mul3A_33, %dot_general3A_27 : vector<2000x128xf32>
    %get3A_35 = arith.constant 0 : index
    %get3A_36 = arith.constant 0 : index
    %get3A_37 = vector.load %arg4[%get3A_35, %get3A_36] : memref<1x128xf32, #tpu.memory_space<vmem>>, vector<1x128xf32>
    %add3A_38 = vector.broadcast %get3A_37 : vector<1x128xf32> to vector<2000x128xf32>
    %add3A_39 = arith.addf %mul3A_34, %add3A_38 : vector<2000x128xf32>
    %swap3A_40 = arith.constant 0 : index
    %swap3A_41 = arith.constant 0 : index
    %swap3A_42 = vector.load %arg7[%swap3A_40, %swap3A_41] : memref<2000x128xf32, #tpu.memory_space<vmem>>, vector<2000x128xf32>
    tpu.vector_store %arg7[%swap3A_40, %swap3A_41], %add3A_39 {strides = array<i32>} : memref<2000x128xf32, #tpu.memory_space<vmem>>, vector<2000x128xf32>,
    return
  }
  func.func @transform_0(%arg0: i32) -> (i32, i32, i32) {
    %c0_i32 = arith.constant 0 : i32
    %c0_i32_0 = arith.constant 0 : i32
    %c0_i32_1 = arith.constant 0 : i32
    return %c0_i32, %arg0, %c0_i32_0 : i32, i32, i32
  }
  func.func @transform_1(%arg0: i32) -> (i32, i32) {
    %c0_i32 = arith.constant 0 : i32
    %c0_i32_0 = arith.constant 0 : i32
    return %arg0, %c0_i32 : i32, i32
  }
  func.func @transform_2(%arg0: i32) -> (i32, i32) {
    %c0_i32 = arith.constant 0 : i32
    %c0_i32_0 = arith.constant 0 : i32
    %c0_i32_1 = arith.constant 0 : i32
    return %c0_i32, %c0_i32_0 : i32, i32
  }
  func.func @transform_3(%arg0: i32) -> (i32, i32) {
    %c0_i32 = arith.constant 0 : i32
    %c0_i32_0 = arith.constant 0 : i32
    %c0_i32_1 = arith.constant 0 : i32
    return %c0_i32, %c0_i32_0 : i32, i32
  }
  func.func @transform_4(%arg0: i32) -> (i32, i32, i32) {
    %c0_i32 = arith.constant 0 : i32
    %c0_i32_0 = arith.constant 0 : i32
    %c0_i32_1 = arith.constant 0 : i32
    return %c0_i32, %arg0, %c0_i32_0 : i32, i32, i32
  }
  func.func @transform_5(%arg0: i32) -> (i32, i32) {
    %c0_i32 = arith.constant 0 : i32
    %c0_i32_0 = arith.constant 0 : i32
    return %arg0, %c0_i32 : i32, i32
  }
  func.func @transform_6(%arg0: i32) -> (i32, i32) {
    %c0_i32 = arith.constant 0 : i32
    %c0_i32_0 = arith.constant 0 : i32
    return %arg0, %c0_i32 : i32, i32
  }
}

module attributes {stable_mosaic.version = 14 : i64} {
  func.func @_stage_d_body(%arg0: i32, %arg1: memref<2x2000x128xf32, #tpu.memory_space<vmem>>, %arg2: memref<2000x128xf32, #tpu.memory_space<vmem>>, %arg3: memref<2x2000x128xf32, #tpu.memory_space<vmem>>, %arg4: memref<2000x64xf32, #tpu.memory_space<vmem>>, %arg5: memref<2000x64xf32, #tpu.memory_space<vmem>>, %arg6: memref<2000x64xf32, #tpu.memory_space<vmem>>, %arg7: memref<2000x64xf32, #tpu.memory_space<vmem>>) attributes {dimension_semantics = [#tpu.dimension_semantics<arbitrary>], iteration_bounds = array<i64: 5>, scalar_prefetch = 0 : i64, scratch_operands = 0 : i64, tpu.core_type = #tpu.core_type<tc>, window_params = [{transform_indices = @transform_0, window_bounds = array<i64: 2, 2000, 128>}, {transform_indices = @transform_1, window_bounds = array<i64: 2000, 128>}, {transform_indices = @transform_2, window_bounds = array<i64: 2, 2000, 128>}, {transform_indices = @transform_3, window_bounds = array<i64: 2000, 64>}, {transform_indices = @transform_4, window_bounds = array<i64: 2000, 64>}, {transform_indices = @transform_5, window_bounds = array<i64: 2000, 64>}, {transform_indices = @transform_6, window_bounds = array<i64: 2000, 64>}]} {
    %get3A = arith.constant 0 : index
    %get3A_0 = arith.constant 0 : index
    %get3A_1 = arith.constant 0 : index
    %get3A_2 = vector.load %arg3[%get3A, %get3A_0, %get3A_1] : memref<2x2000x128xf32, #tpu.memory_space<vmem>>, vector<2x2000x128xf32>
    %slice3A = vector.extract_strided_slice %get3A_2 {offsets = [0, 0, 0], sizes = [1, 2000, 1], strides = [1, 1, 1]} : vector<2x2000x128xf32> to vector<1x2000x1xf32>
    %squeeze3A = vector.shape_cast %slice3A : vector<1x2000x1xf32> to vector<2000x1xf32>
    %add3A = arith.constant 1.000000e+00 : f32
    %add3A_3 = vector.broadcast %add3A : f32 to vector<2000x1xf32>
    %add3A_4 = arith.addf %add3A_3, %squeeze3A : vector<2000x1xf32>
    %slice3A_5 = vector.extract_strided_slice %get3A_2 {offsets = [1, 0, 0], sizes = [1, 2000, 1], strides = [1, 1, 1]} : vector<2x2000x128xf32> to vector<1x2000x1xf32>
    %squeeze3A_6 = vector.shape_cast %slice3A_5 : vector<1x2000x1xf32> to vector<2000x1xf32>
    %add3A_7 = arith.addf %add3A_4, %squeeze3A_6 : vector<2000x1xf32>
    %rsqrt3A = math.rsqrt %add3A_7 : vector<2000x1xf32>
    %get3A_8 = arith.constant 0 : index
    %get3A_9 = arith.constant 0 : index
    %get3A_10 = arith.constant 0 : index
    %get3A_11 = vector.load %arg1[%get3A_8, %get3A_9, %get3A_10] : memref<2x2000x128xf32, #tpu.memory_space<vmem>>, vector<1x2000x128xf32>
    %get3A_12 = vector.shape_cast %get3A_11 : vector<1x2000x128xf32> to vector<2000x128xf32>
    %get3A_13 = arith.constant 1 : index
    %get3A_14 = arith.constant 0 : index
    %get3A_15 = arith.constant 0 : index
    %get3A_16 = vector.load %arg1[%get3A_13, %get3A_14, %get3A_15] : memref<2x2000x128xf32, #tpu.memory_space<vmem>>, vector<1x2000x128xf32>
    %get3A_17 = vector.shape_cast %get3A_16 : vector<1x2000x128xf32> to vector<2000x128xf32>
    %add3A_18 = arith.addf %get3A_12, %get3A_17 : vector<2000x128xf32>
    %mul3A = vector.broadcast %rsqrt3A : vector<2000x1xf32> to vector<2000x128xf32>
    %mul3A_19 = arith.mulf %mul3A, %add3A_18 : vector<2000x128xf32>
    %get3A_20 = arith.constant 0 : index
    %get3A_21 = arith.constant 0 : index
    %get3A_22 = vector.load %arg2[%get3A_20, %get3A_21] : memref<2000x128xf32, #tpu.memory_space<vmem>>, vector<2000x128xf32>
    %add3A_23 = arith.addf %mul3A_19, %get3A_22 : vector<2000x128xf32>
    %slice3A_24 = vector.extract_strided_slice %add3A_23 {offsets = [0, 0], sizes = [2000, 64], strides = [1, 1]} : vector<2000x128xf32> to vector<2000x64xf32>
    %slice3A_25 = vector.extract_strided_slice %add3A_23 {offsets = [0, 64], sizes = [2000, 64], strides = [1, 1]} : vector<2000x128xf32> to vector<2000x64xf32>
    %swap3A = arith.constant 0 : index
    %swap3A_26 = arith.constant 0 : index
    %swap3A_27 = vector.load %arg6[%swap3A, %swap3A_26] : memref<2000x64xf32, #tpu.memory_space<vmem>>, vector<2000x64xf32>
    tpu.vector_store %arg6[%swap3A, %swap3A_26], %slice3A_24 {strides = array<i32>} : memref<2000x64xf32, #tpu.memory_space<vmem>>, vector<2000x64xf32>,
    %swap3A_28 = arith.constant 0 : index
    %swap3A_29 = arith.constant 0 : index
    %swap3A_30 = vector.load %arg7[%swap3A_28, %swap3A_29] : memref<2000x64xf32, #tpu.memory_space<vmem>>, vector<2000x64xf32>
    tpu.vector_store %arg7[%swap3A_28, %swap3A_29], %slice3A_25 {strides = array<i32>} : memref<2000x64xf32, #tpu.memory_space<vmem>>, vector<2000x64xf32>,
    %get3A_31 = arith.constant 0 : index
    %get3A_32 = arith.constant 0 : index
    %get3A_33 = vector.load %arg4[%get3A_31, %get3A_32] : memref<2000x64xf32, #tpu.memory_space<vmem>>, vector<2000x64xf32>
    %mul3A_34 = arith.constant 5.000000e-01 : f32
    %mul3A_35 = vector.broadcast %mul3A_34 : f32 to vector<2000x64xf32>
    %mul3A_36 = arith.mulf %mul3A_35, %slice3A_25 : vector<2000x64xf32>
    %exp3A = math.exp %mul3A_36 : vector<2000x64xf32>
    %mul3A_37 = arith.mulf %get3A_33, %exp3A : vector<2000x64xf32>
    %add3A_38 = arith.addf %mul3A_37, %slice3A_24 : vector<2000x64xf32>
    %swap3A_39 = arith.constant 0 : index
    %swap3A_40 = arith.constant 0 : index
    %swap3A_41 = vector.load %arg5[%swap3A_39, %swap3A_40] : memref<2000x64xf32, #tpu.memory_space<vmem>>, vector<2000x64xf32>
    tpu.vector_store %arg5[%swap3A_39, %swap3A_40], %add3A_38 {strides = array<i32>} : memref<2000x64xf32, #tpu.memory_space<vmem>>, vector<2000x64xf32>,
    return
  }
  func.func @transform_0(%arg0: i32) -> (i32, i32, i32) {
    %c0_i32 = arith.constant 0 : i32
    %c0_i32_0 = arith.constant 0 : i32
    %c0_i32_1 = arith.constant 0 : i32
    return %c0_i32, %arg0, %c0_i32_0 : i32, i32, i32
  }
  func.func @transform_1(%arg0: i32) -> (i32, i32) {
    %c0_i32 = arith.constant 0 : i32
    %c0_i32_0 = arith.constant 0 : i32
    return %arg0, %c0_i32 : i32, i32
  }
  func.func @transform_2(%arg0: i32) -> (i32, i32, i32) {
    %c0_i32 = arith.constant 0 : i32
    %c0_i32_0 = arith.constant 0 : i32
    %c0_i32_1 = arith.constant 0 : i32
    return %c0_i32, %arg0, %c0_i32_0 : i32, i32, i32
  }
  func.func @transform_3(%arg0: i32) -> (i32, i32) {
    %c0_i32 = arith.constant 0 : i32
    %c0_i32_0 = arith.constant 0 : i32
    return %arg0, %c0_i32 : i32, i32
  }
  func.func @transform_4(%arg0: i32) -> (i32, i32) {
    %c0_i32 = arith.constant 0 : i32
    %c0_i32_0 = arith.constant 0 : i32
    return %arg0, %c0_i32 : i32, i32
  }
  func.func @transform_5(%arg0: i32) -> (i32, i32) {
    %c0_i32 = arith.constant 0 : i32
    %c0_i32_0 = arith.constant 0 : i32
    return %arg0, %c0_i32 : i32, i32
  }
  func.func @transform_6(%arg0: i32) -> (i32, i32) {
    %c0_i32 = arith.constant 0 : i32
    %c0_i32_0 = arith.constant 0 : i32
    return %arg0, %c0_i32 : i32, i32
  }
}

</mosaic_0001>

<sc_bundles>
// kernel: kernel.11.cloned.1.call-start
scs
__scs_entry_jumppad:
0x0: {  	(pc) =	sbr.rel $0x88, $3  }
0x1: {  	(tag) =	ssettag $0x0;
	lr =	simm.s32 $0x1  }
0x2: {  	[smem:$0x3F94] =	sst lr;
	_ =	strace $0xD0000000  }
0x3: {  	_ = 	snop  }
0x4: {  	_ = 	snop  }
0x5: {  	_ = 	snop  }
0x6: {  	_ = 	snop  }
0x7: {  	_ = 	snop  }
__scs_overlays_trampoline_lowered:
0x8: {  	[smem:$0x3FA3] =	sst s0  }
0x9: {  	[smem:$0x3FA4] =	sst s1  }
0xa: {  	[smem:$0x3FA5] =	sst s2  }
0xb: {  	[smem:$0x3FA6] =	sst s3  }
0xc: {  	[smem:$0x3FA7] =	sst s4  }
0xd: {  	[smem:$0x3FA8] =	sst s5  }
0xe: {  	[smem:$0x3FA9] =	sst s6  }
0xf: {  	[smem:$0x3FAA] =	sst s7  }
0x10: {  	[smem:$0x3FAB] =	sst s8  }
0x11: {  	[smem:$0x3FAC] =	sst s9;
	s0 =	simm.s32 @!p0 $0x0  }
0x12: {  	s1 =	sld [smem:$0x3F92];
	s0 =	simm.s32 @p0 $0x1  }
0x13: {  	[smem:$0x3FAD] =	sst s0;
	s0 =	simm.s32 @!p1 $0x0  }
0x14: {  	s2 =	sld [smem:$0x3F91];
	s0 =	simm.s32 @p1 $0x1  }
0x15: {  	[smem:$0x3FAE] =	sst s0;
	s0 =	simm.s32 @!p2 $0x0  }
0x16: {  	s3 =	sld [smem:$0x3FDB];
	s0 =	simm.s32 @p2 $0x1  }
0x17: {  	s4 =	simm.s32 $0x1BF5;
	[smem:$0x3FB0] =	sst s0  }
0x18: {  	s0 =	sld [smem:$0x3F93];
	_ =	swait.ge [sflag:s4], $0x0  }
0x19: {  	s7 =	sld [smem:$0x3F94]  }
0x1a: {  	s8 =	sadd.s32 $0xFFFFE003, lr  }
0x1b: {  	s9 =	sadd.s32 $0xFFFFFEF7, lr;
	s5 =	simm.s32 $0xFFFFFFFF;
	p2 =	slt.u32 s8, $0xFFFFF086  }
0x1c: {  	p1 =	slt.u32 s9, $0xF7A;
	s5 =	simm.s32 @!p2 $0x0  }
0x1d: {  	s5 =	simm.s32 @p1 $0x1;
	p0 =	seq.s32 s7, s2  }
0x1e: {  	s7 =	smul.u32 @!p0 $0xF7A, s2;
	p2 =	seq.s32 @!p0 s5, $0x0  }
0x1f: {  	s9 =	smul.u32 $0xF7A, s1;
	s8 =	simm.s32 @!p0 $0x1BF5;
	p2 =	por !p2, p0  }
0x20: {  	[sflag:s8] =	ssyncset.s32 @!p0 $0xFFFFF086;
	s6 =	sadd.s32 @!p0 s3, s7;
	s7 =	simm.s32 @!p0 $0x108  }
0x21: {  	s3 =	sadd.s32 s3, s9;
	s6 =	sadd.s32 @!p0 $0x88, s6;
	s7 =	simm.s32 @p2 $0x1082  }
0x22: {  	[simem:s7], [sflag:s8] =	dma.local @!p0 [hbm:s6], $0xF7A  }
0x23: {  	s9 =	sor.u32 $0xD0000000, s2;
	s6 =	simm.s32 $0x108;
	_ =	swait.ge @!p0 [sflag:s8], $0x0  }
0x24: {  	s3 =	sadd.s32 $0x88, s3;
	s6 =	simm.s32 @!p1 $0x1082;
	[sflag:s4] =	ssyncset.s32 $0xFFFFF086  }
0x25: {  	[simem:s6], [sflag:s4] =	dma.local [hbm:s3], $0xF7A  }
0x26: {  	[smem:$0x3F94] =	sst s1;
	(tag) =	ssettag s2;
	_ =	strace s9  }
0x27: {  	s1 =	sld [smem:$0x3FA4]  }
0x28: {  	s2 =	sld [smem:$0x3FA5]  }
0x29: {  	s4 =	sld [smem:$0x3FA7]  }
0x2a: {  	p0 =	seq.s32 s5, $0x0;
	s5 =	sld [smem:$0x3FA8]  }
0x2b: {  	s6 =	sld [smem:$0x3FA9]  }
0x2c: {  	s7 =	sld [smem:$0x3FAA]  }
0x2d: {  	s3 =	simm.s32 $0x108;
	s8 =	sld [smem:$0x3FAB]  }
0x2e: {  	s3 =	simm.s32 @!p0 $0x1082;
	s9 =	sld [smem:$0x3FAC]  }
0x2f: {  	lr =	sadd.s32 s0, s3;
	s0 =	sld [smem:$0x3FA3]  }
0x30: {  	s3 =	sld [smem:$0x3FA6]  }
0x31: {  	[smem:$0x3FAF] =	sst s10  }
0x32: {  	s10 =	sld [smem:$0x3FAD];
	_ =	sdelay $0x3  }
0x33: {  	p0 =	seq.s32 s10, $0x1;
	s10 =	sld [smem:$0x3FAF];
	_ =	sdelay $0x3  }
0x34: {  	[smem:$0x3FAF] =	sst s10  }
0x35: {  	s10 =	sld [smem:$0x3FAE];
	_ =	sdelay $0x3  }
0x36: {  	p1 =	seq.s32 s10, $0x1;
	s10 =	sld [smem:$0x3FAF];
	_ =	sdelay $0x3  }
0x37: {  	[smem:$0x3FAF] =	sst s10  }
0x38: {  	s10 =	sld [smem:$0x3FB0]  }
0x39: {  	_ = 	snop;
	(pc) =	sbr.ind lr, $3  }
0x3a: {  	_ = 	snop  }
0x3b: {  	_ = 	snop  }
0x3c: {  	p2 =	seq.s32 s10, $0x1;
	s10 =	sld [smem:$0x3FAF]  }
0x3d: {  	_ =	shalt  }
0x3e: {  	_ =	shalt  }
0x3f: {  	_ =	shalt  }
0x40: {  	_ =	shalt  }
0x41: {  	_ =	shalt  }
0x42: {  	_ =	shalt  }
0x43: {  	_ =	shalt  }
0x44: {  	_ =	shalt  }
0x45: {  	_ =	shalt  }
0x46: {  	_ =	shalt  }
0x47: {  	_ =	shalt  }
0x48: {  	_ =	shalt  }
0x49: {  	_ =	shalt  }
0x4a: {  	_ =	shalt  }
0x4b: {  	_ =	shalt  }
0x4c: {  	_ =	shalt  }
0x4d: {  	_ =	shalt  }
0x4e: {  	_ =	shalt  }
0x4f: {  	_ =	shalt  }
0x50: {  	_ =	shalt  }
0x51: {  	_ =	shalt  }
0x52: {  	_ =	shalt  }
0x53: {  	_ =	shalt  }
0x54: {  	_ =	shalt  }
0x55: {  	_ =	shalt  }
0x56: {  	_ =	shalt  }
0x57: {  	_ =	shalt  }
0x58: {  	_ =	shalt  }
0x59: {  	_ =	shalt  }
0x5a: {  	_ =	shalt  }
0x5b: {  	_ =	shalt  }
0x5c: {  	_ =	shalt  }
0x5d: {  	_ =	shalt  }
0x5e: {  	_ =	shalt  }
0x5f: {  	_ =	shalt  }
0x60: {  	_ =	shalt  }
0x61: {  	_ =	shalt  }
0x62: {  	_ =	shalt  }
0x63: {  	_ =	shalt  }
0x64: {  	_ =	shalt  }
0x65: {  	_ =	shalt  }
0x66: {  	_ =	shalt  }
0x67: {  	_ =	shalt  }
0x68: {  	_ =	shalt  }
0x69: {  	_ =	shalt  }
0x6a: {  	_ =	shalt  }
0x6b: {  	_ =	shalt  }
0x6c: {  	_ =	shalt  }
0x6d: {  	_ =	shalt  }
0x6e: {  	_ =	shalt  }
0x6f: {  	_ =	shalt  }
0x70: {  	_ =	shalt  }
0x71: {  	_ =	shalt  }
0x72: {  	_ =	shalt  }
0x73: {  	_ =	shalt  }
0x74: {  	_ =	shalt  }
0x75: {  	_ =	shalt  }
0x76: {  	_ =	shalt  }
0x77: {  	_ =	shalt  }
0x78: {  	_ =	shalt  }
0x79: {  	_ =	shalt  }
0x7a: {  	_ =	shalt  }
0x7b: {  	_ =	shalt  }
0x7c: {  	_ =	shalt  }
0x7d: {  	_ =	shalt  }
0x7e: {  	_ =	shalt  }
0x7f: {  	_ =	shalt  }
0x80: {  	_ =	shalt  }
0x81: {  	_ =	shalt  }
0x82: {  	_ =	shalt  }
0x83: {  	_ =	shalt  }
0x84: {  	_ =	shalt  }
0x85: {  	_ =	shalt  }
0x86: {  	_ =	shalt  }
0x87: {  	_ =	shalt  }
.Lfunc_end0:
.L_simem_size_0:
called_computation_lowered:
.L_overlay_start_0:
0x88: {  	s2 =	sld [smem:$0x3FD9]  }
0x89: {  	s3 =	sld [smem:$0x3FFE];
	_ =	sdelay $0x1  }
0x8a: {  	s1 =	srdreg.scid  }
0x8b: {  	s0 =	sand.u32 $0x1, s1  }
0x8c: {  	s16 =	sshll.u32 s0, $0xA;
	s2 =	sadd.s32 s3, s2  }
0x8d: {  	s2 =	sadd.s32 s2, s16  }
0x8e: {  	[smem:$0x3FBB] =	sst s2  }
0x8f: {  	_ = 	snop  }
0x90: {  	(tm) =	ssettm $0x1  }
0x91: {  	s17 =	sld [smem:$0x3FFB];
	_ =	sdelay $0x3  }
0x92: {  	_ =	strace s17  }
0x93: {  	s2 =	sld [smem:$0x3FFC];
	_ =	sdelay $0x3  }
0x94: {  	_ =	strace s2  }
0x95: {  	s2 =	sld [smem:$0x3FFD];
	_ =	sdelay $0x3  }
0x96: {  	_ =	strace s2  }
0x97: {  	_ =	strace $0x8FFFFFFF  }
0x98: {  	s18 =	sld [smem:$0x3FDB];
	_ =	sdelay $0x1  }
0x99: {  	s19 =	simm.s32 $_scs_section_size  }
0x9a: {  	s4 =	simm.s32 $_size__tile_overlayer_lowered;
	s5 =	simm.s32 $_tile_overlayer_lowered  }
0x9b: {  	s22 =	simm.s32 $0x1BFF;
	s21 =	sshll.u32 s5, $0x1;
	s2 =	sadd.s32 s19, s18  }
0x9c: {  	s6 =	simm.s32 $0x0;
	s20 =	sshll.u32 s4, $0x1;
	s4 =	sadd.s32 s21, s2  }
0x9d: {  	[timem:s6], [sflag:s22] =	dma.local [hbm:s4], s20  }
0x9e: {  	_ =	swait.ge [sflag:s22], s20  }
0x9f: {  	s3 =	ssub.s32 $0x0, s20;
	[sflag:s22] =	ssyncset.done $0x0  }
0xa0: {  	[sflag:s22] =	ssyncadd.s32 s3;
	_ =	sdelay $0x1  }
0xa1: {  	s23 =	simm.s32 $0x1B8B  }
0xa2: {  	_ =	swait.ge [sflag:s23], $0x1  }
0xa3: {  	[sflag:s23] =	ssyncset.done $0x0  }
0xa4: {  	s25 =	simm.s32 $0x1B8E;
	s24 =	sld [smem:$0x3FFE];
	[sflag:s23] =	ssyncadd.s32 $0xFFFFFFFF  }
0xa5: {  	s26 =	simm.s32 $execute0_lowered;
	[smem:$0x3FD2] =	sst s25  }
0xa6: {  	s4 =	sshll.u32 s26, $0x1;
	_ =	strace $0x80000046;
	[dreg:$0x1] =	wrdreg $0xFFFFFFFF  }
0xa7: {  	s28 =	simm.s32 $_size_execute0_lowered;
	s2 =	sadd.s32 s2, s4;
	[dreg:$0x0] =	wrdreg $0x0  }
0xa8: {  	s4 =	sshll.u32 s28, $0x1;
	[dreg:$0x2] =	wrdreg s2  }
0xa9: {  	[dreg:$0x3] =	wrdreg s4  }
0xaa: {  	[dreg:$0x4] =	wrdreg $0xC0  }
0xab: {  	_ =	task [dreg:s6], $0x5FFFF  }
0xac: {  	[dreg:$0x1] =	wrdreg $0xFFFFFFFF  }
0xad: {  	[dreg:$0x0] =	wrdreg $0x60  }
0xae: {  	[dreg:$0x2] =	wrdreg s24  }
0xaf: {  	[dreg:$0x3] =	wrdreg $0x82000  }
0xb0: {  	[dreg:$0x4] =	wrdreg $0x9  }
0xb1: {  	_ =	task.clear_ibuf [dreg:s6], $0x5FFFF;
	_ =	strace $0x90000046  }
0xb2: {  	s29 =	simm.s32 $0x9;
	_ =	strace $0x80000048  }
0xb3: {  	_ =	swait.ge [sflag:s29], $0x1  }
0xb4: {  	[sflag:s29] =	ssyncadd.s32 $0xFFFFFFFF  }
0xb5: {  	_ =	strace $0x90000048  }
0xb6: {  	_ =	sfence  }
0xb7: {  	s30 =	sld [smem:$0x0];
	_ =	sdelay $0x2  }
0xb8: {  	s31 =	sshll.u32 s1, $0xD;
	s1 =	sshrl.u32 s1, $0x2  }
0xb9: {  	s3 =	sand.u32 $0x4000, s31;
	s1 =	sadd.s32 s1, s30  }
0xba: {  	s0 =	sor.u32 s3, s0;
	s1 =	sshll.u32 s1, $0x11  }
0xbb: {  	s0 =	sor.u32 s1, s0  }
0xbc: {  	s0 =	sadd.s32 $0x8F2B, s0  }
0xbd: {  	[sflag:s0] =	ssyncadd.remote.s32 $0x1  }
0xbe: {  	_ =	sfence.sel $0xFFFF  }
0xbf: {  	[dreg:$0x0] =	wrdreg $0xFFFFFFFF;
	(pc) =	sbr.abs _section_cstart, $3  }
0xc0: {  	[dreg:$0x1] =	wrdreg $0xFFFFFFFF  }
0xc1: {  	_ =	task.clear_ibuf [dreg:s6], $0x2FFFF;
	_ =	strace $0x9FFFFFFF  }
0xc2: {  	(tm) =	ssettm $0x7FFFFFFF  }
0xc3: {  	_ =	shalt  }
tec
execute0_lowered:
.L_overlay_start_1:
0x0: {  	(tag) =	ssettag $0x1  }
0x1: {  	s5 =	rddreg [dreg:$0x0]  }
0x2: {  	s2 =	rddreg [dreg:$0x1]  }
0x3: {  	s0 =	rddreg [dreg:$0x2];
	s1 =	stileid.u32  }
0x4: {  	s4 =	srdreg.scid;
	s3 =	simm.s32 $0x0;
	s16 =	simm.s32 $0x4200  }
0x5: {  	s17 =	simm.s32 $0x1;
	s18 =	simm.s32 $0x180;
	s19 =	simm.s32 $0x0  }
0x6: {  	s6 =	smul.u32 $0x13C00, s1;
	s7 =	sand.u32 $0x1, s4;
	[smem:$0x7FF] =	sst s3  }
0x7: {  	s4 =	sadd.s32 $0x53600, s5;
	s10 =	sadd.s32 $0x3A00, s5;
	s25 =	smul.u32 $0x4F000, s1  }
0x8: {  	s11 =	sshll.u32 s1, $0x1;
	s30 =	smul.u32 $0x1400, s1;
	s31 =	sshll.u32 s1, $0x6  }
0x9: {  	s8 =	smul.u32 $0x13C000, s7;
	_ =	strace $0x80000047;
	s26 =	ssub.s32 $0x2, s7  }
0xa: {  	s28 =	sor.u32 s7, s11;
	s15 =	smul.u32 $0xA00, s7;
	s9 =	sshrl.u32 s6, $0x3  }
0xb: {  	s29 =	sshrl.u32 s26, $0x1;
	s13 =	smul.u32 $0xA00, s28;
	s9 =	sadd.s32 s9, s5  }
0xc: {  	s6 =	sadd.s32 s6, s8;
	s8 =	sshrl.u32 s25, $0x2;
	s11 =	ssub.s32 s26, s29  }
0xd: {  	s6 =	sshrl.u32 s6, $0x3;
	s14 =	sadd.s32 s8, s2;
	s7 =	sadd.s32 s10, s13  }
0xe: {  	s10 =	sadd.s32 s30, s10;
	s13 =	simm.s32 $0x80;
	s12 =	sadd.s32 s6, s5  }
0xf: {  	s5 =	sadd.s32 $0x2BE00, s9;
	s6 =	sor.u32 $0x1C02, s31;
	s9 =	smax.u32 s11, $0x1  }
0x10: {  	s10 =	sadd.s32 s15, s10;
	s11 =	sshrl.u32 s14, $0x3;
	s14 =	simm.s32 $0x200  }
0x11: {  	s15 =	simm.s32 $0x100;
	s8 =	sadd.s32 $0x7AE00, s12;
	s12 =	simm.s32 $0x2  }
.LBB2_1:
0x12: {  	[spmem:s11], [sflag:s6] =	dma.local [hbm:s5], $0x2780  }
0x13: {  	_ =	swait.ge [sflag:s12], $0x2780  }
0x14: {  	[sflag:s12] =	ssyncset.done $0x0  }
0x15: {  	[sflag:s12] =	ssyncadd.s32 $0xFFFFD880  }
0x16: {  	[bflag:$0x0] =	sbarrier.arrive $0xFFFF  }
0x17: {  	[tilespmem:s3], [sflag:$0x2] =	stream.linear.gather [hbm4b:s7+s3], $0x100, $0x38;
	[tilespmem:$0x1BE00] =	vst v63  }
0x18: {  	_ =	swait.ge [sflag:s12], $0x100  }
0x19: {  	[sflag:s12] =	ssyncset.done $0x0  }
0x1a: {  	s20 =	sadd.s32 $0xFFFFF600, s10;
	[sflag:s12] =	ssyncadd.s32 $0xFFFFFF00  }
0x1b: {  	[tilespmem:s14], [sflag:$0x1] =	stream.indirect.gather [hbm4b:s4+s13], $0x80, s3, s13, $0xb8;
	[tilespmem:$0x1BE00] =	vst v63  }
0x1c: {  	s21 =	sadd.s32 $0xA20, s20  }
0x1d: {  	[tilespmem:s15], [sflag:$0x2] =	stream.linear.gather [hbm4b:s21+s3], $0x100, $0x38;
	[tilespmem:$0x1BE00] =	vst v63  }
0x1e: {  	_ =	swait.ge [sflag:s12], $0x100  }
0x1f: {  	[sflag:s12] =	ssyncset.done $0x0  }
0x20: {  	[sflag:s12] =	ssyncadd.s32 $0xFFFFFF00  }
0x21: {  	[tilespmem:s16], [sflag:$0x1] =	stream.indirect.gather [hbm4b:s4+s13], $0x80, s15, s13, $0xb8;
	[tilespmem:$0x1BE00] =	vst v63  }
0x22: {  	_ =	swait.ge [sflag:s17], $0x4000  }
0x23: {  	[sflag:s17] =	ssyncset.done $0x0  }
0x24: {  	[sflag:s17] =	ssyncadd.s32 $0xFFFFC000  }
0x25: {  	[spmem:s2] =	stream.indirect.scatter.add.f32 [tilespmem:s14], [sflag:$0x2], $0x80, s13, s13, $0xb8;
	[tilespmem:$0x1BE00] =	vst v63  }
0x26: {  	_ =	swait.ge [sflag:s12], $0x4000  }
0x27: {  	[sflag:s12] =	ssyncset.done $0x0  }
0x28: {  	s20 =	sadd.s32 $0xA40, s20;
	[sflag:s12] =	ssyncadd.s32 $0xFFFFC000  }
0x29: {  	[tilespmem:s3], [sflag:$0x2] =	stream.linear.gather [hbm4b:s20+s3], $0x100, $0x38;
	[tilespmem:$0x1BE00] =	vst v63  }
0x2a: {  	_ =	swait.ge [sflag:s12], $0x100  }
0x2b: {  	[sflag:s12] =	ssyncset.done $0x0  }
0x2c: {  	[sflag:s12] =	ssyncadd.s32 $0xFFFFFF00  }
0x2d: {  	[tilespmem:s14], [sflag:$0x1] =	stream.indirect.gather [hbm4b:s4+s13], $0x80, s3, s13, $0xb8;
	[tilespmem:$0x1BE00] =	vst v63  }
0x2e: {  	_ =	swait.ge [sflag:s17], $0x4000  }
0x2f: {  	[sflag:s17] =	ssyncset.done $0x0  }
0x30: {  	[sflag:s17] =	ssyncadd.s32 $0xFFFFC000  }
0x31: {  	[spmem:s2] =	stream.indirect.scatter.add.f32 [tilespmem:s16], [sflag:$0x2], $0x80, s18, s13, $0xb8;
	[tilespmem:$0x1BE00] =	vst v63  }
0x32: {  	_ =	swait.ge [sflag:s12], $0x4000  }
0x33: {  	s21 =	simm.s32 $0xFFFFF680;
	s20 =	sadd.s32 $0xFFFFF640, s10;
	[sflag:s12] =	ssyncset.done $0x0  }
.LBB2_2:
0x34: {  	s22 =	sadd.s32 $0xA20, s20  }
0x35: {  	[sflag:s12] =	ssyncadd.s32 $0xFFFFC000;
	s23 =	smov.u32 s21;
	s24 =	sadd.s32 $0x40, s21  }
0x36: {  	[tilespmem:s15], [sflag:$0x2] =	stream.linear.gather [hbm4b:s22+s3], $0x100, $0x38;
	[tilespmem:$0x1BE00] =	vst v63  }
0x37: {  	p0 =	sne.s32 s21, $0xFFFFFFC0;
	_ =	swait.ge [sflag:s12], $0x100  }
0x38: {  	[sflag:s12] =	ssyncset.done $0x0  }
0x39: {  	[sflag:s12] =	ssyncadd.s32 $0xFFFFFF00  }
0x3a: {  	[tilespmem:s16], [sflag:$0x1] =	stream.indirect.gather [hbm4b:s4+s13], $0x80, s15, s13, $0xb8;
	[tilespmem:$0x1BE00] =	vst v63  }
0x3b: {  	_ =	swait.ge [sflag:s17], $0x4000  }
0x3c: {  	[sflag:s17] =	ssyncset.done $0x0  }
0x3d: {  	[sflag:s17] =	ssyncadd.s32 $0xFFFFC000  }
0x3e: {  	[spmem:s2] =	stream.indirect.scatter.add.f32 [tilespmem:s14], [sflag:$0x2], $0x80, s13, s13, $0xb8;
	[tilespmem:$0x1BE00] =	vst v63  }
0x3f: {  	_ =	swait.ge [sflag:s12], $0x4000  }
0x40: {  	[sflag:s12] =	ssyncset.done $0x0  }
0x41: {  	s20 =	sadd.s32 $0xA40, s20;
	[sflag:s12] =	ssyncadd.s32 $0xFFFFC000  }
0x42: {  	[tilespmem:s3], [sflag:$0x2] =	stream.linear.gather [hbm4b:s20+s3], $0x100, $0x38;
	[tilespmem:$0x1BE00] =	vst v63  }
0x43: {  	_ =	swait.ge [sflag:s12], $0x100  }
0x44: {  	[sflag:s12] =	ssyncset.done $0x0  }
0x45: {  	[sflag:s12] =	ssyncadd.s32 $0xFFFFFF00  }
0x46: {  	[tilespmem:s14], [sflag:$0x1] =	stream.indirect.gather [hbm4b:s4+s13], $0x80, s3, s13, $0xb8;
	[tilespmem:$0x1BE00] =	vst v63  }
0x47: {  	_ =	swait.ge [sflag:s17], $0x4000  }
.Ltmp0:
0x48: {  	[sflag:s17] =	ssyncset.done $0x0;
	(pc) =	sbr.rel @p0 .LBB2_2-.Ltmp0, $4  }
0x49: {  	[sflag:s17] =	ssyncadd.s32 $0xFFFFC000  }
0x4a: {  	[spmem:s2] =	stream.indirect.scatter.add.f32 [tilespmem:s16], [sflag:$0x2], $0x80, s18, s13, $0xb8;
	[tilespmem:$0x1BE00] =	vst v63  }
0x4b: {  	_ =	swait.ge [sflag:s12], $0x4000  }
0x4c: {  	s21 =	smov.u32 s24;
	s20 =	sadd.s32 s23, s10;
	[sflag:s12] =	ssyncset.done $0x0  }
0x4d: {  	s21 =	sadd.s32 $0xA20, s20;
	[sflag:s12] =	ssyncadd.s32 $0xFFFFC000  }
0x4e: {  	[tilespmem:s15], [sflag:$0x2] =	stream.linear.gather [hbm4b:s21+s3], $0x100, $0x38;
	[tilespmem:$0x1BE00] =	vst v63  }
0x4f: {  	_ =	swait.ge [sflag:s12], $0x100  }
0x50: {  	[sflag:s12] =	ssyncset.done $0x0  }
0x51: {  	[sflag:s12] =	ssyncadd.s32 $0xFFFFFF00  }
0x52: {  	[tilespmem:s16], [sflag:$0x1] =	stream.indirect.gather [hbm4b:s4+s13], $0x80, s15, s13, $0xb8;
	[tilespmem:$0x1BE00] =	vst v63  }
0x53: {  	_ =	swait.ge [sflag:s17], $0x4000  }
0x54: {  	[sflag:s17] =	ssyncset.done $0x0  }
0x55: {  	[sflag:s17] =	ssyncadd.s32 $0xFFFFC000  }
0x56: {  	[spmem:s2] =	stream.indirect.scatter.add.f32 [tilespmem:s14], [sflag:$0x2], $0x80, s13, s13, $0xb8;
	[tilespmem:$0x1BE00] =	vst v63  }
0x57: {  	_ =	swait.ge [sflag:s12], $0x4000  }
0x58: {  	[sflag:s12] =	ssyncset.done $0x0  }
0x59: {  	s31 =	sadd.s32 $0xA40, s20;
	[sflag:s12] =	ssyncadd.s32 $0xFFFFC000  }
0x5a: {  	[tilespmem:s3], [sflag:$0x2] =	stream.linear.gather [hbm4b:s31+s3], $0x100, $0x38;
	[tilespmem:$0x1BE00] =	vst v63  }
0x5b: {  	_ =	swait.ge [sflag:s12], $0x100  }
0x5c: {  	[sflag:s12] =	ssyncset.done $0x0  }
0x5d: {  	[sflag:s12] =	ssyncadd.s32 $0xFFFFFF00  }
0x5e: {  	[tilespmem:s14], [sflag:$0x1] =	stream.indirect.gather [hbm4b:s4+s13], $0x80, s3, s13, $0xb8;
	[tilespmem:$0x1BE00] =	vst v63  }
0x5f: {  	_ =	swait.ge [sflag:s17], $0x4000  }
0x60: {  	[sflag:s17] =	ssyncset.done $0x0  }
0x61: {  	[sflag:s17] =	ssyncadd.s32 $0xFFFFC000  }
0x62: {  	[spmem:s2] =	stream.indirect.scatter.add.f32 [tilespmem:s16], [sflag:$0x2], $0x80, s18, s13, $0xb8;
	[tilespmem:$0x1BE00] =	vst v63  }
0x63: {  	_ =	swait.ge [sflag:s12], $0x4000  }
0x64: {  	[sflag:s12] =	ssyncset.done $0x0  }
0x65: {  	[sflag:s12] =	ssyncadd.s32 $0xFFFFC000  }
0x66: {  	_ =	swait.ge [sflag:s17], $0x4000  }
0x67: {  	s19 =	sadd.s32 $0x1, s19;
	[sflag:s17] =	ssyncset.done $0x0  }
0x68: {  	p0 =	sne.s32 s19, s9;
	[sflag:s17] =	ssyncadd.s32 $0xFFFFC000  }
.Ltmp1:
0x69: {  	[bflag:$0x0] =	sbarrier.arrive $0xFFFF;
	(pc) =	sbr.rel @p0 .LBB2_1-.Ltmp1, $4  }
0x6a: {  	[hbm:s8], [sflag:s6] =	dma.local [spmem:s11], $0x2780  }
0x6b: {  	_ =	swait.ge [sflag:s12], $0x2780  }
0x6c: {  	[sflag:s12] =	ssyncset.done $0x0  }
0x6d: {  	[sflag:s12] =	ssyncadd.s32 $0xFFFFD880  }
0x6e: {  	_ =	sfence.sel $0x180000  }
0x6f: {  	[bflag:$0x0] =	sbarrier.arrive $0xFFFF  }
0x70: {  	p0 =	sne.s32 s1, $0x0;
	_ =	strace $0x90000047  }
0x71: {  	s0 =	sadd.s32 @!p0 $0x100000, s0;
	[bflag:$0x2] =	sbarrier.arrive $0xFFFF  }
0x72: {  	[sflag:s0] =	ssyncadd.tile.s32 @!p0 $0x1;
	_ =	shalt  }
.Lfunc_end2:
_tile_overlayer_lowered:
.L_overlay_start_2:
0x73: {  	(tag) =	ssettag $0x2  }
0x74: {  	s0 =	rddreg [dreg:$0x0];
	s2 =	stileid.u32  }
0x75: {  	s1 =	rddreg [dreg:$0x1];
	p0 =	sne.s32 s2, $0x0  }
0x76: {  	s3 =	rddreg [dreg:$0x2];
	[bflag:$0x3] =	sbarrier.arrive $0xFFFF;
	s2 =	simm.s32 @!p0 $0x1C02  }
0x77: {  	[timem:s3], [sflag:s2] =	dma.local @!p0 [hbm:s0], s1  }
0x78: {  	s0 =	simm.s32 @!p0 $0x2  }
0x79: {  	_ =	swait.ge @!p0 [sflag:s0], s1  }
0x7a: {  	s1 =	ssub.s32 @!p0 $0x0, s1;
	[sflag:s0] =	ssyncset.done @!p0 $0x0  }
0x7b: {  	[sflag:s0] =	ssyncadd.s32 @!p0 s1  }
0x7c: {  	[bflag:$0x3] =	sbarrier.arrive $0xFFFF  }
0x7d: {  	_ =	shalt  }

// kernel: kernel.14.cloned.1.call-start
scs
__scs_entry_jumppad:
0x0: {  	(pc) =	sbr.rel $0x88, $3  }
0x1: {  	(tag) =	ssettag $0x0;
	lr =	simm.s32 $0x1  }
0x2: {  	[smem:$0x3F94] =	sst lr;
	_ =	strace $0xD0000000  }
0x3: {  	_ = 	snop  }
0x4: {  	_ = 	snop  }
0x5: {  	_ = 	snop  }
0x6: {  	_ = 	snop  }
0x7: {  	_ = 	snop  }
__scs_overlays_trampoline_lowered:
0x8: {  	[smem:$0x3FA3] =	sst s0  }
0x9: {  	[smem:$0x3FA4] =	sst s1  }
0xa: {  	[smem:$0x3FA5] =	sst s2  }
0xb: {  	[smem:$0x3FA6] =	sst s3  }
0xc: {  	[smem:$0x3FA7] =	sst s4  }
0xd: {  	[smem:$0x3FA8] =	sst s5  }
0xe: {  	[smem:$0x3FA9] =	sst s6  }
0xf: {  	[smem:$0x3FAA] =	sst s7  }
0x10: {  	[smem:$0x3FAB] =	sst s8  }
0x11: {  	[smem:$0x3FAC] =	sst s9;
	s0 =	simm.s32 @!p0 $0x0  }
0x12: {  	s1 =	sld [smem:$0x3F92];
	s0 =	simm.s32 @p0 $0x1  }
0x13: {  	[smem:$0x3FAD] =	sst s0;
	s0 =	simm.s32 @!p1 $0x0  }
0x14: {  	s2 =	sld [smem:$0x3F91];
	s0 =	simm.s32 @p1 $0x1  }
0x15: {  	[smem:$0x3FAE] =	sst s0;
	s0 =	simm.s32 @!p2 $0x0  }
0x16: {  	s3 =	sld [smem:$0x3FDB];
	s0 =	simm.s32 @p2 $0x1  }
0x17: {  	s4 =	simm.s32 $0x1BF5;
	[smem:$0x3FB0] =	sst s0  }
0x18: {  	s0 =	sld [smem:$0x3F93];
	_ =	swait.ge [sflag:s4], $0x0  }
0x19: {  	s7 =	sld [smem:$0x3F94]  }
0x1a: {  	s8 =	sadd.s32 $0xFFFFE003, lr  }
0x1b: {  	s9 =	sadd.s32 $0xFFFFFEF7, lr;
	s5 =	simm.s32 $0xFFFFFFFF;
	p2 =	slt.u32 s8, $0xFFFFF086  }
0x1c: {  	p1 =	slt.u32 s9, $0xF7A;
	s5 =	simm.s32 @!p2 $0x0  }
0x1d: {  	s5 =	simm.s32 @p1 $0x1;
	p0 =	seq.s32 s7, s2  }
0x1e: {  	s7 =	smul.u32 @!p0 $0xF7A, s2;
	p2 =	seq.s32 @!p0 s5, $0x0  }
0x1f: {  	s9 =	smul.u32 $0xF7A, s1;
	s8 =	simm.s32 @!p0 $0x1BF5;
	p2 =	por !p2, p0  }
0x20: {  	[sflag:s8] =	ssyncset.s32 @!p0 $0xFFFFF086;
	s6 =	sadd.s32 @!p0 s3, s7;
	s7 =	simm.s32 @!p0 $0x108  }
0x21: {  	s3 =	sadd.s32 s3, s9;
	s6 =	sadd.s32 @!p0 $0x88, s6;
	s7 =	simm.s32 @p2 $0x1082  }
0x22: {  	[simem:s7], [sflag:s8] =	dma.local @!p0 [hbm:s6], $0xF7A  }
0x23: {  	s9 =	sor.u32 $0xD0000000, s2;
	s6 =	simm.s32 $0x108;
	_ =	swait.ge @!p0 [sflag:s8], $0x0  }
0x24: {  	s3 =	sadd.s32 $0x88, s3;
	s6 =	simm.s32 @!p1 $0x1082;
	[sflag:s4] =	ssyncset.s32 $0xFFFFF086  }
0x25: {  	[simem:s6], [sflag:s4] =	dma.local [hbm:s3], $0xF7A  }
0x26: {  	[smem:$0x3F94] =	sst s1;
	(tag) =	ssettag s2;
	_ =	strace s9  }
0x27: {  	s1 =	sld [smem:$0x3FA4]  }
0x28: {  	s2 =	sld [smem:$0x3FA5]  }
0x29: {  	s4 =	sld [smem:$0x3FA7]  }
0x2a: {  	p0 =	seq.s32 s5, $0x0;
	s5 =	sld [smem:$0x3FA8]  }
0x2b: {  	s6 =	sld [smem:$0x3FA9]  }
0x2c: {  	s7 =	sld [smem:$0x3FAA]  }
0x2d: {  	s3 =	simm.s32 $0x108;
	s8 =	sld [smem:$0x3FAB]  }
0x2e: {  	s3 =	simm.s32 @!p0 $0x1082;
	s9 =	sld [smem:$0x3FAC]  }
0x2f: {  	lr =	sadd.s32 s0, s3;
	s0 =	sld [smem:$0x3FA3]  }
0x30: {  	s3 =	sld [smem:$0x3FA6]  }
0x31: {  	[smem:$0x3FAF] =	sst s10  }
0x32: {  	s10 =	sld [smem:$0x3FAD];
	_ =	sdelay $0x3  }
0x33: {  	p0 =	seq.s32 s10, $0x1;
	s10 =	sld [smem:$0x3FAF];
	_ =	sdelay $0x3  }
0x34: {  	[smem:$0x3FAF] =	sst s10  }
0x35: {  	s10 =	sld [smem:$0x3FAE];
	_ =	sdelay $0x3  }
0x36: {  	p1 =	seq.s32 s10, $0x1;
	s10 =	sld [smem:$0x3FAF];
	_ =	sdelay $0x3  }
0x37: {  	[smem:$0x3FAF] =	sst s10  }
0x38: {  	s10 =	sld [smem:$0x3FB0]  }
0x39: {  	_ = 	snop;
	(pc) =	sbr.ind lr, $3  }
0x3a: {  	_ = 	snop  }
0x3b: {  	_ = 	snop  }
0x3c: {  	p2 =	seq.s32 s10, $0x1;
	s10 =	sld [smem:$0x3FAF]  }
0x3d: {  	_ =	shalt  }
0x3e: {  	_ =	shalt  }
0x3f: {  	_ =	shalt  }
0x40: {  	_ =	shalt  }
0x41: {  	_ =	shalt  }
0x42: {  	_ =	shalt  }
0x43: {  	_ =	shalt  }
0x44: {  	_ =	shalt  }
0x45: {  	_ =	shalt  }
0x46: {  	_ =	shalt  }
0x47: {  	_ =	shalt  }
0x48: {  	_ =	shalt  }
0x49: {  	_ =	shalt  }
0x4a: {  	_ =	shalt  }
0x4b: {  	_ =	shalt  }
0x4c: {  	_ =	shalt  }
0x4d: {  	_ =	shalt  }
0x4e: {  	_ =	shalt  }
0x4f: {  	_ =	shalt  }
0x50: {  	_ =	shalt  }
0x51: {  	_ =	shalt  }
0x52: {  	_ =	shalt  }
0x53: {  	_ =	shalt  }
0x54: {  	_ =	shalt  }
0x55: {  	_ =	shalt  }
0x56: {  	_ =	shalt  }
0x57: {  	_ =	shalt  }
0x58: {  	_ =	shalt  }
0x59: {  	_ =	shalt  }
0x5a: {  	_ =	shalt  }
0x5b: {  	_ =	shalt  }
0x5c: {  	_ =	shalt  }
0x5d: {  	_ =	shalt  }
0x5e: {  	_ =	shalt  }
0x5f: {  	_ =	shalt  }
0x60: {  	_ =	shalt  }
0x61: {  	_ =	shalt  }
0x62: {  	_ =	shalt  }
0x63: {  	_ =	shalt  }
0x64: {  	_ =	shalt  }
0x65: {  	_ =	shalt  }
0x66: {  	_ =	shalt  }
0x67: {  	_ =	shalt  }
0x68: {  	_ =	shalt  }
0x69: {  	_ =	shalt  }
0x6a: {  	_ =	shalt  }
0x6b: {  	_ =	shalt  }
0x6c: {  	_ =	shalt  }
0x6d: {  	_ =	shalt  }
0x6e: {  	_ =	shalt  }
0x6f: {  	_ =	shalt  }
0x70: {  	_ =	shalt  }
0x71: {  	_ =	shalt  }
0x72: {  	_ =	shalt  }
0x73: {  	_ =	shalt  }
0x74: {  	_ =	shalt  }
0x75: {  	_ =	shalt  }
0x76: {  	_ =	shalt  }
0x77: {  	_ =	shalt  }
0x78: {  	_ =	shalt  }
0x79: {  	_ =	shalt  }
0x7a: {  	_ =	shalt  }
0x7b: {  	_ =	shalt  }
0x7c: {  	_ =	shalt  }
0x7d: {  	_ =	shalt  }
0x7e: {  	_ =	shalt  }
0x7f: {  	_ =	shalt  }
0x80: {  	_ =	shalt  }
0x81: {  	_ =	shalt  }
0x82: {  	_ =	shalt  }
0x83: {  	_ =	shalt  }
0x84: {  	_ =	shalt  }
0x85: {  	_ =	shalt  }
0x86: {  	_ =	shalt  }
0x87: {  	_ =	shalt  }
.Lfunc_end0:
.L_simem_size_0:
called_computation.1_lowered:
.L_overlay_start_0:
0x88: {  	s2 =	sld [smem:$0x3FD9]  }
0x89: {  	s3 =	sld [smem:$0x3FFE];
	_ =	sdelay $0x1  }
0x8a: {  	s1 =	srdreg.scid  }
0x8b: {  	s0 =	sand.u32 $0x1, s1  }
0x8c: {  	s17 =	sshll.u32 s0, $0xA;
	s2 =	sadd.s32 s3, s2  }
0x8d: {  	s2 =	sadd.s32 s2, s17  }
0x8e: {  	[smem:$0x3FBB] =	sst s2  }
0x8f: {  	_ = 	snop  }
0x90: {  	(tm) =	ssettm $0x1  }
0x91: {  	s18 =	sld [smem:$0x3FFB];
	_ =	sdelay $0x3  }
0x92: {  	_ =	strace s18  }
0x93: {  	s2 =	sld [smem:$0x3FFC];
	_ =	sdelay $0x3  }
0x94: {  	_ =	strace s2  }
0x95: {  	s2 =	sld [smem:$0x3FFD];
	_ =	sdelay $0x3  }
0x96: {  	_ =	strace s2  }
0x97: {  	_ =	strace $0x8FFFFFFF  }
0x98: {  	s19 =	sld [smem:$0x3FDB];
	_ =	sdelay $0x1  }
0x99: {  	s20 =	simm.s32 $_scs_section_size  }
0x9a: {  	s4 =	simm.s32 $_size__tile_overlayer_lowered;
	s5 =	simm.s32 $_tile_overlayer_lowered  }
0x9b: {  	s6 =	simm.s32 $0x1BFF;
	s21 =	sshll.u32 s5, $0x1;
	s3 =	sadd.s32 s20, s19  }
0x9c: {  	s22 =	simm.s32 $0x0;
	s4 =	sshll.u32 s4, $0x1;
	s5 =	sadd.s32 s21, s3  }
0x9d: {  	[timem:s22], [sflag:s6] =	dma.local [hbm:s5], s4  }
0x9e: {  	_ =	swait.ge [sflag:s6], s4  }
0x9f: {  	s4 =	ssub.s32 $0x0, s4;
	[sflag:s6] =	ssyncset.done $0x0  }
0xa0: {  	[sflag:s6] =	ssyncadd.s32 s4;
	_ =	sdelay $0x1  }
0xa1: {  	s23 =	simm.s32 $0x1B8B  }
0xa2: {  	_ =	swait.ge [sflag:s23], $0x1  }
0xa3: {  	[sflag:s23] =	ssyncset.done $0x0  }
0xa4: {  	[sflag:s23] =	ssyncadd.s32 $0xFFFFFFFF  }
0xa5: {  	s4 =	sld [smem:$0x0]  }
0xa6: {  	s5 =	sand.u32 $0xFFFFFFFE, s1  }
0xa7: {  	p0 =	sne.s32 s1, s5  }
0xa8: {  	s5 =	sshll.u32 @p0 s5, $0xE  }
0xa9: {  	s5 =	sadd.s32 @p0 $0x11B8D, s5;
	s6 =	sshll.u32 @p0 s4, $0x11  }
0xaa: {  	s5 =	sor.u32 @p0 s6, s5  }
0xab: {  	[sflag:s5] =	ssyncadd.remote.s32 @p0 $0x1;
	_ =	sdelay $0x1  }
0xac: {  	s5 =	simm.s32 @p0 $0x1B8D  }
0xad: {  	_ =	swait.eq @p0 [sflag:s5], $0x1  }
0xae: {  	[sflag:s5] =	ssyncadd.s32 @p0 $0xFFFFFFFF  }
0xaf: {  	s6 =	sshll.u32 @!p0 s1, $0xE  }
0xb0: {  	s6 =	sor.u32 @!p0 $0x4000, s6;
	s5 =	simm.s32 @!p0 $0x1B8D  }
0xb1: {  	s4 =	sshll.u32 @!p0 s4, $0x11;
	s6 =	sadd.s32 @!p0 $0x11B8D, s6;
	_ =	swait.eq @!p0 [sflag:s5], $0x1  }
0xb2: {  	s4 =	sor.u32 @!p0 s4, s6;
	[sflag:s5] =	ssyncadd.s32 @!p0 $0xFFFFFFFF  }
0xb3: {  	s25 =	simm.s32 $0x1B8E;
	s24 =	sld [smem:$0x3FFE];
	[sflag:s4] =	ssyncadd.remote.s32 @!p0 $0x1  }
0xb4: {  	s26 =	simm.s32 $execute0_lowered;
	[smem:$0x3FD2] =	sst s25  }
0xb5: {  	s5 =	sshll.u32 s26, $0x1;
	_ =	strace $0x8000004C;
	[dreg:$0x1] =	wrdreg $0xFFFFFFFF  }
0xb6: {  	s28 =	simm.s32 $_size_execute0_lowered;
	s3 =	sadd.s32 s3, s5;
	[dreg:$0x0] =	wrdreg $0x0  }
0xb7: {  	s5 =	sshll.u32 s28, $0x1;
	[dreg:$0x2] =	wrdreg s3  }
0xb8: {  	[dreg:$0x3] =	wrdreg s5  }
0xb9: {  	[dreg:$0x4] =	wrdreg $0xC0  }
0xba: {  	_ =	task [dreg:s22], $0x5FFFF  }
0xbb: {  	[dreg:$0x1] =	wrdreg $0xFFFFFFFF  }
0xbc: {  	[dreg:$0x0] =	wrdreg $0x60  }
0xbd: {  	[dreg:$0x2] =	wrdreg s24  }
0xbe: {  	[dreg:$0x3] =	wrdreg $0x82000  }
0xbf: {  	[dreg:$0x4] =	wrdreg $0x9  }
0xc0: {  	_ =	task.clear_ibuf [dreg:s22], $0x5FFFF;
	_ =	strace $0x9000004C  }
0xc1: {  	s29 =	simm.s32 $0x9;
	_ =	strace $0x8000004E  }
0xc2: {  	_ =	swait.ge [sflag:s29], $0x1  }
0xc3: {  	[sflag:s29] =	ssyncadd.s32 $0xFFFFFFFF  }
0xc4: {  	_ =	strace $0x9000004E  }
0xc5: {  	_ =	sfence  }
0xc6: {  	s30 =	sld [smem:$0x0];
	_ =	sdelay $0x2  }
0xc7: {  	s31 =	sshll.u32 s1, $0xD;
	s1 =	sshrl.u32 s1, $0x2  }
0xc8: {  	s4 =	sand.u32 $0x4000, s31;
	s1 =	sadd.s32 s1, s30  }
0xc9: {  	s0 =	sor.u32 s4, s0;
	s1 =	sshll.u32 s1, $0x11  }
0xca: {  	s0 =	sor.u32 s1, s0  }
0xcb: {  	s0 =	sadd.s32 $0x8F2B, s0  }
0xcc: {  	[sflag:s0] =	ssyncadd.remote.s32 $0x1  }
0xcd: {  	_ =	sfence.sel $0xFFFF  }
0xce: {  	[dreg:$0x0] =	wrdreg $0xFFFFFFFF;
	(pc) =	sbr.abs _section_cstart, $3  }
0xcf: {  	[dreg:$0x1] =	wrdreg $0xFFFFFFFF  }
0xd0: {  	_ =	task.clear_ibuf [dreg:s22], $0x2FFFF;
	_ =	strace $0x9FFFFFFF  }
0xd1: {  	(tm) =	ssettm $0x7FFFFFFF  }
tec
execute0_lowered:
.L_overlay_start_1:
0x0: {  	(tag) =	ssettag $0x1  }
0x1: {  	s5 =	rddreg [dreg:$0x0]  }
0x2: {  	s2 =	rddreg [dreg:$0x1]  }
0x3: {  	s0 =	rddreg [dreg:$0x2];
	s1 =	stileid.u32  }
0x4: {  	s4 =	srdreg.scid;
	s3 =	simm.s32 $0x0;
	s16 =	simm.s32 $0x4200  }
0x5: {  	s17 =	simm.s32 $0x1;
	s18 =	simm.s32 $0x180;
	s19 =	simm.s32 $0x0  }
0x6: {  	s6 =	smul.u32 $0x13C00, s1;
	s7 =	sand.u32 $0x1, s4;
	[smem:$0x7FF] =	sst s3  }
0x7: {  	s4 =	sadd.s32 $0xC9E00, s5;
	s10 =	sadd.s32 $0x17C00, s5;
	s25 =	smul.u32 $0x4F000, s1  }
0x8: {  	s11 =	sshll.u32 s1, $0x1;
	s30 =	smul.u32 $0x1400, s1;
	s31 =	sshll.u32 s1, $0x6  }
0x9: {  	s8 =	smul.u32 $0x13C000, s7;
	_ =	strace $0x8000004D;
	s26 =	ssub.s32 $0x2, s7  }
0xa: {  	s28 =	sor.u32 s7, s11;
	s15 =	smul.u32 $0xA00, s7;
	s9 =	sshrl.u32 s6, $0x3  }
0xb: {  	s29 =	sshrl.u32 s26, $0x1;
	s13 =	smul.u32 $0xA00, s28;
	s9 =	sadd.s32 s9, s5  }
0xc: {  	s6 =	sadd.s32 s6, s8;
	s8 =	sshrl.u32 s25, $0x2;
	s11 =	ssub.s32 s26, s29  }
0xd: {  	s6 =	sshrl.u32 s6, $0x3;
	s14 =	sadd.s32 s8, s2;
	s7 =	sadd.s32 s10, s13  }
0xe: {  	s10 =	sadd.s32 s30, s10;
	s13 =	simm.s32 $0x80;
	s12 =	sadd.s32 s6, s5  }
0xf: {  	s5 =	sadd.s32 $0x2BE00, s9;
	s6 =	sor.u32 $0x1C02, s31;
	s9 =	smax.u32 s11, $0x1  }
0x10: {  	s10 =	sadd.s32 s15, s10;
	s11 =	sshrl.u32 s14, $0x3;
	s14 =	simm.s32 $0x200  }
0x11: {  	s15 =	simm.s32 $0x100;
	s8 =	sadd.s32 $0x140000, s12;
	s12 =	simm.s32 $0x2  }
.LBB2_1:
0x12: {  	[spmem:s11], [sflag:s6] =	dma.local [hbm:s5], $0x2780  }
0x13: {  	_ =	swait.ge [sflag:s12], $0x2780  }
0x14: {  	[sflag:s12] =	ssyncset.done $0x0  }
0x15: {  	[sflag:s12] =	ssyncadd.s32 $0xFFFFD880  }
0x16: {  	[bflag:$0x0] =	sbarrier.arrive $0xFFFF  }
0x17: {  	[tilespmem:s3], [sflag:$0x2] =	stream.linear.gather [hbm4b:s7+s3], $0x100, $0x38;
	[tilespmem:$0x1BE00] =	vst v63  }
0x18: {  	_ =	swait.ge [sflag:s12], $0x100  }
0x19: {  	[sflag:s12] =	ssyncset.done $0x0  }
0x1a: {  	s20 =	sadd.s32 $0xFFFFF600, s10;
	[sflag:s12] =	ssyncadd.s32 $0xFFFFFF00  }
0x1b: {  	[tilespmem:s14], [sflag:$0x1] =	stream.indirect.gather [hbm4b:s4+s13], $0x80, s3, s13, $0xb8;
	[tilespmem:$0x1BE00] =	vst v63  }
0x1c: {  	s21 =	sadd.s32 $0xA20, s20  }
0x1d: {  	[tilespmem:s15], [sflag:$0x2] =	stream.linear.gather [hbm4b:s21+s3], $0x100, $0x38;
	[tilespmem:$0x1BE00] =	vst v63  }
0x1e: {  	_ =	swait.ge [sflag:s12], $0x100  }
0x1f: {  	[sflag:s12] =	ssyncset.done $0x0  }
0x20: {  	[sflag:s12] =	ssyncadd.s32 $0xFFFFFF00  }
0x21: {  	[tilespmem:s16], [sflag:$0x1] =	stream.indirect.gather [hbm4b:s4+s13], $0x80, s15, s13, $0xb8;
	[tilespmem:$0x1BE00] =	vst v63  }
0x22: {  	_ =	swait.ge [sflag:s17], $0x4000  }
0x23: {  	[sflag:s17] =	ssyncset.done $0x0  }
0x24: {  	[sflag:s17] =	ssyncadd.s32 $0xFFFFC000  }
0x25: {  	[spmem:s2] =	stream.indirect.scatter.add.f32 [tilespmem:s14], [sflag:$0x2], $0x80, s13, s13, $0xb8;
	[tilespmem:$0x1BE00] =	vst v63  }
0x26: {  	_ =	swait.ge [sflag:s12], $0x4000  }
0x27: {  	[sflag:s12] =	ssyncset.done $0x0  }
0x28: {  	s20 =	sadd.s32 $0xA40, s20;
	[sflag:s12] =	ssyncadd.s32 $0xFFFFC000  }
0x29: {  	[tilespmem:s3], [sflag:$0x2] =	stream.linear.gather [hbm4b:s20+s3], $0x100, $0x38;
	[tilespmem:$0x1BE00] =	vst v63  }
0x2a: {  	_ =	swait.ge [sflag:s12], $0x100  }
0x2b: {  	[sflag:s12] =	ssyncset.done $0x0  }
0x2c: {  	[sflag:s12] =	ssyncadd.s32 $0xFFFFFF00  }
0x2d: {  	[tilespmem:s14], [sflag:$0x1] =	stream.indirect.gather [hbm4b:s4+s13], $0x80, s3, s13, $0xb8;
	[tilespmem:$0x1BE00] =	vst v63  }
0x2e: {  	_ =	swait.ge [sflag:s17], $0x4000  }
0x2f: {  	[sflag:s17] =	ssyncset.done $0x0  }
0x30: {  	[sflag:s17] =	ssyncadd.s32 $0xFFFFC000  }
0x31: {  	[spmem:s2] =	stream.indirect.scatter.add.f32 [tilespmem:s16], [sflag:$0x2], $0x80, s18, s13, $0xb8;
	[tilespmem:$0x1BE00] =	vst v63  }
0x32: {  	_ =	swait.ge [sflag:s12], $0x4000  }
0x33: {  	s21 =	simm.s32 $0xFFFFF680;
	s20 =	sadd.s32 $0xFFFFF640, s10;
	[sflag:s12] =	ssyncset.done $0x0  }
.LBB2_2:
0x34: {  	s22 =	sadd.s32 $0xA20, s20  }
0x35: {  	[sflag:s12] =	ssyncadd.s32 $0xFFFFC000;
	s23 =	smov.u32 s21;
	s24 =	sadd.s32 $0x40, s21  }
0x36: {  	[tilespmem:s15], [sflag:$0x2] =	stream.linear.gather [hbm4b:s22+s3], $0x100, $0x38;
	[tilespmem:$0x1BE00] =	vst v63  }
0x37: {  	p0 =	sne.s32 s21, $0xFFFFFFC0;
	_ =	swait.ge [sflag:s12], $0x100  }
0x38: {  	[sflag:s12] =	ssyncset.done $0x0  }
0x39: {  	[sflag:s12] =	ssyncadd.s32 $0xFFFFFF00  }
0x3a: {  	[tilespmem:s16], [sflag:$0x1] =	stream.indirect.gather [hbm4b:s4+s13], $0x80, s15, s13, $0xb8;
	[tilespmem:$0x1BE00] =	vst v63  }
0x3b: {  	_ =	swait.ge [sflag:s17], $0x4000  }
0x3c: {  	[sflag:s17] =	ssyncset.done $0x0  }
0x3d: {  	[sflag:s17] =	ssyncadd.s32 $0xFFFFC000  }
0x3e: {  	[spmem:s2] =	stream.indirect.scatter.add.f32 [tilespmem:s14], [sflag:$0x2], $0x80, s13, s13, $0xb8;
	[tilespmem:$0x1BE00] =	vst v63  }
0x3f: {  	_ =	swait.ge [sflag:s12], $0x4000  }
0x40: {  	[sflag:s12] =	ssyncset.done $0x0  }
0x41: {  	s20 =	sadd.s32 $0xA40, s20;
	[sflag:s12] =	ssyncadd.s32 $0xFFFFC000  }
0x42: {  	[tilespmem:s3], [sflag:$0x2] =	stream.linear.gather [hbm4b:s20+s3], $0x100, $0x38;
	[tilespmem:$0x1BE00] =	vst v63  }
0x43: {  	_ =	swait.ge [sflag:s12], $0x100  }
0x44: {  	[sflag:s12] =	ssyncset.done $0x0  }
0x45: {  	[sflag:s12] =	ssyncadd.s32 $0xFFFFFF00  }
0x46: {  	[tilespmem:s14], [sflag:$0x1] =	stream.indirect.gather [hbm4b:s4+s13], $0x80, s3, s13, $0xb8;
	[tilespmem:$0x1BE00] =	vst v63  }
0x47: {  	_ =	swait.ge [sflag:s17], $0x4000  }
.Ltmp0:
0x48: {  	[sflag:s17] =	ssyncset.done $0x0;
	(pc) =	sbr.rel @p0 .LBB2_2-.Ltmp0, $4  }
0x49: {  	[sflag:s17] =	ssyncadd.s32 $0xFFFFC000  }
0x4a: {  	[spmem:s2] =	stream.indirect.scatter.add.f32 [tilespmem:s16], [sflag:$0x2], $0x80, s18, s13, $0xb8;
	[tilespmem:$0x1BE00] =	vst v63  }
0x4b: {  	_ =	swait.ge [sflag:s12], $0x4000  }
0x4c: {  	s21 =	smov.u32 s24;
	s20 =	sadd.s32 s23, s10;
	[sflag:s12] =	ssyncset.done $0x0  }
0x4d: {  	s21 =	sadd.s32 $0xA20, s20;
	[sflag:s12] =	ssyncadd.s32 $0xFFFFC000  }
0x4e: {  	[tilespmem:s15], [sflag:$0x2] =	stream.linear.gather [hbm4b:s21+s3], $0x100, $0x38;
	[tilespmem:$0x1BE00] =	vst v63  }
0x4f: {  	_ =	swait.ge [sflag:s12], $0x100  }
0x50: {  	[sflag:s12] =	ssyncset.done $0x0  }
0x51: {  	[sflag:s12] =	ssyncadd.s32 $0xFFFFFF00  }
0x52: {  	[tilespmem:s16], [sflag:$0x1] =	stream.indirect.gather [hbm4b:s4+s13], $0x80, s15, s13, $0xb8;
	[tilespmem:$0x1BE00] =	vst v63  }
0x53: {  	_ =	swait.ge [sflag:s17], $0x4000  }
0x54: {  	[sflag:s17] =	ssyncset.done $0x0  }
0x55: {  	[sflag:s17] =	ssyncadd.s32 $0xFFFFC000  }
0x56: {  	[spmem:s2] =	stream.indirect.scatter.add.f32 [tilespmem:s14], [sflag:$0x2], $0x80, s13, s13, $0xb8;
	[tilespmem:$0x1BE00] =	vst v63  }
0x57: {  	_ =	swait.ge [sflag:s12], $0x4000  }
0x58: {  	[sflag:s12] =	ssyncset.done $0x0  }
0x59: {  	s31 =	sadd.s32 $0xA40, s20;
	[sflag:s12] =	ssyncadd.s32 $0xFFFFC000  }
0x5a: {  	[tilespmem:s3], [sflag:$0x2] =	stream.linear.gather [hbm4b:s31+s3], $0x100, $0x38;
	[tilespmem:$0x1BE00] =	vst v63  }
0x5b: {  	_ =	swait.ge [sflag:s12], $0x100  }
0x5c: {  	[sflag:s12] =	ssyncset.done $0x0  }
0x5d: {  	[sflag:s12] =	ssyncadd.s32 $0xFFFFFF00  }
0x5e: {  	[tilespmem:s14], [sflag:$0x1] =	stream.indirect.gather [hbm4b:s4+s13], $0x80, s3, s13, $0xb8;
	[tilespmem:$0x1BE00] =	vst v63  }
0x5f: {  	_ =	swait.ge [sflag:s17], $0x4000  }
0x60: {  	[sflag:s17] =	ssyncset.done $0x0  }
0x61: {  	[sflag:s17] =	ssyncadd.s32 $0xFFFFC000  }
0x62: {  	[spmem:s2] =	stream.indirect.scatter.add.f32 [tilespmem:s16], [sflag:$0x2], $0x80, s18, s13, $0xb8;
	[tilespmem:$0x1BE00] =	vst v63  }
0x63: {  	_ =	swait.ge [sflag:s12], $0x4000  }
0x64: {  	[sflag:s12] =	ssyncset.done $0x0  }
0x65: {  	[sflag:s12] =	ssyncadd.s32 $0xFFFFC000  }
0x66: {  	_ =	swait.ge [sflag:s17], $0x4000  }
0x67: {  	s19 =	sadd.s32 $0x1, s19;
	[sflag:s17] =	ssyncset.done $0x0  }
0x68: {  	p0 =	sne.s32 s19, s9;
	[sflag:s17] =	ssyncadd.s32 $0xFFFFC000  }
.Ltmp1:
0x69: {  	[bflag:$0x0] =	sbarrier.arrive $0xFFFF;
	(pc) =	sbr.rel @p0 .LBB2_1-.Ltmp1, $4  }
0x6a: {  	[hbm:s8], [sflag:s6] =	dma.local [spmem:s11], $0x2780  }
0x6b: {  	_ =	swait.ge [sflag:s12], $0x2780  }
0x6c: {  	[sflag:s12] =	ssyncset.done $0x0  }
0x6d: {  	[sflag:s12] =	ssyncadd.s32 $0xFFFFD880  }
0x6e: {  	_ =	sfence.sel $0x180000  }
0x6f: {  	[bflag:$0x0] =	sbarrier.arrive $0xFFFF  }
0x70: {  	p0 =	sne.s32 s1, $0x0;
	_ =	strace $0x9000004D  }
0x71: {  	s0 =	sadd.s32 @!p0 $0x100000, s0;
	[bflag:$0x2] =	sbarrier.arrive $0xFFFF  }
0x72: {  	[sflag:s0] =	ssyncadd.tile.s32 @!p0 $0x1;
	_ =	shalt  }
.Lfunc_end2:
_tile_overlayer_lowered:
.L_overlay_start_2:
0x73: {  	(tag) =	ssettag $0x2  }
0x74: {  	s0 =	rddreg [dreg:$0x0];
	s2 =	stileid.u32  }
0x75: {  	s1 =	rddreg [dreg:$0x1];
	p0 =	sne.s32 s2, $0x0  }
0x76: {  	s3 =	rddreg [dreg:$0x2];
	[bflag:$0x3] =	sbarrier.arrive $0xFFFF;
	s2 =	simm.s32 @!p0 $0x1C02  }
0x77: {  	[timem:s3], [sflag:s2] =	dma.local @!p0 [hbm:s0], s1  }
0x78: {  	s0 =	simm.s32 @!p0 $0x2  }
0x79: {  	_ =	swait.ge @!p0 [sflag:s0], s1  }
0x7a: {  	s1 =	ssub.s32 @!p0 $0x0, s1;
	[sflag:s0] =	ssyncset.done @!p0 $0x0  }
0x7b: {  	[sflag:s0] =	ssyncadd.s32 @!p0 s1  }
0x7c: {  	[bflag:$0x3] =	sbarrier.arrive $0xFFFF  }
0x7d: {  	_ =	shalt  }

// kernel: kernel.17.cloned.1.call-start
scs
__scs_entry_jumppad:
0x0: {  	(pc) =	sbr.rel $0x88, $3  }
0x1: {  	(tag) =	ssettag $0x0;
	lr =	simm.s32 $0x1  }
0x2: {  	[smem:$0x3F94] =	sst lr;
	_ =	strace $0xD0000000  }
0x3: {  	_ = 	snop  }
0x4: {  	_ = 	snop  }
0x5: {  	_ = 	snop  }
0x6: {  	_ = 	snop  }
0x7: {  	_ = 	snop  }
__scs_overlays_trampoline_lowered:
0x8: {  	[smem:$0x3FA3] =	sst s0  }
0x9: {  	[smem:$0x3FA4] =	sst s1  }
0xa: {  	[smem:$0x3FA5] =	sst s2  }
0xb: {  	[smem:$0x3FA6] =	sst s3  }
0xc: {  	[smem:$0x3FA7] =	sst s4  }
0xd: {  	[smem:$0x3FA8] =	sst s5  }
0xe: {  	[smem:$0x3FA9] =	sst s6  }
0xf: {  	[smem:$0x3FAA] =	sst s7  }
0x10: {  	[smem:$0x3FAB] =	sst s8  }
0x11: {  	[smem:$0x3FAC] =	sst s9;
	s0 =	simm.s32 @!p0 $0x0  }
0x12: {  	s1 =	sld [smem:$0x3F92];
	s0 =	simm.s32 @p0 $0x1  }
0x13: {  	[smem:$0x3FAD] =	sst s0;
	s0 =	simm.s32 @!p1 $0x0  }
0x14: {  	s2 =	sld [smem:$0x3F91];
	s0 =	simm.s32 @p1 $0x1  }
0x15: {  	[smem:$0x3FAE] =	sst s0;
	s0 =	simm.s32 @!p2 $0x0  }
0x16: {  	s3 =	sld [smem:$0x3FDB];
	s0 =	simm.s32 @p2 $0x1  }
0x17: {  	s4 =	simm.s32 $0x1BF5;
	[smem:$0x3FB0] =	sst s0  }
0x18: {  	s0 =	sld [smem:$0x3F93];
	_ =	swait.ge [sflag:s4], $0x0  }
0x19: {  	s7 =	sld [smem:$0x3F94]  }
0x1a: {  	s8 =	sadd.s32 $0xFFFFE003, lr  }
0x1b: {  	s9 =	sadd.s32 $0xFFFFFEF7, lr;
	s5 =	simm.s32 $0xFFFFFFFF;
	p2 =	slt.u32 s8, $0xFFFFF086  }
0x1c: {  	p1 =	slt.u32 s9, $0xF7A;
	s5 =	simm.s32 @!p2 $0x0  }
0x1d: {  	s5 =	simm.s32 @p1 $0x1;
	p0 =	seq.s32 s7, s2  }
0x1e: {  	s7 =	smul.u32 @!p0 $0xF7A, s2;
	p2 =	seq.s32 @!p0 s5, $0x0  }
0x1f: {  	s9 =	smul.u32 $0xF7A, s1;
	s8 =	simm.s32 @!p0 $0x1BF5;
	p2 =	por !p2, p0  }
0x20: {  	[sflag:s8] =	ssyncset.s32 @!p0 $0xFFFFF086;
	s6 =	sadd.s32 @!p0 s3, s7;
	s7 =	simm.s32 @!p0 $0x108  }
0x21: {  	s3 =	sadd.s32 s3, s9;
	s6 =	sadd.s32 @!p0 $0x88, s6;
	s7 =	simm.s32 @p2 $0x1082  }
0x22: {  	[simem:s7], [sflag:s8] =	dma.local @!p0 [hbm:s6], $0xF7A  }
0x23: {  	s9 =	sor.u32 $0xD0000000, s2;
	s6 =	simm.s32 $0x108;
	_ =	swait.ge @!p0 [sflag:s8], $0x0  }
0x24: {  	s3 =	sadd.s32 $0x88, s3;
	s6 =	simm.s32 @!p1 $0x1082;
	[sflag:s4] =	ssyncset.s32 $0xFFFFF086  }
0x25: {  	[simem:s6], [sflag:s4] =	dma.local [hbm:s3], $0xF7A  }
0x26: {  	[smem:$0x3F94] =	sst s1;
	(tag) =	ssettag s2;
	_ =	strace s9  }
0x27: {  	s1 =	sld [smem:$0x3FA4]  }
0x28: {  	s2 =	sld [smem:$0x3FA5]  }
0x29: {  	s4 =	sld [smem:$0x3FA7]  }
0x2a: {  	p0 =	seq.s32 s5, $0x0;
	s5 =	sld [smem:$0x3FA8]  }
0x2b: {  	s6 =	sld [smem:$0x3FA9]  }
0x2c: {  	s7 =	sld [smem:$0x3FAA]  }
0x2d: {  	s3 =	simm.s32 $0x108;
	s8 =	sld [smem:$0x3FAB]  }
0x2e: {  	s3 =	simm.s32 @!p0 $0x1082;
	s9 =	sld [smem:$0x3FAC]  }
0x2f: {  	lr =	sadd.s32 s0, s3;
	s0 =	sld [smem:$0x3FA3]  }
0x30: {  	s3 =	sld [smem:$0x3FA6]  }
0x31: {  	[smem:$0x3FAF] =	sst s10  }
0x32: {  	s10 =	sld [smem:$0x3FAD];
	_ =	sdelay $0x3  }
0x33: {  	p0 =	seq.s32 s10, $0x1;
	s10 =	sld [smem:$0x3FAF];
	_ =	sdelay $0x3  }
0x34: {  	[smem:$0x3FAF] =	sst s10  }
0x35: {  	s10 =	sld [smem:$0x3FAE];
	_ =	sdelay $0x3  }
0x36: {  	p1 =	seq.s32 s10, $0x1;
	s10 =	sld [smem:$0x3FAF];
	_ =	sdelay $0x3  }
0x37: {  	[smem:$0x3FAF] =	sst s10  }
0x38: {  	s10 =	sld [smem:$0x3FB0]  }
0x39: {  	_ = 	snop;
	(pc) =	sbr.ind lr, $3  }
0x3a: {  	_ = 	snop  }
0x3b: {  	_ = 	snop  }
0x3c: {  	p2 =	seq.s32 s10, $0x1;
	s10 =	sld [smem:$0x3FAF]  }
0x3d: {  	_ =	shalt  }
0x3e: {  	_ =	shalt  }
0x3f: {  	_ =	shalt  }
0x40: {  	_ =	shalt  }
0x41: {  	_ =	shalt  }
0x42: {  	_ =	shalt  }
0x43: {  	_ =	shalt  }
0x44: {  	_ =	shalt  }
0x45: {  	_ =	shalt  }
0x46: {  	_ =	shalt  }
0x47: {  	_ =	shalt  }
0x48: {  	_ =	shalt  }
0x49: {  	_ =	shalt  }
0x4a: {  	_ =	shalt  }
0x4b: {  	_ =	shalt  }
0x4c: {  	_ =	shalt  }
0x4d: {  	_ =	shalt  }
0x4e: {  	_ =	shalt  }
0x4f: {  	_ =	shalt  }
0x50: {  	_ =	shalt  }
0x51: {  	_ =	shalt  }
0x52: {  	_ =	shalt  }
0x53: {  	_ =	shalt  }
0x54: {  	_ =	shalt  }
0x55: {  	_ =	shalt  }
0x56: {  	_ =	shalt  }
0x57: {  	_ =	shalt  }
0x58: {  	_ =	shalt  }
0x59: {  	_ =	shalt  }
0x5a: {  	_ =	shalt  }
0x5b: {  	_ =	shalt  }
0x5c: {  	_ =	shalt  }
0x5d: {  	_ =	shalt  }
0x5e: {  	_ =	shalt  }
0x5f: {  	_ =	shalt  }
0x60: {  	_ =	shalt  }
0x61: {  	_ =	shalt  }
0x62: {  	_ =	shalt  }
0x63: {  	_ =	shalt  }
0x64: {  	_ =	shalt  }
0x65: {  	_ =	shalt  }
0x66: {  	_ =	shalt  }
0x67: {  	_ =	shalt  }
0x68: {  	_ =	shalt  }
0x69: {  	_ =	shalt  }
0x6a: {  	_ =	shalt  }
0x6b: {  	_ =	shalt  }
0x6c: {  	_ =	shalt  }
0x6d: {  	_ =	shalt  }
0x6e: {  	_ =	shalt  }
0x6f: {  	_ =	shalt  }
0x70: {  	_ =	shalt  }
0x71: {  	_ =	shalt  }
0x72: {  	_ =	shalt  }
0x73: {  	_ =	shalt  }
0x74: {  	_ =	shalt  }
0x75: {  	_ =	shalt  }
0x76: {  	_ =	shalt  }
0x77: {  	_ =	shalt  }
0x78: {  	_ =	shalt  }
0x79: {  	_ =	shalt  }
0x7a: {  	_ =	shalt  }
0x7b: {  	_ =	shalt  }
0x7c: {  	_ =	shalt  }
0x7d: {  	_ =	shalt  }
0x7e: {  	_ =	shalt  }
0x7f: {  	_ =	shalt  }
0x80: {  	_ =	shalt  }
0x81: {  	_ =	shalt  }
0x82: {  	_ =	shalt  }
0x83: {  	_ =	shalt  }
0x84: {  	_ =	shalt  }
0x85: {  	_ =	shalt  }
0x86: {  	_ =	shalt  }
0x87: {  	_ =	shalt  }
.Lfunc_end0:
.L_simem_size_0:
called_computation.2_lowered:
.L_overlay_start_0:
0x88: {  	s2 =	sld [smem:$0x3FD9]  }
0x89: {  	s3 =	sld [smem:$0x3FFE];
	_ =	sdelay $0x1  }
0x8a: {  	s1 =	srdreg.scid  }
0x8b: {  	s0 =	sand.u32 $0x1, s1  }
0x8c: {  	s16 =	sshll.u32 s0, $0xA;
	s2 =	sadd.s32 s3, s2  }
0x8d: {  	s2 =	sadd.s32 s2, s16  }
0x8e: {  	[smem:$0x3FBB] =	sst s2  }
0x8f: {  	_ = 	snop  }
0x90: {  	(tm) =	ssettm $0x1  }
0x91: {  	s17 =	sld [smem:$0x3FFB];
	_ =	sdelay $0x3  }
0x92: {  	_ =	strace s17  }
0x93: {  	s2 =	sld [smem:$0x3FFC];
	_ =	sdelay $0x3  }
0x94: {  	_ =	strace s2  }
0x95: {  	s2 =	sld [smem:$0x3FFD];
	_ =	sdelay $0x3  }
0x96: {  	_ =	strace s2  }
0x97: {  	_ =	strace $0x8FFFFFFF  }
0x98: {  	s18 =	sld [smem:$0x3FDB];
	_ =	sdelay $0x1  }
0x99: {  	s19 =	simm.s32 $_scs_section_size  }
0x9a: {  	s4 =	simm.s32 $_size__tile_overlayer_lowered;
	s5 =	simm.s32 $_tile_overlayer_lowered  }
0x9b: {  	s22 =	simm.s32 $0x1BFF;
	s21 =	sshll.u32 s5, $0x1;
	s2 =	sadd.s32 s19, s18  }
0x9c: {  	s6 =	simm.s32 $0x0;
	s20 =	sshll.u32 s4, $0x1;
	s4 =	sadd.s32 s21, s2  }
0x9d: {  	[timem:s6], [sflag:s22] =	dma.local [hbm:s4], s20  }
0x9e: {  	_ =	swait.ge [sflag:s22], s20  }
0x9f: {  	s3 =	ssub.s32 $0x0, s20;
	[sflag:s22] =	ssyncset.done $0x0  }
0xa0: {  	[sflag:s22] =	ssyncadd.s32 s3;
	_ =	sdelay $0x1  }
0xa1: {  	s23 =	simm.s32 $0x1B8B  }
0xa2: {  	_ =	swait.ge [sflag:s23], $0x1  }
0xa3: {  	[sflag:s23] =	ssyncset.done $0x0  }
0xa4: {  	s25 =	simm.s32 $0x1B8E;
	s24 =	sld [smem:$0x3FFE];
	[sflag:s23] =	ssyncadd.s32 $0xFFFFFFFF  }
0xa5: {  	s26 =	simm.s32 $execute0_lowered;
	[smem:$0x3FD2] =	sst s25  }
0xa6: {  	s4 =	sshll.u32 s26, $0x1;
	_ =	strace $0x80000049;
	[dreg:$0x1] =	wrdreg $0xFFFFFFFF  }
0xa7: {  	s28 =	simm.s32 $_size_execute0_lowered;
	s2 =	sadd.s32 s2, s4;
	[dreg:$0x0] =	wrdreg $0x0  }
0xa8: {  	s4 =	sshll.u32 s28, $0x1;
	[dreg:$0x2] =	wrdreg s2  }
0xa9: {  	[dreg:$0x3] =	wrdreg s4  }
0xaa: {  	[dreg:$0x4] =	wrdreg $0xC0  }
0xab: {  	_ =	task [dreg:s6], $0x5FFFF  }
0xac: {  	[dreg:$0x1] =	wrdreg $0xFFFFFFFF  }
0xad: {  	[dreg:$0x0] =	wrdreg $0x60  }
0xae: {  	[dreg:$0x2] =	wrdreg s24  }
0xaf: {  	[dreg:$0x3] =	wrdreg $0x82000  }
0xb0: {  	[dreg:$0x4] =	wrdreg $0xA  }
0xb1: {  	_ =	task.clear_ibuf [dreg:s6], $0x5FFFF;
	_ =	strace $0x90000049  }
0xb2: {  	s29 =	simm.s32 $0xA;
	_ =	strace $0x8000004B  }
0xb3: {  	_ =	swait.ge [sflag:s29], $0x1  }
0xb4: {  	[sflag:s29] =	ssyncadd.s32 $0xFFFFFFFF  }
0xb5: {  	_ =	strace $0x9000004B  }
0xb6: {  	_ =	sfence  }
0xb7: {  	s30 =	sld [smem:$0x0];
	_ =	sdelay $0x2  }
0xb8: {  	s31 =	sshll.u32 s1, $0xD;
	s1 =	sshrl.u32 s1, $0x2  }
0xb9: {  	s3 =	sand.u32 $0x4000, s31;
	s1 =	sadd.s32 s1, s30  }
0xba: {  	s0 =	sor.u32 s3, s0;
	s1 =	sshll.u32 s1, $0x11  }
0xbb: {  	s0 =	sor.u32 s1, s0  }
0xbc: {  	s0 =	sadd.s32 $0x8F2B, s0  }
0xbd: {  	[sflag:s0] =	ssyncadd.remote.s32 $0x1  }
0xbe: {  	_ =	sfence.sel $0xFFFF  }
0xbf: {  	[dreg:$0x0] =	wrdreg $0xFFFFFFFF;
	(pc) =	sbr.abs _section_cstart, $3  }
0xc0: {  	[dreg:$0x1] =	wrdreg $0xFFFFFFFF  }
0xc1: {  	_ =	task.clear_ibuf [dreg:s6], $0x2FFFF;
	_ =	strace $0x9FFFFFFF  }
0xc2: {  	(tm) =	ssettm $0x7FFFFFFF  }
0xc3: {  	_ =	shalt  }
tec
execute0_lowered:
.L_overlay_start_1:
0x0: {  	(tag) =	ssettag $0x1  }
0x1: {  	s5 =	rddreg [dreg:$0x0]  }
0x2: {  	s2 =	rddreg [dreg:$0x1]  }
0x3: {  	s0 =	rddreg [dreg:$0x2];
	s1 =	stileid.u32  }
0x4: {  	s4 =	srdreg.scid;
	s3 =	simm.s32 $0x0;
	s16 =	simm.s32 $0x4200  }
0x5: {  	s17 =	simm.s32 $0x1;
	s18 =	simm.s32 $0x180;
	s19 =	simm.s32 $0x0  }
0x6: {  	s6 =	smul.u32 $0x13C00, s1;
	s7 =	sand.u32 $0x1, s4;
	[smem:$0x7FF] =	sst s3  }
0x7: {  	s4 =	sadd.s32 $0x53600, s5;
	s10 =	sadd.s32 $0x17C00, s5;
	s25 =	smul.u32 $0x4F000, s1  }
0x8: {  	s11 =	sshll.u32 s1, $0x1;
	s30 =	smul.u32 $0x1400, s1;
	s31 =	sshll.u32 s1, $0x6  }
0x9: {  	s8 =	smul.u32 $0x13C000, s7;
	_ =	strace $0x8000004A;
	s26 =	ssub.s32 $0x2, s7  }
0xa: {  	s28 =	sor.u32 s7, s11;
	s15 =	smul.u32 $0xA00, s7;
	s9 =	sshrl.u32 s6, $0x3  }
0xb: {  	s29 =	sshrl.u32 s26, $0x1;
	s13 =	smul.u32 $0xA00, s28;
	s9 =	sadd.s32 s9, s5  }
0xc: {  	s6 =	sadd.s32 s6, s8;
	s8 =	sshrl.u32 s25, $0x2;
	s11 =	ssub.s32 s26, s29  }
0xd: {  	s6 =	sshrl.u32 s6, $0x3;
	s14 =	sadd.s32 s8, s2;
	s7 =	sadd.s32 s10, s13  }
0xe: {  	s10 =	sadd.s32 s30, s10;
	s13 =	simm.s32 $0x80;
	s12 =	sadd.s32 s6, s5  }
0xf: {  	s5 =	sadd.s32 $0x2BE00, s9;
	s6 =	sor.u32 $0x1C02, s31;
	s9 =	smax.u32 s11, $0x1  }
0x10: {  	s10 =	sadd.s32 s15, s10;
	s11 =	sshrl.u32 s14, $0x3;
	s14 =	simm.s32 $0x200  }
0x11: {  	s15 =	simm.s32 $0x100;
	s8 =	sadd.s32 $0xF1000, s12;
	s12 =	simm.s32 $0x2  }
.LBB2_1:
0x12: {  	[spmem:s11], [sflag:s6] =	dma.local [hbm:s5], $0x2780  }
0x13: {  	_ =	swait.ge [sflag:s12], $0x2780  }
0x14: {  	[sflag:s12] =	ssyncset.done $0x0  }
0x15: {  	[sflag:s12] =	ssyncadd.s32 $0xFFFFD880  }
0x16: {  	[bflag:$0x0] =	sbarrier.arrive $0xFFFF  }
0x17: {  	[tilespmem:s3], [sflag:$0x2] =	stream.linear.gather [hbm4b:s7+s3], $0x100, $0x38;
	[tilespmem:$0x1BE00] =	vst v63  }
0x18: {  	_ =	swait.ge [sflag:s12], $0x100  }
0x19: {  	[sflag:s12] =	ssyncset.done $0x0  }
0x1a: {  	s20 =	sadd.s32 $0xFFFFF600, s10;
	[sflag:s12] =	ssyncadd.s32 $0xFFFFFF00  }
0x1b: {  	[tilespmem:s14], [sflag:$0x1] =	stream.indirect.gather [hbm4b:s4+s13], $0x80, s3, s13, $0xb8;
	[tilespmem:$0x1BE00] =	vst v63  }
0x1c: {  	s21 =	sadd.s32 $0xA20, s20  }
0x1d: {  	[tilespmem:s15], [sflag:$0x2] =	stream.linear.gather [hbm4b:s21+s3], $0x100, $0x38;
	[tilespmem:$0x1BE00] =	vst v63  }
0x1e: {  	_ =	swait.ge [sflag:s12], $0x100  }
0x1f: {  	[sflag:s12] =	ssyncset.done $0x0  }
0x20: {  	[sflag:s12] =	ssyncadd.s32 $0xFFFFFF00  }
0x21: {  	[tilespmem:s16], [sflag:$0x1] =	stream.indirect.gather [hbm4b:s4+s13], $0x80, s15, s13, $0xb8;
	[tilespmem:$0x1BE00] =	vst v63  }
0x22: {  	_ =	swait.ge [sflag:s17], $0x4000  }
0x23: {  	[sflag:s17] =	ssyncset.done $0x0  }
0x24: {  	[sflag:s17] =	ssyncadd.s32 $0xFFFFC000  }
0x25: {  	[spmem:s2] =	stream.indirect.scatter.add.f32 [tilespmem:s14], [sflag:$0x2], $0x80, s13, s13, $0xb8;
	[tilespmem:$0x1BE00] =	vst v63  }
0x26: {  	_ =	swait.ge [sflag:s12], $0x4000  }
0x27: {  	[sflag:s12] =	ssyncset.done $0x0  }
0x28: {  	s20 =	sadd.s32 $0xA40, s20;
	[sflag:s12] =	ssyncadd.s32 $0xFFFFC000  }
0x29: {  	[tilespmem:s3], [sflag:$0x2] =	stream.linear.gather [hbm4b:s20+s3], $0x100, $0x38;
	[tilespmem:$0x1BE00] =	vst v63  }
0x2a: {  	_ =	swait.ge [sflag:s12], $0x100  }
0x2b: {  	[sflag:s12] =	ssyncset.done $0x0  }
0x2c: {  	[sflag:s12] =	ssyncadd.s32 $0xFFFFFF00  }
0x2d: {  	[tilespmem:s14], [sflag:$0x1] =	stream.indirect.gather [hbm4b:s4+s13], $0x80, s3, s13, $0xb8;
	[tilespmem:$0x1BE00] =	vst v63  }
0x2e: {  	_ =	swait.ge [sflag:s17], $0x4000  }
0x2f: {  	[sflag:s17] =	ssyncset.done $0x0  }
0x30: {  	[sflag:s17] =	ssyncadd.s32 $0xFFFFC000  }
0x31: {  	[spmem:s2] =	stream.indirect.scatter.add.f32 [tilespmem:s16], [sflag:$0x2], $0x80, s18, s13, $0xb8;
	[tilespmem:$0x1BE00] =	vst v63  }
0x32: {  	_ =	swait.ge [sflag:s12], $0x4000  }
0x33: {  	s21 =	simm.s32 $0xFFFFF680;
	s20 =	sadd.s32 $0xFFFFF640, s10;
	[sflag:s12] =	ssyncset.done $0x0  }
.LBB2_2:
0x34: {  	s22 =	sadd.s32 $0xA20, s20  }
0x35: {  	[sflag:s12] =	ssyncadd.s32 $0xFFFFC000;
	s23 =	smov.u32 s21;
	s24 =	sadd.s32 $0x40, s21  }
0x36: {  	[tilespmem:s15], [sflag:$0x2] =	stream.linear.gather [hbm4b:s22+s3], $0x100, $0x38;
	[tilespmem:$0x1BE00] =	vst v63  }
0x37: {  	p0 =	sne.s32 s21, $0xFFFFFFC0;
	_ =	swait.ge [sflag:s12], $0x100  }
0x38: {  	[sflag:s12] =	ssyncset.done $0x0  }
0x39: {  	[sflag:s12] =	ssyncadd.s32 $0xFFFFFF00  }
0x3a: {  	[tilespmem:s16], [sflag:$0x1] =	stream.indirect.gather [hbm4b:s4+s13], $0x80, s15, s13, $0xb8;
	[tilespmem:$0x1BE00] =	vst v63  }
0x3b: {  	_ =	swait.ge [sflag:s17], $0x4000  }
0x3c: {  	[sflag:s17] =	ssyncset.done $0x0  }
0x3d: {  	[sflag:s17] =	ssyncadd.s32 $0xFFFFC000  }
0x3e: {  	[spmem:s2] =	stream.indirect.scatter.add.f32 [tilespmem:s14], [sflag:$0x2], $0x80, s13, s13, $0xb8;
	[tilespmem:$0x1BE00] =	vst v63  }
0x3f: {  	_ =	swait.ge [sflag:s12], $0x4000  }
0x40: {  	[sflag:s12] =	ssyncset.done $0x0  }
0x41: {  	s20 =	sadd.s32 $0xA40, s20;
	[sflag:s12] =	ssyncadd.s32 $0xFFFFC000  }
0x42: {  	[tilespmem:s3], [sflag:$0x2] =	stream.linear.gather [hbm4b:s20+s3], $0x100, $0x38;
	[tilespmem:$0x1BE00] =	vst v63  }
0x43: {  	_ =	swait.ge [sflag:s12], $0x100  }
0x44: {  	[sflag:s12] =	ssyncset.done $0x0  }
0x45: {  	[sflag:s12] =	ssyncadd.s32 $0xFFFFFF00  }
0x46: {  	[tilespmem:s14], [sflag:$0x1] =	stream.indirect.gather [hbm4b:s4+s13], $0x80, s3, s13, $0xb8;
	[tilespmem:$0x1BE00] =	vst v63  }
0x47: {  	_ =	swait.ge [sflag:s17], $0x4000  }
.Ltmp0:
0x48: {  	[sflag:s17] =	ssyncset.done $0x0;
	(pc) =	sbr.rel @p0 .LBB2_2-.Ltmp0, $4  }
0x49: {  	[sflag:s17] =	ssyncadd.s32 $0xFFFFC000  }
0x4a: {  	[spmem:s2] =	stream.indirect.scatter.add.f32 [tilespmem:s16], [sflag:$0x2], $0x80, s18, s13, $0xb8;
	[tilespmem:$0x1BE00] =	vst v63  }
0x4b: {  	_ =	swait.ge [sflag:s12], $0x4000  }
0x4c: {  	s21 =	smov.u32 s24;
	s20 =	sadd.s32 s23, s10;
	[sflag:s12] =	ssyncset.done $0x0  }
0x4d: {  	s21 =	sadd.s32 $0xA20, s20;
	[sflag:s12] =	ssyncadd.s32 $0xFFFFC000  }
0x4e: {  	[tilespmem:s15], [sflag:$0x2] =	stream.linear.gather [hbm4b:s21+s3], $0x100, $0x38;
	[tilespmem:$0x1BE00] =	vst v63  }
0x4f: {  	_ =	swait.ge [sflag:s12], $0x100  }
0x50: {  	[sflag:s12] =	ssyncset.done $0x0  }
0x51: {  	[sflag:s12] =	ssyncadd.s32 $0xFFFFFF00  }
0x52: {  	[tilespmem:s16], [sflag:$0x1] =	stream.indirect.gather [hbm4b:s4+s13], $0x80, s15, s13, $0xb8;
	[tilespmem:$0x1BE00] =	vst v63  }
0x53: {  	_ =	swait.ge [sflag:s17], $0x4000  }
0x54: {  	[sflag:s17] =	ssyncset.done $0x0  }
0x55: {  	[sflag:s17] =	ssyncadd.s32 $0xFFFFC000  }
0x56: {  	[spmem:s2] =	stream.indirect.scatter.add.f32 [tilespmem:s14], [sflag:$0x2], $0x80, s13, s13, $0xb8;
	[tilespmem:$0x1BE00] =	vst v63  }
0x57: {  	_ =	swait.ge [sflag:s12], $0x4000  }
0x58: {  	[sflag:s12] =	ssyncset.done $0x0  }
0x59: {  	s31 =	sadd.s32 $0xA40, s20;
	[sflag:s12] =	ssyncadd.s32 $0xFFFFC000  }
0x5a: {  	[tilespmem:s3], [sflag:$0x2] =	stream.linear.gather [hbm4b:s31+s3], $0x100, $0x38;
	[tilespmem:$0x1BE00] =	vst v63  }
0x5b: {  	_ =	swait.ge [sflag:s12], $0x100  }
0x5c: {  	[sflag:s12] =	ssyncset.done $0x0  }
0x5d: {  	[sflag:s12] =	ssyncadd.s32 $0xFFFFFF00  }
0x5e: {  	[tilespmem:s14], [sflag:$0x1] =	stream.indirect.gather [hbm4b:s4+s13], $0x80, s3, s13, $0xb8;
	[tilespmem:$0x1BE00] =	vst v63  }
0x5f: {  	_ =	swait.ge [sflag:s17], $0x4000  }
0x60: {  	[sflag:s17] =	ssyncset.done $0x0  }
0x61: {  	[sflag:s17] =	ssyncadd.s32 $0xFFFFC000  }
0x62: {  	[spmem:s2] =	stream.indirect.scatter.add.f32 [tilespmem:s16], [sflag:$0x2], $0x80, s18, s13, $0xb8;
	[tilespmem:$0x1BE00] =	vst v63  }
0x63: {  	_ =	swait.ge [sflag:s12], $0x4000  }
0x64: {  	[sflag:s12] =	ssyncset.done $0x0  }
0x65: {  	[sflag:s12] =	ssyncadd.s32 $0xFFFFC000  }
0x66: {  	_ =	swait.ge [sflag:s17], $0x4000  }
0x67: {  	s19 =	sadd.s32 $0x1, s19;
	[sflag:s17] =	ssyncset.done $0x0  }
0x68: {  	p0 =	sne.s32 s19, s9;
	[sflag:s17] =	ssyncadd.s32 $0xFFFFC000  }
.Ltmp1:
0x69: {  	[bflag:$0x0] =	sbarrier.arrive $0xFFFF;
	(pc) =	sbr.rel @p0 .LBB2_1-.Ltmp1, $4  }
0x6a: {  	[hbm:s8], [sflag:s6] =	dma.local [spmem:s11], $0x2780  }
0x6b: {  	_ =	swait.ge [sflag:s12], $0x2780  }
0x6c: {  	[sflag:s12] =	ssyncset.done $0x0  }
0x6d: {  	[sflag:s12] =	ssyncadd.s32 $0xFFFFD880  }
0x6e: {  	_ =	sfence.sel $0x180000  }
0x6f: {  	[bflag:$0x0] =	sbarrier.arrive $0xFFFF  }
0x70: {  	p0 =	sne.s32 s1, $0x0;
	_ =	strace $0x9000004A  }
0x71: {  	s0 =	sadd.s32 @!p0 $0x100000, s0;
	[bflag:$0x2] =	sbarrier.arrive $0xFFFF  }
0x72: {  	[sflag:s0] =	ssyncadd.tile.s32 @!p0 $0x1;
	_ =	shalt  }
.Lfunc_end2:
_tile_overlayer_lowered:
.L_overlay_start_2:
0x73: {  	(tag) =	ssettag $0x2  }
0x74: {  	s0 =	rddreg [dreg:$0x0];
	s2 =	stileid.u32  }
0x75: {  	s1 =	rddreg [dreg:$0x1];
	p0 =	sne.s32 s2, $0x0  }
0x76: {  	s3 =	rddreg [dreg:$0x2];
	[bflag:$0x3] =	sbarrier.arrive $0xFFFF;
	s2 =	simm.s32 @!p0 $0x1C02  }
0x77: {  	[timem:s3], [sflag:s2] =	dma.local @!p0 [hbm:s0], s1  }
0x78: {  	s0 =	simm.s32 @!p0 $0x2  }
0x79: {  	_ =	swait.ge @!p0 [sflag:s0], s1  }
0x7a: {  	s1 =	ssub.s32 @!p0 $0x0, s1;
	[sflag:s0] =	ssyncset.done @!p0 $0x0  }
0x7b: {  	[sflag:s0] =	ssyncadd.s32 @!p0 s1  }
0x7c: {  	[bflag:$0x3] =	sbarrier.arrive $0xFFFF  }
0x7d: {  	_ =	shalt  }

// kernel: kernel.20.cloned.1.call-start
scs
__scs_entry_jumppad:
0x0: {  	(pc) =	sbr.rel $0x88, $3  }
0x1: {  	(tag) =	ssettag $0x0;
	lr =	simm.s32 $0x1  }
0x2: {  	[smem:$0x3F94] =	sst lr;
	_ =	strace $0xD0000000  }
0x3: {  	_ = 	snop  }
0x4: {  	_ = 	snop  }
0x5: {  	_ = 	snop  }
0x6: {  	_ = 	snop  }
0x7: {  	_ = 	snop  }
__scs_overlays_trampoline_lowered:
0x8: {  	[smem:$0x3FA3] =	sst s0  }
0x9: {  	[smem:$0x3FA4] =	sst s1  }
0xa: {  	[smem:$0x3FA5] =	sst s2  }
0xb: {  	[smem:$0x3FA6] =	sst s3  }
0xc: {  	[smem:$0x3FA7] =	sst s4  }
0xd: {  	[smem:$0x3FA8] =	sst s5  }
0xe: {  	[smem:$0x3FA9] =	sst s6  }
0xf: {  	[smem:$0x3FAA] =	sst s7  }
0x10: {  	[smem:$0x3FAB] =	sst s8  }
0x11: {  	[smem:$0x3FAC] =	sst s9;
	s0 =	simm.s32 @!p0 $0x0  }
0x12: {  	s1 =	sld [smem:$0x3F92];
	s0 =	simm.s32 @p0 $0x1  }
0x13: {  	[smem:$0x3FAD] =	sst s0;
	s0 =	simm.s32 @!p1 $0x0  }
0x14: {  	s2 =	sld [smem:$0x3F91];
	s0 =	simm.s32 @p1 $0x1  }
0x15: {  	[smem:$0x3FAE] =	sst s0;
	s0 =	simm.s32 @!p2 $0x0  }
0x16: {  	s3 =	sld [smem:$0x3FDB];
	s0 =	simm.s32 @p2 $0x1  }
0x17: {  	s4 =	simm.s32 $0x1BF5;
	[smem:$0x3FB0] =	sst s0  }
0x18: {  	s0 =	sld [smem:$0x3F93];
	_ =	swait.ge [sflag:s4], $0x0  }
0x19: {  	s7 =	sld [smem:$0x3F94]  }
0x1a: {  	s8 =	sadd.s32 $0xFFFFE003, lr  }
0x1b: {  	s9 =	sadd.s32 $0xFFFFFEF7, lr;
	s5 =	simm.s32 $0xFFFFFFFF;
	p2 =	slt.u32 s8, $0xFFFFF086  }
0x1c: {  	p1 =	slt.u32 s9, $0xF7A;
	s5 =	simm.s32 @!p2 $0x0  }
0x1d: {  	s5 =	simm.s32 @p1 $0x1;
	p0 =	seq.s32 s7, s2  }
0x1e: {  	s7 =	smul.u32 @!p0 $0xF7A, s2;
	p2 =	seq.s32 @!p0 s5, $0x0  }
0x1f: {  	s9 =	smul.u32 $0xF7A, s1;
	s8 =	simm.s32 @!p0 $0x1BF5;
	p2 =	por !p2, p0  }
0x20: {  	[sflag:s8] =	ssyncset.s32 @!p0 $0xFFFFF086;
	s6 =	sadd.s32 @!p0 s3, s7;
	s7 =	simm.s32 @!p0 $0x108  }
0x21: {  	s3 =	sadd.s32 s3, s9;
	s6 =	sadd.s32 @!p0 $0x88, s6;
	s7 =	simm.s32 @p2 $0x1082  }
0x22: {  	[simem:s7], [sflag:s8] =	dma.local @!p0 [hbm:s6], $0xF7A  }
0x23: {  	s9 =	sor.u32 $0xD0000000, s2;
	s6 =	simm.s32 $0x108;
	_ =	swait.ge @!p0 [sflag:s8], $0x0  }
0x24: {  	s3 =	sadd.s32 $0x88, s3;
	s6 =	simm.s32 @!p1 $0x1082;
	[sflag:s4] =	ssyncset.s32 $0xFFFFF086  }
0x25: {  	[simem:s6], [sflag:s4] =	dma.local [hbm:s3], $0xF7A  }
0x26: {  	[smem:$0x3F94] =	sst s1;
	(tag) =	ssettag s2;
	_ =	strace s9  }
0x27: {  	s1 =	sld [smem:$0x3FA4]  }
0x28: {  	s2 =	sld [smem:$0x3FA5]  }
0x29: {  	s4 =	sld [smem:$0x3FA7]  }
0x2a: {  	p0 =	seq.s32 s5, $0x0;
	s5 =	sld [smem:$0x3FA8]  }
0x2b: {  	s6 =	sld [smem:$0x3FA9]  }
0x2c: {  	s7 =	sld [smem:$0x3FAA]  }
0x2d: {  	s3 =	simm.s32 $0x108;
	s8 =	sld [smem:$0x3FAB]  }
0x2e: {  	s3 =	simm.s32 @!p0 $0x1082;
	s9 =	sld [smem:$0x3FAC]  }
0x2f: {  	lr =	sadd.s32 s0, s3;
	s0 =	sld [smem:$0x3FA3]  }
0x30: {  	s3 =	sld [smem:$0x3FA6]  }
0x31: {  	[smem:$0x3FAF] =	sst s10  }
0x32: {  	s10 =	sld [smem:$0x3FAD];
	_ =	sdelay $0x3  }
0x33: {  	p0 =	seq.s32 s10, $0x1;
	s10 =	sld [smem:$0x3FAF];
	_ =	sdelay $0x3  }
0x34: {  	[smem:$0x3FAF] =	sst s10  }
0x35: {  	s10 =	sld [smem:$0x3FAE];
	_ =	sdelay $0x3  }
0x36: {  	p1 =	seq.s32 s10, $0x1;
	s10 =	sld [smem:$0x3FAF];
	_ =	sdelay $0x3  }
0x37: {  	[smem:$0x3FAF] =	sst s10  }
0x38: {  	s10 =	sld [smem:$0x3FB0]  }
0x39: {  	_ = 	snop;
	(pc) =	sbr.ind lr, $3  }
0x3a: {  	_ = 	snop  }
0x3b: {  	_ = 	snop  }
0x3c: {  	p2 =	seq.s32 s10, $0x1;
	s10 =	sld [smem:$0x3FAF]  }
0x3d: {  	_ =	shalt  }
0x3e: {  	_ =	shalt  }
0x3f: {  	_ =	shalt  }
0x40: {  	_ =	shalt  }
0x41: {  	_ =	shalt  }
0x42: {  	_ =	shalt  }
0x43: {  	_ =	shalt  }
0x44: {  	_ =	shalt  }
0x45: {  	_ =	shalt  }
0x46: {  	_ =	shalt  }
0x47: {  	_ =	shalt  }
0x48: {  	_ =	shalt  }
0x49: {  	_ =	shalt  }
0x4a: {  	_ =	shalt  }
0x4b: {  	_ =	shalt  }
0x4c: {  	_ =	shalt  }
0x4d: {  	_ =	shalt  }
0x4e: {  	_ =	shalt  }
0x4f: {  	_ =	shalt  }
0x50: {  	_ =	shalt  }
0x51: {  	_ =	shalt  }
0x52: {  	_ =	shalt  }
0x53: {  	_ =	shalt  }
0x54: {  	_ =	shalt  }
0x55: {  	_ =	shalt  }
0x56: {  	_ =	shalt  }
0x57: {  	_ =	shalt  }
0x58: {  	_ =	shalt  }
0x59: {  	_ =	shalt  }
0x5a: {  	_ =	shalt  }
0x5b: {  	_ =	shalt  }
0x5c: {  	_ =	shalt  }
0x5d: {  	_ =	shalt  }
0x5e: {  	_ =	shalt  }
0x5f: {  	_ =	shalt  }
0x60: {  	_ =	shalt  }
0x61: {  	_ =	shalt  }
0x62: {  	_ =	shalt  }
0x63: {  	_ =	shalt  }
0x64: {  	_ =	shalt  }
0x65: {  	_ =	shalt  }
0x66: {  	_ =	shalt  }
0x67: {  	_ =	shalt  }
0x68: {  	_ =	shalt  }
0x69: {  	_ =	shalt  }
0x6a: {  	_ =	shalt  }
0x6b: {  	_ =	shalt  }
0x6c: {  	_ =	shalt  }
0x6d: {  	_ =	shalt  }
0x6e: {  	_ =	shalt  }
0x6f: {  	_ =	shalt  }
0x70: {  	_ =	shalt  }
0x71: {  	_ =	shalt  }
0x72: {  	_ =	shalt  }
0x73: {  	_ =	shalt  }
0x74: {  	_ =	shalt  }
0x75: {  	_ =	shalt  }
0x76: {  	_ =	shalt  }
0x77: {  	_ =	shalt  }
0x78: {  	_ =	shalt  }
0x79: {  	_ =	shalt  }
0x7a: {  	_ =	shalt  }
0x7b: {  	_ =	shalt  }
0x7c: {  	_ =	shalt  }
0x7d: {  	_ =	shalt  }
0x7e: {  	_ =	shalt  }
0x7f: {  	_ =	shalt  }
0x80: {  	_ =	shalt  }
0x81: {  	_ =	shalt  }
0x82: {  	_ =	shalt  }
0x83: {  	_ =	shalt  }
0x84: {  	_ =	shalt  }
0x85: {  	_ =	shalt  }
0x86: {  	_ =	shalt  }
0x87: {  	_ =	shalt  }
.Lfunc_end0:
.L_simem_size_0:
called_computation.3_lowered:
.L_overlay_start_0:
0x88: {  	s2 =	sld [smem:$0x3FD9]  }
0x89: {  	s3 =	sld [smem:$0x3FFE];
	_ =	sdelay $0x1  }
0x8a: {  	s1 =	srdreg.scid  }
0x8b: {  	s0 =	sand.u32 $0x1, s1  }
0x8c: {  	s16 =	sshll.u32 s0, $0xA;
	s2 =	sadd.s32 s3, s2  }
0x8d: {  	s2 =	sadd.s32 s2, s16  }
0x8e: {  	[smem:$0x3FBB] =	sst s2  }
0x8f: {  	_ = 	snop  }
0x90: {  	(tm) =	ssettm $0x1  }
0x91: {  	s17 =	sld [smem:$0x3FFB];
	_ =	sdelay $0x3  }
0x92: {  	_ =	strace s17  }
0x93: {  	s2 =	sld [smem:$0x3FFC];
	_ =	sdelay $0x3  }
0x94: {  	_ =	strace s2  }
0x95: {  	s2 =	sld [smem:$0x3FFD];
	_ =	sdelay $0x3  }
0x96: {  	_ =	strace s2  }
0x97: {  	_ =	strace $0x8FFFFFFF  }
0x98: {  	s18 =	sld [smem:$0x3FDB];
	_ =	sdelay $0x1  }
0x99: {  	s19 =	simm.s32 $_scs_section_size  }
0x9a: {  	s4 =	simm.s32 $_size__tile_overlayer_lowered;
	s5 =	simm.s32 $_tile_overlayer_lowered  }
0x9b: {  	s22 =	simm.s32 $0x1BFF;
	s21 =	sshll.u32 s5, $0x1;
	s2 =	sadd.s32 s19, s18  }
0x9c: {  	s6 =	simm.s32 $0x0;
	s20 =	sshll.u32 s4, $0x1;
	s4 =	sadd.s32 s21, s2  }
0x9d: {  	[timem:s6], [sflag:s22] =	dma.local [hbm:s4], s20  }
0x9e: {  	_ =	swait.ge [sflag:s22], s20  }
0x9f: {  	s3 =	ssub.s32 $0x0, s20;
	[sflag:s22] =	ssyncset.done $0x0  }
0xa0: {  	[sflag:s22] =	ssyncadd.s32 s3;
	_ =	sdelay $0x1  }
0xa1: {  	s23 =	simm.s32 $0x1B8B  }
0xa2: {  	_ =	swait.ge [sflag:s23], $0x1  }
0xa3: {  	[sflag:s23] =	ssyncset.done $0x0  }
0xa4: {  	s25 =	simm.s32 $0x1B8E;
	s24 =	sld [smem:$0x3FFE];
	[sflag:s23] =	ssyncadd.s32 $0xFFFFFFFF  }
0xa5: {  	s26 =	simm.s32 $execute0_lowered;
	[smem:$0x3FD2] =	sst s25  }
0xa6: {  	s4 =	sshll.u32 s26, $0x1;
	_ =	strace $0x8000004F;
	[dreg:$0x1] =	wrdreg $0xFFFFFFFF  }
0xa7: {  	s28 =	simm.s32 $_size_execute0_lowered;
	s2 =	sadd.s32 s2, s4;
	[dreg:$0x0] =	wrdreg $0x0  }
0xa8: {  	s4 =	sshll.u32 s28, $0x1;
	[dreg:$0x2] =	wrdreg s2  }
0xa9: {  	[dreg:$0x3] =	wrdreg s4  }
0xaa: {  	[dreg:$0x4] =	wrdreg $0xC0  }
0xab: {  	_ =	task [dreg:s6], $0x5FFFF  }
0xac: {  	[dreg:$0x1] =	wrdreg $0xFFFFFFFF  }
0xad: {  	[dreg:$0x0] =	wrdreg $0x60  }
0xae: {  	[dreg:$0x2] =	wrdreg s24  }
0xaf: {  	[dreg:$0x3] =	wrdreg $0x82000  }
0xb0: {  	[dreg:$0x4] =	wrdreg $0x9  }
0xb1: {  	_ =	task.clear_ibuf [dreg:s6], $0x5FFFF;
	_ =	strace $0x9000004F  }
0xb2: {  	s29 =	simm.s32 $0x9;
	_ =	strace $0x80000051  }
0xb3: {  	_ =	swait.ge [sflag:s29], $0x1  }
0xb4: {  	[sflag:s29] =	ssyncadd.s32 $0xFFFFFFFF  }
0xb5: {  	_ =	strace $0x90000051  }
0xb6: {  	_ =	sfence  }
0xb7: {  	s30 =	sld [smem:$0x0];
	_ =	sdelay $0x2  }
0xb8: {  	s31 =	sshll.u32 s1, $0xD;
	s1 =	sshrl.u32 s1, $0x2  }
0xb9: {  	s3 =	sand.u32 $0x4000, s31;
	s1 =	sadd.s32 s1, s30  }
0xba: {  	s0 =	sor.u32 s3, s0;
	s1 =	sshll.u32 s1, $0x11  }
0xbb: {  	s0 =	sor.u32 s1, s0  }
0xbc: {  	s0 =	sadd.s32 $0x8F2B, s0  }
0xbd: {  	[sflag:s0] =	ssyncadd.remote.s32 $0x1  }
0xbe: {  	_ =	sfence.sel $0xFFFF  }
0xbf: {  	[dreg:$0x0] =	wrdreg $0xFFFFFFFF;
	(pc) =	sbr.abs _section_cstart, $3  }
0xc0: {  	[dreg:$0x1] =	wrdreg $0xFFFFFFFF  }
0xc1: {  	_ =	task.clear_ibuf [dreg:s6], $0x2FFFF;
	_ =	strace $0x9FFFFFFF  }
0xc2: {  	(tm) =	ssettm $0x7FFFFFFF  }
0xc3: {  	_ =	shalt  }
tec
execute0_lowered:
.L_overlay_start_1:
0x0: {  	(tag) =	ssettag $0x1  }
0x1: {  	s5 =	rddreg [dreg:$0x0]  }
0x2: {  	s2 =	rddreg [dreg:$0x1]  }
0x3: {  	s0 =	rddreg [dreg:$0x2];
	s1 =	stileid.u32  }
0x4: {  	s4 =	srdreg.scid;
	s3 =	simm.s32 $0x0;
	s16 =	simm.s32 $0x4200  }
0x5: {  	s17 =	simm.s32 $0x1;
	s18 =	simm.s32 $0x180;
	s19 =	simm.s32 $0x0  }
0x6: {  	s6 =	smul.u32 $0x13C00, s1;
	s7 =	sand.u32 $0x1, s4;
	[smem:$0x7FF] =	sst s3  }
0x7: {  	s4 =	sadd.s32 $0x53600, s5;
	s10 =	sadd.s32 $0x17C00, s5;
	s25 =	smul.u32 $0x4F000, s1  }
0x8: {  	s11 =	sshll.u32 s1, $0x1;
	s30 =	smul.u32 $0x1400, s1;
	s31 =	sshll.u32 s1, $0x6  }
0x9: {  	s8 =	smul.u32 $0x13C000, s7;
	_ =	strace $0x80000050;
	s26 =	ssub.s32 $0x2, s7  }
0xa: {  	s28 =	sor.u32 s7, s11;
	s15 =	smul.u32 $0xA00, s7;
	s9 =	sshrl.u32 s6, $0x3  }
0xb: {  	s29 =	sshrl.u32 s26, $0x1;
	s13 =	smul.u32 $0xA00, s28;
	s9 =	sadd.s32 s9, s5  }
0xc: {  	s6 =	sadd.s32 s6, s8;
	s8 =	sshrl.u32 s25, $0x2;
	s11 =	ssub.s32 s26, s29  }
0xd: {  	s6 =	sshrl.u32 s6, $0x3;
	s14 =	sadd.s32 s8, s2;
	s7 =	sadd.s32 s10, s13  }
0xe: {  	s10 =	sadd.s32 s30, s10;
	s13 =	simm.s32 $0x80;
	s12 =	sadd.s32 s6, s5  }
0xf: {  	s5 =	sadd.s32 $0x2BE00, s9;
	s6 =	sor.u32 $0x1C02, s31;
	s9 =	smax.u32 s11, $0x1  }
0x10: {  	s10 =	sadd.s32 s15, s10;
	s11 =	sshrl.u32 s14, $0x3;
	s14 =	simm.s32 $0x200  }
0x11: {  	s15 =	simm.s32 $0x100;
	s8 =	sadd.s32 $0xC9E00, s12;
	s12 =	simm.s32 $0x2  }
.LBB2_1:
0x12: {  	[spmem:s11], [sflag:s6] =	dma.local [hbm:s5], $0x2780  }
0x13: {  	_ =	swait.ge [sflag:s12], $0x2780  }
0x14: {  	[sflag:s12] =	ssyncset.done $0x0  }
0x15: {  	[sflag:s12] =	ssyncadd.s32 $0xFFFFD880  }
0x16: {  	[bflag:$0x0] =	sbarrier.arrive $0xFFFF  }
0x17: {  	[tilespmem:s3], [sflag:$0x2] =	stream.linear.gather [hbm4b:s7+s3], $0x100, $0x38;
	[tilespmem:$0x1BE00] =	vst v63  }
0x18: {  	_ =	swait.ge [sflag:s12], $0x100  }
0x19: {  	[sflag:s12] =	ssyncset.done $0x0  }
0x1a: {  	s20 =	sadd.s32 $0xFFFFF600, s10;
	[sflag:s12] =	ssyncadd.s32 $0xFFFFFF00  }
0x1b: {  	[tilespmem:s14], [sflag:$0x1] =	stream.indirect.gather [hbm4b:s4+s13], $0x80, s3, s13, $0xb8;
	[tilespmem:$0x1BE00] =	vst v63  }
0x1c: {  	s21 =	sadd.s32 $0xA20, s20  }
0x1d: {  	[tilespmem:s15], [sflag:$0x2] =	stream.linear.gather [hbm4b:s21+s3], $0x100, $0x38;
	[tilespmem:$0x1BE00] =	vst v63  }
0x1e: {  	_ =	swait.ge [sflag:s12], $0x100  }
0x1f: {  	[sflag:s12] =	ssyncset.done $0x0  }
0x20: {  	[sflag:s12] =	ssyncadd.s32 $0xFFFFFF00  }
0x21: {  	[tilespmem:s16], [sflag:$0x1] =	stream.indirect.gather [hbm4b:s4+s13], $0x80, s15, s13, $0xb8;
	[tilespmem:$0x1BE00] =	vst v63  }
0x22: {  	_ =	swait.ge [sflag:s17], $0x4000  }
0x23: {  	[sflag:s17] =	ssyncset.done $0x0  }
0x24: {  	[sflag:s17] =	ssyncadd.s32 $0xFFFFC000  }
0x25: {  	[spmem:s2] =	stream.indirect.scatter.add.f32 [tilespmem:s14], [sflag:$0x2], $0x80, s13, s13, $0xb8;
	[tilespmem:$0x1BE00] =	vst v63  }
0x26: {  	_ =	swait.ge [sflag:s12], $0x4000  }
0x27: {  	[sflag:s12] =	ssyncset.done $0x0  }
0x28: {  	s20 =	sadd.s32 $0xA40, s20;
	[sflag:s12] =	ssyncadd.s32 $0xFFFFC000  }
0x29: {  	[tilespmem:s3], [sflag:$0x2] =	stream.linear.gather [hbm4b:s20+s3], $0x100, $0x38;
	[tilespmem:$0x1BE00] =	vst v63  }
0x2a: {  	_ =	swait.ge [sflag:s12], $0x100  }
0x2b: {  	[sflag:s12] =	ssyncset.done $0x0  }
0x2c: {  	[sflag:s12] =	ssyncadd.s32 $0xFFFFFF00  }
0x2d: {  	[tilespmem:s14], [sflag:$0x1] =	stream.indirect.gather [hbm4b:s4+s13], $0x80, s3, s13, $0xb8;
	[tilespmem:$0x1BE00] =	vst v63  }
0x2e: {  	_ =	swait.ge [sflag:s17], $0x4000  }
0x2f: {  	[sflag:s17] =	ssyncset.done $0x0  }
0x30: {  	[sflag:s17] =	ssyncadd.s32 $0xFFFFC000  }
0x31: {  	[spmem:s2] =	stream.indirect.scatter.add.f32 [tilespmem:s16], [sflag:$0x2], $0x80, s18, s13, $0xb8;
	[tilespmem:$0x1BE00] =	vst v63  }
0x32: {  	_ =	swait.ge [sflag:s12], $0x4000  }
0x33: {  	s21 =	simm.s32 $0xFFFFF680;
	s20 =	sadd.s32 $0xFFFFF640, s10;
	[sflag:s12] =	ssyncset.done $0x0  }
.LBB2_2:
0x34: {  	s22 =	sadd.s32 $0xA20, s20  }
0x35: {  	[sflag:s12] =	ssyncadd.s32 $0xFFFFC000;
	s23 =	smov.u32 s21;
	s24 =	sadd.s32 $0x40, s21  }
0x36: {  	[tilespmem:s15], [sflag:$0x2] =	stream.linear.gather [hbm4b:s22+s3], $0x100, $0x38;
	[tilespmem:$0x1BE00] =	vst v63  }
0x37: {  	p0 =	sne.s32 s21, $0xFFFFFFC0;
	_ =	swait.ge [sflag:s12], $0x100  }
0x38: {  	[sflag:s12] =	ssyncset.done $0x0  }
0x39: {  	[sflag:s12] =	ssyncadd.s32 $0xFFFFFF00  }
0x3a: {  	[tilespmem:s16], [sflag:$0x1] =	stream.indirect.gather [hbm4b:s4+s13], $0x80, s15, s13, $0xb8;
	[tilespmem:$0x1BE00] =	vst v63  }
0x3b: {  	_ =	swait.ge [sflag:s17], $0x4000  }
0x3c: {  	[sflag:s17] =	ssyncset.done $0x0  }
0x3d: {  	[sflag:s17] =	ssyncadd.s32 $0xFFFFC000  }
0x3e: {  	[spmem:s2] =	stream.indirect.scatter.add.f32 [tilespmem:s14], [sflag:$0x2], $0x80, s13, s13, $0xb8;
	[tilespmem:$0x1BE00] =	vst v63  }
0x3f: {  	_ =	swait.ge [sflag:s12], $0x4000  }
0x40: {  	[sflag:s12] =	ssyncset.done $0x0  }
0x41: {  	s20 =	sadd.s32 $0xA40, s20;
	[sflag:s12] =	ssyncadd.s32 $0xFFFFC000  }
0x42: {  	[tilespmem:s3], [sflag:$0x2] =	stream.linear.gather [hbm4b:s20+s3], $0x100, $0x38;
	[tilespmem:$0x1BE00] =	vst v63  }
0x43: {  	_ =	swait.ge [sflag:s12], $0x100  }
0x44: {  	[sflag:s12] =	ssyncset.done $0x0  }
0x45: {  	[sflag:s12] =	ssyncadd.s32 $0xFFFFFF00  }
0x46: {  	[tilespmem:s14], [sflag:$0x1] =	stream.indirect.gather [hbm4b:s4+s13], $0x80, s3, s13, $0xb8;
	[tilespmem:$0x1BE00] =	vst v63  }
0x47: {  	_ =	swait.ge [sflag:s17], $0x4000  }
.Ltmp0:
0x48: {  	[sflag:s17] =	ssyncset.done $0x0;
	(pc) =	sbr.rel @p0 .LBB2_2-.Ltmp0, $4  }
0x49: {  	[sflag:s17] =	ssyncadd.s32 $0xFFFFC000  }
0x4a: {  	[spmem:s2] =	stream.indirect.scatter.add.f32 [tilespmem:s16], [sflag:$0x2], $0x80, s18, s13, $0xb8;
	[tilespmem:$0x1BE00] =	vst v63  }
0x4b: {  	_ =	swait.ge [sflag:s12], $0x4000  }
0x4c: {  	s21 =	smov.u32 s24;
	s20 =	sadd.s32 s23, s10;
	[sflag:s12] =	ssyncset.done $0x0  }
0x4d: {  	s21 =	sadd.s32 $0xA20, s20;
	[sflag:s12] =	ssyncadd.s32 $0xFFFFC000  }
0x4e: {  	[tilespmem:s15], [sflag:$0x2] =	stream.linear.gather [hbm4b:s21+s3], $0x100, $0x38;
	[tilespmem:$0x1BE00] =	vst v63  }
0x4f: {  	_ =	swait.ge [sflag:s12], $0x100  }
0x50: {  	[sflag:s12] =	ssyncset.done $0x0  }
0x51: {  	[sflag:s12] =	ssyncadd.s32 $0xFFFFFF00  }
0x52: {  	[tilespmem:s16], [sflag:$0x1] =	stream.indirect.gather [hbm4b:s4+s13], $0x80, s15, s13, $0xb8;
	[tilespmem:$0x1BE00] =	vst v63  }
0x53: {  	_ =	swait.ge [sflag:s17], $0x4000  }
0x54: {  	[sflag:s17] =	ssyncset.done $0x0  }
0x55: {  	[sflag:s17] =	ssyncadd.s32 $0xFFFFC000  }
0x56: {  	[spmem:s2] =	stream.indirect.scatter.add.f32 [tilespmem:s14], [sflag:$0x2], $0x80, s13, s13, $0xb8;
	[tilespmem:$0x1BE00] =	vst v63  }
0x57: {  	_ =	swait.ge [sflag:s12], $0x4000  }
0x58: {  	[sflag:s12] =	ssyncset.done $0x0  }
0x59: {  	s31 =	sadd.s32 $0xA40, s20;
	[sflag:s12] =	ssyncadd.s32 $0xFFFFC000  }
0x5a: {  	[tilespmem:s3], [sflag:$0x2] =	stream.linear.gather [hbm4b:s31+s3], $0x100, $0x38;
	[tilespmem:$0x1BE00] =	vst v63  }
0x5b: {  	_ =	swait.ge [sflag:s12], $0x100  }
0x5c: {  	[sflag:s12] =	ssyncset.done $0x0  }
0x5d: {  	[sflag:s12] =	ssyncadd.s32 $0xFFFFFF00  }
0x5e: {  	[tilespmem:s14], [sflag:$0x1] =	stream.indirect.gather [hbm4b:s4+s13], $0x80, s3, s13, $0xb8;
	[tilespmem:$0x1BE00] =	vst v63  }
0x5f: {  	_ =	swait.ge [sflag:s17], $0x4000  }
0x60: {  	[sflag:s17] =	ssyncset.done $0x0  }
0x61: {  	[sflag:s17] =	ssyncadd.s32 $0xFFFFC000  }
0x62: {  	[spmem:s2] =	stream.indirect.scatter.add.f32 [tilespmem:s16], [sflag:$0x2], $0x80, s18, s13, $0xb8;
	[tilespmem:$0x1BE00] =	vst v63  }
0x63: {  	_ =	swait.ge [sflag:s12], $0x4000  }
0x64: {  	[sflag:s12] =	ssyncset.done $0x0  }
0x65: {  	[sflag:s12] =	ssyncadd.s32 $0xFFFFC000  }
0x66: {  	_ =	swait.ge [sflag:s17], $0x4000  }
0x67: {  	s19 =	sadd.s32 $0x1, s19;
	[sflag:s17] =	ssyncset.done $0x0  }
0x68: {  	p0 =	sne.s32 s19, s9;
	[sflag:s17] =	ssyncadd.s32 $0xFFFFC000  }
.Ltmp1:
0x69: {  	[bflag:$0x0] =	sbarrier.arrive $0xFFFF;
	(pc) =	sbr.rel @p0 .LBB2_1-.Ltmp1, $4  }
0x6a: {  	[hbm:s8], [sflag:s6] =	dma.local [spmem:s11], $0x2780  }
0x6b: {  	_ =	swait.ge [sflag:s12], $0x2780  }
0x6c: {  	[sflag:s12] =	ssyncset.done $0x0  }
0x6d: {  	[sflag:s12] =	ssyncadd.s32 $0xFFFFD880  }
0x6e: {  	_ =	sfence.sel $0x180000  }
0x6f: {  	[bflag:$0x0] =	sbarrier.arrive $0xFFFF  }
0x70: {  	p0 =	sne.s32 s1, $0x0;
	_ =	strace $0x90000050  }
0x71: {  	s0 =	sadd.s32 @!p0 $0x100000, s0;
	[bflag:$0x2] =	sbarrier.arrive $0xFFFF  }
0x72: {  	[sflag:s0] =	ssyncadd.tile.s32 @!p0 $0x1;
	_ =	shalt  }
.Lfunc_end2:
_tile_overlayer_lowered:
.L_overlay_start_2:
0x73: {  	(tag) =	ssettag $0x2  }
0x74: {  	s0 =	rddreg [dreg:$0x0];
	s2 =	stileid.u32  }
0x75: {  	s1 =	rddreg [dreg:$0x1];
	p0 =	sne.s32 s2, $0x0  }
0x76: {  	s3 =	rddreg [dreg:$0x2];
	[bflag:$0x3] =	sbarrier.arrive $0xFFFF;
	s2 =	simm.s32 @!p0 $0x1C02  }
0x77: {  	[timem:s3], [sflag:s2] =	dma.local @!p0 [hbm:s0], s1  }
0x78: {  	s0 =	simm.s32 @!p0 $0x2  }
0x79: {  	_ =	swait.ge @!p0 [sflag:s0], s1  }
0x7a: {  	s1 =	ssub.s32 @!p0 $0x0, s1;
	[sflag:s0] =	ssyncset.done @!p0 $0x0  }
0x7b: {  	[sflag:s0] =	ssyncadd.s32 @!p0 s1  }
0x7c: {  	[bflag:$0x3] =	sbarrier.arrive $0xFFFF  }
0x7d: {  	_ =	shalt  }

// kernel: kernel.23.cloned.1.call-start
scs
__scs_entry_jumppad:
0x0: {  	(pc) =	sbr.rel $0x88, $3  }
0x1: {  	(tag) =	ssettag $0x0;
	lr =	simm.s32 $0x1  }
0x2: {  	[smem:$0x3F94] =	sst lr;
	_ =	strace $0xD0000000  }
0x3: {  	_ = 	snop  }
0x4: {  	_ = 	snop  }
0x5: {  	_ = 	snop  }
0x6: {  	_ = 	snop  }
0x7: {  	_ = 	snop  }
__scs_overlays_trampoline_lowered:
0x8: {  	[smem:$0x3FA3] =	sst s0  }
0x9: {  	[smem:$0x3FA4] =	sst s1  }
0xa: {  	[smem:$0x3FA5] =	sst s2  }
0xb: {  	[smem:$0x3FA6] =	sst s3  }
0xc: {  	[smem:$0x3FA7] =	sst s4  }
0xd: {  	[smem:$0x3FA8] =	sst s5  }
0xe: {  	[smem:$0x3FA9] =	sst s6  }
0xf: {  	[smem:$0x3FAA] =	sst s7  }
0x10: {  	[smem:$0x3FAB] =	sst s8  }
0x11: {  	[smem:$0x3FAC] =	sst s9;
	s0 =	simm.s32 @!p0 $0x0  }
0x12: {  	s1 =	sld [smem:$0x3F92];
	s0 =	simm.s32 @p0 $0x1  }
0x13: {  	[smem:$0x3FAD] =	sst s0;
	s0 =	simm.s32 @!p1 $0x0  }
0x14: {  	s2 =	sld [smem:$0x3F91];
	s0 =	simm.s32 @p1 $0x1  }
0x15: {  	[smem:$0x3FAE] =	sst s0;
	s0 =	simm.s32 @!p2 $0x0  }
0x16: {  	s3 =	sld [smem:$0x3FDB];
	s0 =	simm.s32 @p2 $0x1  }
0x17: {  	s4 =	simm.s32 $0x1BF5;
	[smem:$0x3FB0] =	sst s0  }
0x18: {  	s0 =	sld [smem:$0x3F93];
	_ =	swait.ge [sflag:s4], $0x0  }
0x19: {  	s7 =	sld [smem:$0x3F94]  }
0x1a: {  	s8 =	sadd.s32 $0xFFFFE003, lr  }
0x1b: {  	s9 =	sadd.s32 $0xFFFFFEF7, lr;
	s5 =	simm.s32 $0xFFFFFFFF;
	p2 =	slt.u32 s8, $0xFFFFF086  }
0x1c: {  	p1 =	slt.u32 s9, $0xF7A;
	s5 =	simm.s32 @!p2 $0x0  }
0x1d: {  	s5 =	simm.s32 @p1 $0x1;
	p0 =	seq.s32 s7, s2  }
0x1e: {  	s7 =	smul.u32 @!p0 $0xF7A, s2;
	p2 =	seq.s32 @!p0 s5, $0x0  }
0x1f: {  	s9 =	smul.u32 $0xF7A, s1;
	s8 =	simm.s32 @!p0 $0x1BF5;
	p2 =	por !p2, p0  }
0x20: {  	[sflag:s8] =	ssyncset.s32 @!p0 $0xFFFFF086;
	s6 =	sadd.s32 @!p0 s3, s7;
	s7 =	simm.s32 @!p0 $0x108  }
0x21: {  	s3 =	sadd.s32 s3, s9;
	s6 =	sadd.s32 @!p0 $0x88, s6;
	s7 =	simm.s32 @p2 $0x1082  }
0x22: {  	[simem:s7], [sflag:s8] =	dma.local @!p0 [hbm:s6], $0xF7A  }
0x23: {  	s9 =	sor.u32 $0xD0000000, s2;
	s6 =	simm.s32 $0x108;
	_ =	swait.ge @!p0 [sflag:s8], $0x0  }
0x24: {  	s3 =	sadd.s32 $0x88, s3;
	s6 =	simm.s32 @!p1 $0x1082;
	[sflag:s4] =	ssyncset.s32 $0xFFFFF086  }
0x25: {  	[simem:s6], [sflag:s4] =	dma.local [hbm:s3], $0xF7A  }
0x26: {  	[smem:$0x3F94] =	sst s1;
	(tag) =	ssettag s2;
	_ =	strace s9  }
0x27: {  	s1 =	sld [smem:$0x3FA4]  }
0x28: {  	s2 =	sld [smem:$0x3FA5]  }
0x29: {  	s4 =	sld [smem:$0x3FA7]  }
0x2a: {  	p0 =	seq.s32 s5, $0x0;
	s5 =	sld [smem:$0x3FA8]  }
0x2b: {  	s6 =	sld [smem:$0x3FA9]  }
0x2c: {  	s7 =	sld [smem:$0x3FAA]  }
0x2d: {  	s3 =	simm.s32 $0x108;
	s8 =	sld [smem:$0x3FAB]  }
0x2e: {  	s3 =	simm.s32 @!p0 $0x1082;
	s9 =	sld [smem:$0x3FAC]  }
0x2f: {  	lr =	sadd.s32 s0, s3;
	s0 =	sld [smem:$0x3FA3]  }
0x30: {  	s3 =	sld [smem:$0x3FA6]  }
0x31: {  	[smem:$0x3FAF] =	sst s10  }
0x32: {  	s10 =	sld [smem:$0x3FAD];
	_ =	sdelay $0x3  }
0x33: {  	p0 =	seq.s32 s10, $0x1;
	s10 =	sld [smem:$0x3FAF];
	_ =	sdelay $0x3  }
0x34: {  	[smem:$0x3FAF] =	sst s10  }
0x35: {  	s10 =	sld [smem:$0x3FAE];
	_ =	sdelay $0x3  }
0x36: {  	p1 =	seq.s32 s10, $0x1;
	s10 =	sld [smem:$0x3FAF];
	_ =	sdelay $0x3  }
0x37: {  	[smem:$0x3FAF] =	sst s10  }
0x38: {  	s10 =	sld [smem:$0x3FB0]  }
0x39: {  	_ = 	snop;
	(pc) =	sbr.ind lr, $3  }
0x3a: {  	_ = 	snop  }
0x3b: {  	_ = 	snop  }
0x3c: {  	p2 =	seq.s32 s10, $0x1;
	s10 =	sld [smem:$0x3FAF]  }
0x3d: {  	_ =	shalt  }
0x3e: {  	_ =	shalt  }
0x3f: {  	_ =	shalt  }
0x40: {  	_ =	shalt  }
0x41: {  	_ =	shalt  }
0x42: {  	_ =	shalt  }
0x43: {  	_ =	shalt  }
0x44: {  	_ =	shalt  }
0x45: {  	_ =	shalt  }
0x46: {  	_ =	shalt  }
0x47: {  	_ =	shalt  }
0x48: {  	_ =	shalt  }
0x49: {  	_ =	shalt  }
0x4a: {  	_ =	shalt  }
0x4b: {  	_ =	shalt  }
0x4c: {  	_ =	shalt  }
0x4d: {  	_ =	shalt  }
0x4e: {  	_ =	shalt  }
0x4f: {  	_ =	shalt  }
0x50: {  	_ =	shalt  }
0x51: {  	_ =	shalt  }
0x52: {  	_ =	shalt  }
0x53: {  	_ =	shalt  }
0x54: {  	_ =	shalt  }
0x55: {  	_ =	shalt  }
0x56: {  	_ =	shalt  }
0x57: {  	_ =	shalt  }
0x58: {  	_ =	shalt  }
0x59: {  	_ =	shalt  }
0x5a: {  	_ =	shalt  }
0x5b: {  	_ =	shalt  }
0x5c: {  	_ =	shalt  }
0x5d: {  	_ =	shalt  }
0x5e: {  	_ =	shalt  }
0x5f: {  	_ =	shalt  }
0x60: {  	_ =	shalt  }
0x61: {  	_ =	shalt  }
0x62: {  	_ =	shalt  }
0x63: {  	_ =	shalt  }
0x64: {  	_ =	shalt  }
0x65: {  	_ =	shalt  }
0x66: {  	_ =	shalt  }
0x67: {  	_ =	shalt  }
0x68: {  	_ =	shalt  }
0x69: {  	_ =	shalt  }
0x6a: {  	_ =	shalt  }
0x6b: {  	_ =	shalt  }
0x6c: {  	_ =	shalt  }
0x6d: {  	_ =	shalt  }
0x6e: {  	_ =	shalt  }
0x6f: {  	_ =	shalt  }
0x70: {  	_ =	shalt  }
0x71: {  	_ =	shalt  }
0x72: {  	_ =	shalt  }
0x73: {  	_ =	shalt  }
0x74: {  	_ =	shalt  }
0x75: {  	_ =	shalt  }
0x76: {  	_ =	shalt  }
0x77: {  	_ =	shalt  }
0x78: {  	_ =	shalt  }
0x79: {  	_ =	shalt  }
0x7a: {  	_ =	shalt  }
0x7b: {  	_ =	shalt  }
0x7c: {  	_ =	shalt  }
0x7d: {  	_ =	shalt  }
0x7e: {  	_ =	shalt  }
0x7f: {  	_ =	shalt  }
0x80: {  	_ =	shalt  }
0x81: {  	_ =	shalt  }
0x82: {  	_ =	shalt  }
0x83: {  	_ =	shalt  }
0x84: {  	_ =	shalt  }
0x85: {  	_ =	shalt  }
0x86: {  	_ =	shalt  }
0x87: {  	_ =	shalt  }
.Lfunc_end0:
.L_simem_size_0:
called_computation.4_lowered:
.L_overlay_start_0:
0x88: {  	s2 =	sld [smem:$0x3FD9]  }
0x89: {  	s3 =	sld [smem:$0x3FFE];
	_ =	sdelay $0x1  }
0x8a: {  	s1 =	srdreg.scid  }
0x8b: {  	s0 =	sand.u32 $0x1, s1  }
0x8c: {  	s16 =	sshll.u32 s0, $0xA;
	s2 =	sadd.s32 s3, s2  }
0x8d: {  	s2 =	sadd.s32 s2, s16  }
0x8e: {  	[smem:$0x3FBB] =	sst s2  }
0x8f: {  	_ = 	snop  }
0x90: {  	(tm) =	ssettm $0x1  }
0x91: {  	s17 =	sld [smem:$0x3FFB];
	_ =	sdelay $0x3  }
0x92: {  	_ =	strace s17  }
0x93: {  	s2 =	sld [smem:$0x3FFC];
	_ =	sdelay $0x3  }
0x94: {  	_ =	strace s2  }
0x95: {  	s2 =	sld [smem:$0x3FFD];
	_ =	sdelay $0x3  }
0x96: {  	_ =	strace s2  }
0x97: {  	_ =	strace $0x8FFFFFFF  }
0x98: {  	s18 =	sld [smem:$0x3FDB];
	_ =	sdelay $0x1  }
0x99: {  	s19 =	simm.s32 $_scs_section_size  }
0x9a: {  	s4 =	simm.s32 $_size__tile_overlayer_lowered;
	s5 =	simm.s32 $_tile_overlayer_lowered  }
0x9b: {  	s22 =	simm.s32 $0x1BFF;
	s21 =	sshll.u32 s5, $0x1;
	s2 =	sadd.s32 s19, s18  }
0x9c: {  	s6 =	simm.s32 $0x0;
	s20 =	sshll.u32 s4, $0x1;
	s4 =	sadd.s32 s21, s2  }
0x9d: {  	[timem:s6], [sflag:s22] =	dma.local [hbm:s4], s20  }
0x9e: {  	_ =	swait.ge [sflag:s22], s20  }
0x9f: {  	s3 =	ssub.s32 $0x0, s20;
	[sflag:s22] =	ssyncset.done $0x0  }
0xa0: {  	[sflag:s22] =	ssyncadd.s32 s3;
	_ =	sdelay $0x1  }
0xa1: {  	s23 =	simm.s32 $0x1B8B  }
0xa2: {  	_ =	swait.ge [sflag:s23], $0x1  }
0xa3: {  	[sflag:s23] =	ssyncset.done $0x0  }
0xa4: {  	s25 =	simm.s32 $0x1B8E;
	s24 =	sld [smem:$0x3FFE];
	[sflag:s23] =	ssyncadd.s32 $0xFFFFFFFF  }
0xa5: {  	s26 =	simm.s32 $execute0_lowered;
	[smem:$0x3FD2] =	sst s25  }
0xa6: {  	s4 =	sshll.u32 s26, $0x1;
	_ =	strace $0x80000052;
	[dreg:$0x1] =	wrdreg $0xFFFFFFFF  }
0xa7: {  	s28 =	simm.s32 $_size_execute0_lowered;
	s2 =	sadd.s32 s2, s4;
	[dreg:$0x0] =	wrdreg $0x0  }
0xa8: {  	s4 =	sshll.u32 s28, $0x1;
	[dreg:$0x2] =	wrdreg s2  }
0xa9: {  	[dreg:$0x3] =	wrdreg s4  }
0xaa: {  	[dreg:$0x4] =	wrdreg $0xC0  }
0xab: {  	_ =	task [dreg:s6], $0x5FFFF  }
0xac: {  	[dreg:$0x1] =	wrdreg $0xFFFFFFFF  }
0xad: {  	[dreg:$0x0] =	wrdreg $0x60  }
0xae: {  	[dreg:$0x2] =	wrdreg s24  }
0xaf: {  	[dreg:$0x3] =	wrdreg $0x82000  }
0xb0: {  	[dreg:$0x4] =	wrdreg $0x9  }
0xb1: {  	_ =	task.clear_ibuf [dreg:s6], $0x5FFFF;
	_ =	strace $0x90000052  }
0xb2: {  	s29 =	simm.s32 $0x9;
	_ =	strace $0x80000054  }
0xb3: {  	_ =	swait.ge [sflag:s29], $0x1  }
0xb4: {  	[sflag:s29] =	ssyncadd.s32 $0xFFFFFFFF  }
0xb5: {  	_ =	strace $0x90000054  }
0xb6: {  	_ =	sfence  }
0xb7: {  	s30 =	sld [smem:$0x0];
	_ =	sdelay $0x2  }
0xb8: {  	s31 =	sshll.u32 s1, $0xD;
	s1 =	sshrl.u32 s1, $0x2  }
0xb9: {  	s3 =	sand.u32 $0x4000, s31;
	s1 =	sadd.s32 s1, s30  }
0xba: {  	s0 =	sor.u32 s3, s0;
	s1 =	sshll.u32 s1, $0x11  }
0xbb: {  	s0 =	sor.u32 s1, s0  }
0xbc: {  	s0 =	sadd.s32 $0x8F2B, s0  }
0xbd: {  	[sflag:s0] =	ssyncadd.remote.s32 $0x1  }
0xbe: {  	_ =	sfence.sel $0xFFFF  }
0xbf: {  	[dreg:$0x0] =	wrdreg $0xFFFFFFFF;
	(pc) =	sbr.abs _section_cstart, $3  }
0xc0: {  	[dreg:$0x1] =	wrdreg $0xFFFFFFFF  }
0xc1: {  	_ =	task.clear_ibuf [dreg:s6], $0x2FFFF;
	_ =	strace $0x9FFFFFFF  }
0xc2: {  	(tm) =	ssettm $0x7FFFFFFF  }
0xc3: {  	_ =	shalt  }
tec
execute0_lowered:
.L_overlay_start_1:
0x0: {  	(tag) =	ssettag $0x1  }
0x1: {  	s5 =	rddreg [dreg:$0x0]  }
0x2: {  	s2 =	rddreg [dreg:$0x1]  }
0x3: {  	s0 =	rddreg [dreg:$0x2];
	s1 =	stileid.u32  }
0x4: {  	s4 =	srdreg.scid;
	s3 =	simm.s32 $0x0;
	s16 =	simm.s32 $0x4200  }
0x5: {  	s17 =	simm.s32 $0x1;
	s18 =	simm.s32 $0x180;
	s19 =	simm.s32 $0x0  }
0x6: {  	s6 =	smul.u32 $0x13C00, s1;
	s7 =	sand.u32 $0x1, s4;
	[smem:$0x7FF] =	sst s3  }
0x7: {  	s4 =	sadd.s32 $0x53600, s5;
	s10 =	sadd.s32 $0x17C00, s5;
	s25 =	smul.u32 $0x4F000, s1  }
0x8: {  	s11 =	sshll.u32 s1, $0x1;
	s30 =	smul.u32 $0x1400, s1;
	s31 =	sshll.u32 s1, $0x6  }
0x9: {  	s8 =	smul.u32 $0x13C000, s7;
	_ =	strace $0x80000053;
	s26 =	ssub.s32 $0x2, s7  }
0xa: {  	s28 =	sor.u32 s7, s11;
	s15 =	smul.u32 $0xA00, s7;
	s9 =	sshrl.u32 s6, $0x3  }
0xb: {  	s29 =	sshrl.u32 s26, $0x1;
	s13 =	smul.u32 $0xA00, s28;
	s9 =	sadd.s32 s9, s5  }
0xc: {  	s6 =	sadd.s32 s6, s8;
	s8 =	sshrl.u32 s25, $0x2;
	s11 =	ssub.s32 s26, s29  }
0xd: {  	s6 =	sshrl.u32 s6, $0x3;
	s14 =	sadd.s32 s8, s2;
	s7 =	sadd.s32 s10, s13  }
0xe: {  	s10 =	sadd.s32 s30, s10;
	s13 =	simm.s32 $0x80;
	s12 =	sadd.s32 s6, s5  }
0xf: {  	s5 =	sadd.s32 $0x2BE00, s9;
	s6 =	sor.u32 $0x1C02, s31;
	s9 =	smax.u32 s11, $0x1  }
0x10: {  	s10 =	sadd.s32 s15, s10;
	s11 =	sshrl.u32 s14, $0x3;
	s14 =	simm.s32 $0x200  }
0x11: {  	s15 =	simm.s32 $0x100;
	s8 =	sadd.s32 $0xC9E00, s12;
	s12 =	simm.s32 $0x2  }
.LBB2_1:
0x12: {  	[spmem:s11], [sflag:s6] =	dma.local [hbm:s5], $0x2780  }
0x13: {  	_ =	swait.ge [sflag:s12], $0x2780  }
0x14: {  	[sflag:s12] =	ssyncset.done $0x0  }
0x15: {  	[sflag:s12] =	ssyncadd.s32 $0xFFFFD880  }
0x16: {  	[bflag:$0x0] =	sbarrier.arrive $0xFFFF  }
0x17: {  	[tilespmem:s3], [sflag:$0x2] =	stream.linear.gather [hbm4b:s7+s3], $0x100, $0x38;
	[tilespmem:$0x1BE00] =	vst v63  }
0x18: {  	_ =	swait.ge [sflag:s12], $0x100  }
0x19: {  	[sflag:s12] =	ssyncset.done $0x0  }
0x1a: {  	s20 =	sadd.s32 $0xFFFFF600, s10;
	[sflag:s12] =	ssyncadd.s32 $0xFFFFFF00  }
0x1b: {  	[tilespmem:s14], [sflag:$0x1] =	stream.indirect.gather [hbm4b:s4+s13], $0x80, s3, s13, $0xb8;
	[tilespmem:$0x1BE00] =	vst v63  }
0x1c: {  	s21 =	sadd.s32 $0xA20, s20  }
0x1d: {  	[tilespmem:s15], [sflag:$0x2] =	stream.linear.gather [hbm4b:s21+s3], $0x100, $0x38;
	[tilespmem:$0x1BE00] =	vst v63  }
0x1e: {  	_ =	swait.ge [sflag:s12], $0x100  }
0x1f: {  	[sflag:s12] =	ssyncset.done $0x0  }
0x20: {  	[sflag:s12] =	ssyncadd.s32 $0xFFFFFF00  }
0x21: {  	[tilespmem:s16], [sflag:$0x1] =	stream.indirect.gather [hbm4b:s4+s13], $0x80, s15, s13, $0xb8;
	[tilespmem:$0x1BE00] =	vst v63  }
0x22: {  	_ =	swait.ge [sflag:s17], $0x4000  }
0x23: {  	[sflag:s17] =	ssyncset.done $0x0  }
0x24: {  	[sflag:s17] =	ssyncadd.s32 $0xFFFFC000  }
0x25: {  	[spmem:s2] =	stream.indirect.scatter.add.f32 [tilespmem:s14], [sflag:$0x2], $0x80, s13, s13, $0xb8;
	[tilespmem:$0x1BE00] =	vst v63  }
0x26: {  	_ =	swait.ge [sflag:s12], $0x4000  }
0x27: {  	[sflag:s12] =	ssyncset.done $0x0  }
0x28: {  	s20 =	sadd.s32 $0xA40, s20;
	[sflag:s12] =	ssyncadd.s32 $0xFFFFC000  }
0x29: {  	[tilespmem:s3], [sflag:$0x2] =	stream.linear.gather [hbm4b:s20+s3], $0x100, $0x38;
	[tilespmem:$0x1BE00] =	vst v63  }
0x2a: {  	_ =	swait.ge [sflag:s12], $0x100  }
0x2b: {  	[sflag:s12] =	ssyncset.done $0x0  }
0x2c: {  	[sflag:s12] =	ssyncadd.s32 $0xFFFFFF00  }
0x2d: {  	[tilespmem:s14], [sflag:$0x1] =	stream.indirect.gather [hbm4b:s4+s13], $0x80, s3, s13, $0xb8;
	[tilespmem:$0x1BE00] =	vst v63  }
0x2e: {  	_ =	swait.ge [sflag:s17], $0x4000  }
0x2f: {  	[sflag:s17] =	ssyncset.done $0x0  }
0x30: {  	[sflag:s17] =	ssyncadd.s32 $0xFFFFC000  }
0x31: {  	[spmem:s2] =	stream.indirect.scatter.add.f32 [tilespmem:s16], [sflag:$0x2], $0x80, s18, s13, $0xb8;
	[tilespmem:$0x1BE00] =	vst v63  }
0x32: {  	_ =	swait.ge [sflag:s12], $0x4000  }
0x33: {  	s21 =	simm.s32 $0xFFFFF680;
	s20 =	sadd.s32 $0xFFFFF640, s10;
	[sflag:s12] =	ssyncset.done $0x0  }
.LBB2_2:
0x34: {  	s22 =	sadd.s32 $0xA20, s20  }
0x35: {  	[sflag:s12] =	ssyncadd.s32 $0xFFFFC000;
	s23 =	smov.u32 s21;
	s24 =	sadd.s32 $0x40, s21  }
0x36: {  	[tilespmem:s15], [sflag:$0x2] =	stream.linear.gather [hbm4b:s22+s3], $0x100, $0x38;
	[tilespmem:$0x1BE00] =	vst v63  }
0x37: {  	p0 =	sne.s32 s21, $0xFFFFFFC0;
	_ =	swait.ge [sflag:s12], $0x100  }
0x38: {  	[sflag:s12] =	ssyncset.done $0x0  }
0x39: {  	[sflag:s12] =	ssyncadd.s32 $0xFFFFFF00  }
0x3a: {  	[tilespmem:s16], [sflag:$0x1] =	stream.indirect.gather [hbm4b:s4+s13], $0x80, s15, s13, $0xb8;
	[tilespmem:$0x1BE00] =	vst v63  }
0x3b: {  	_ =	swait.ge [sflag:s17], $0x4000  }
0x3c: {  	[sflag:s17] =	ssyncset.done $0x0  }
0x3d: {  	[sflag:s17] =	ssyncadd.s32 $0xFFFFC000  }
0x3e: {  	[spmem:s2] =	stream.indirect.scatter.add.f32 [tilespmem:s14], [sflag:$0x2], $0x80, s13, s13, $0xb8;
	[tilespmem:$0x1BE00] =	vst v63  }
0x3f: {  	_ =	swait.ge [sflag:s12], $0x4000  }
0x40: {  	[sflag:s12] =	ssyncset.done $0x0  }
0x41: {  	s20 =	sadd.s32 $0xA40, s20;
	[sflag:s12] =	ssyncadd.s32 $0xFFFFC000  }
0x42: {  	[tilespmem:s3], [sflag:$0x2] =	stream.linear.gather [hbm4b:s20+s3], $0x100, $0x38;
	[tilespmem:$0x1BE00] =	vst v63  }
0x43: {  	_ =	swait.ge [sflag:s12], $0x100  }
0x44: {  	[sflag:s12] =	ssyncset.done $0x0  }
0x45: {  	[sflag:s12] =	ssyncadd.s32 $0xFFFFFF00  }
0x46: {  	[tilespmem:s14], [sflag:$0x1] =	stream.indirect.gather [hbm4b:s4+s13], $0x80, s3, s13, $0xb8;
	[tilespmem:$0x1BE00] =	vst v63  }
0x47: {  	_ =	swait.ge [sflag:s17], $0x4000  }
.Ltmp0:
0x48: {  	[sflag:s17] =	ssyncset.done $0x0;
	(pc) =	sbr.rel @p0 .LBB2_2-.Ltmp0, $4  }
0x49: {  	[sflag:s17] =	ssyncadd.s32 $0xFFFFC000  }
0x4a: {  	[spmem:s2] =	stream.indirect.scatter.add.f32 [tilespmem:s16], [sflag:$0x2], $0x80, s18, s13, $0xb8;
	[tilespmem:$0x1BE00] =	vst v63  }
0x4b: {  	_ =	swait.ge [sflag:s12], $0x4000  }
0x4c: {  	s21 =	smov.u32 s24;
	s20 =	sadd.s32 s23, s10;
	[sflag:s12] =	ssyncset.done $0x0  }
0x4d: {  	s21 =	sadd.s32 $0xA20, s20;
	[sflag:s12] =	ssyncadd.s32 $0xFFFFC000  }
0x4e: {  	[tilespmem:s15], [sflag:$0x2] =	stream.linear.gather [hbm4b:s21+s3], $0x100, $0x38;
	[tilespmem:$0x1BE00] =	vst v63  }
0x4f: {  	_ =	swait.ge [sflag:s12], $0x100  }
0x50: {  	[sflag:s12] =	ssyncset.done $0x0  }
0x51: {  	[sflag:s12] =	ssyncadd.s32 $0xFFFFFF00  }
0x52: {  	[tilespmem:s16], [sflag:$0x1] =	stream.indirect.gather [hbm4b:s4+s13], $0x80, s15, s13, $0xb8;
	[tilespmem:$0x1BE00] =	vst v63  }
0x53: {  	_ =	swait.ge [sflag:s17], $0x4000  }
0x54: {  	[sflag:s17] =	ssyncset.done $0x0  }
0x55: {  	[sflag:s17] =	ssyncadd.s32 $0xFFFFC000  }
0x56: {  	[spmem:s2] =	stream.indirect.scatter.add.f32 [tilespmem:s14], [sflag:$0x2], $0x80, s13, s13, $0xb8;
	[tilespmem:$0x1BE00] =	vst v63  }
0x57: {  	_ =	swait.ge [sflag:s12], $0x4000  }
0x58: {  	[sflag:s12] =	ssyncset.done $0x0  }
0x59: {  	s31 =	sadd.s32 $0xA40, s20;
	[sflag:s12] =	ssyncadd.s32 $0xFFFFC000  }
0x5a: {  	[tilespmem:s3], [sflag:$0x2] =	stream.linear.gather [hbm4b:s31+s3], $0x100, $0x38;
	[tilespmem:$0x1BE00] =	vst v63  }
0x5b: {  	_ =	swait.ge [sflag:s12], $0x100  }
0x5c: {  	[sflag:s12] =	ssyncset.done $0x0  }
0x5d: {  	[sflag:s12] =	ssyncadd.s32 $0xFFFFFF00  }
0x5e: {  	[tilespmem:s14], [sflag:$0x1] =	stream.indirect.gather [hbm4b:s4+s13], $0x80, s3, s13, $0xb8;
	[tilespmem:$0x1BE00] =	vst v63  }
0x5f: {  	_ =	swait.ge [sflag:s17], $0x4000  }
0x60: {  	[sflag:s17] =	ssyncset.done $0x0  }
0x61: {  	[sflag:s17] =	ssyncadd.s32 $0xFFFFC000  }
0x62: {  	[spmem:s2] =	stream.indirect.scatter.add.f32 [tilespmem:s16], [sflag:$0x2], $0x80, s18, s13, $0xb8;
	[tilespmem:$0x1BE00] =	vst v63  }
0x63: {  	_ =	swait.ge [sflag:s12], $0x4000  }
0x64: {  	[sflag:s12] =	ssyncset.done $0x0  }
0x65: {  	[sflag:s12] =	ssyncadd.s32 $0xFFFFC000  }
0x66: {  	_ =	swait.ge [sflag:s17], $0x4000  }
0x67: {  	s19 =	sadd.s32 $0x1, s19;
	[sflag:s17] =	ssyncset.done $0x0  }
0x68: {  	p0 =	sne.s32 s19, s9;
	[sflag:s17] =	ssyncadd.s32 $0xFFFFC000  }
.Ltmp1:
0x69: {  	[bflag:$0x0] =	sbarrier.arrive $0xFFFF;
	(pc) =	sbr.rel @p0 .LBB2_1-.Ltmp1, $4  }
0x6a: {  	[hbm:s8], [sflag:s6] =	dma.local [spmem:s11], $0x2780  }
0x6b: {  	_ =	swait.ge [sflag:s12], $0x2780  }
0x6c: {  	[sflag:s12] =	ssyncset.done $0x0  }
0x6d: {  	[sflag:s12] =	ssyncadd.s32 $0xFFFFD880  }
0x6e: {  	_ =	sfence.sel $0x180000  }
0x6f: {  	[bflag:$0x0] =	sbarrier.arrive $0xFFFF  }
0x70: {  	p0 =	sne.s32 s1, $0x0;
	_ =	strace $0x90000053  }
0x71: {  	s0 =	sadd.s32 @!p0 $0x100000, s0;
	[bflag:$0x2] =	sbarrier.arrive $0xFFFF  }
0x72: {  	[sflag:s0] =	ssyncadd.tile.s32 @!p0 $0x1;
	_ =	shalt  }
.Lfunc_end2:
_tile_overlayer_lowered:
.L_overlay_start_2:
0x73: {  	(tag) =	ssettag $0x2  }
0x74: {  	s0 =	rddreg [dreg:$0x0];
	s2 =	stileid.u32  }
0x75: {  	s1 =	rddreg [dreg:$0x1];
	p0 =	sne.s32 s2, $0x0  }
0x76: {  	s3 =	rddreg [dreg:$0x2];
	[bflag:$0x3] =	sbarrier.arrive $0xFFFF;
	s2 =	simm.s32 @!p0 $0x1C02  }
0x77: {  	[timem:s3], [sflag:s2] =	dma.local @!p0 [hbm:s0], s1  }
0x78: {  	s0 =	simm.s32 @!p0 $0x2  }
0x79: {  	_ =	swait.ge @!p0 [sflag:s0], s1  }
0x7a: {  	s1 =	ssub.s32 @!p0 $0x0, s1;
	[sflag:s0] =	ssyncset.done @!p0 $0x0  }
0x7b: {  	[sflag:s0] =	ssyncadd.s32 @!p0 s1  }
0x7c: {  	[bflag:$0x3] =	sbarrier.arrive $0xFFFF  }
0x7d: {  	_ =	shalt  }

</sc_bundles>
